<compile_context>
chip_gen: v7x
topology: tpu7x:2x2x1
jax: 0.10.2.dev20260603
libtpu: 0.0.44.dev20260713+nightly
codegen_flags: <defaults>
</compile_context>

<pallas_src>
import jax
import jax.numpy as jnp
from jax import lax
from jax.experimental import pallas as pl
from jax.experimental.pallas import tpu as pltpu
from jax.experimental.pallas import tpu_sc as plsc

TBL = 1000000
D = 64
MD = 128
BATCH = 4096
HIST = 50
B_TOTAL = BATCH * HIST

NC, NS = 2, 16
NW = NC * NS
B_PER_W = B_TOTAL // NW
CHUNK = 128
NCH = B_PER_W // CHUNK


_NCOL = 8192
_NBLK = 62
H = _NBLK * _NCOL
_TBLK = pl.cdiv(TBL, _NCOL) - 1


def _rne16(b):
    return (b + jnp.uint32(0x7FFF) + ((b >> 16) & jnp.uint32(1)))


def _proj_body(tlo_ref, thi_ref, w_ref, p_ref):
    w16 = w_ref[...].astype(jnp.bfloat16)
    dims = (((0,), (0,)), ((), ()))
    lo = lax.dot_general(tlo_ref[...].astype(jnp.bfloat16), w16, dims,
                         preferred_element_type=jnp.float32)
    hi = lax.dot_general(thi_ref[...].astype(jnp.bfloat16), w16, dims,
                         preferred_element_type=jnp.float32)
    lb = _rne16(lax.bitcast_convert_type(lo, jnp.uint32)) >> 16
    hb = _rne16(lax.bitcast_convert_type(hi, jnp.uint32)) & jnp.uint32(0xFFFF0000)
    p_ref[...] = lb | hb


_proj = pl.pallas_call(
    _proj_body,
    grid=(_NBLK,),
    in_specs=[
        pl.BlockSpec((D, _NCOL), lambda i: (0, i)),
        pl.BlockSpec((D, _NCOL), lambda i: (0, jnp.minimum(i + _NBLK, _TBLK))),
        pl.BlockSpec((D, MD), lambda i: (0, 0)),
    ],
    out_specs=pl.BlockSpec((_NCOL, MD), lambda i: (i, 0)),
    out_shape=jax.ShapeDtypeStruct((H, MD), jnp.uint32),
)


def _gather_body(idx2_hbm, par_hbm, p_hbm, out_hbm,
                 idx2_v, par_v, raw_v, out_v, sem_g, sem_w):
    wid = lax.axis_index("s") * NC + lax.axis_index("c")
    base = wid * B_PER_W
    pltpu.sync_copy(idx2_hbm.at[wid], idx2_v)
    pltpu.sync_copy(par_hbm.at[wid], par_v)
    pltpu.async_copy(p_hbm.at[idx2_v.at[0]], raw_v.at[0], sem_g)
    pltpu.async_copy(p_hbm.at[idx2_v.at[1]], raw_v.at[1], sem_g)

    def body(j, carry):
        s = j % 2
        pltpu.make_async_copy(
            p_hbm.at[idx2_v.at[0]], raw_v.at[0], sem_g
        ).wait()

        @pl.when(j >= 2)
        def _():
            pltpu.make_async_copy(
                out_v.at[0], out_hbm.at[pl.ds(base, CHUNK)], sem_w
            ).wait()

        def grp(g, c2):
            pv = par_v[j, pl.ds(g * 16, 16)]
            for i in range(16):
                r = g * 16 + i
                p = pv[i]
                sh = ((1 - p) * 16).astype(jnp.uint32)
                msk = jnp.where(p == 1, jnp.uint32(0xFFFF0000),
                                jnp.uint32(0xFFFFFFFF))
                for c in range(MD // 16):
                    w = raw_v[s, r, pl.ds(16 * c, 16)]
                    bits = (w << sh) & msk
                    out_v[s, r, pl.ds(16 * c, 16)] = plsc.bitcast(
                        bits, jnp.float32)
            return c2

        lax.fori_loop(0, CHUNK // 16, grp, 0)

        @pl.when(j + 2 < NCH)
        def _():
            pltpu.async_copy(p_hbm.at[idx2_v.at[j + 2]], raw_v.at[s], sem_g)

        pltpu.async_copy(
            out_v.at[s], out_hbm.at[pl.ds(base + j * CHUNK, CHUNK)], sem_w
        )
        return carry

    lax.fori_loop(0, NCH, body, 0)
    pltpu.make_async_copy(out_v.at[0], out_hbm.at[pl.ds(base, CHUNK)], sem_w).wait()
    pltpu.make_async_copy(out_v.at[0], out_hbm.at[pl.ds(base, CHUNK)], sem_w).wait()


_gather = pl.kernel(
    _gather_body,
    out_type=jax.ShapeDtypeStruct((B_TOTAL, MD), jnp.float32),
    mesh=plsc.VectorSubcoreMesh(
        core_axis_name="c", subcore_axis_name="s", num_cores=NC, num_subcores=NS
    ),
    scratch_types=[
        pltpu.VMEM((NCH, CHUNK), jnp.int32),
        pltpu.VMEM((NCH, CHUNK), jnp.int32),
        pltpu.VMEM((2, CHUNK, MD), jnp.uint32),
        pltpu.VMEM((2, CHUNK, MD), jnp.float32),
        pltpu.SemaphoreType.DMA,
        pltpu.SemaphoreType.DMA,
    ],
    compiler_params=pltpu.CompilerParams(
        use_tc_tiling_on_sc=True, needs_layout_passes=False
    ),
)


def kernel(input, table, W):
    tT = table.T
    p = _proj(tT, tT, W.T)
    idx = jnp.transpose(input).reshape(NW, NCH, CHUNK).astype(jnp.int32)
    hi = (idx >= H).astype(jnp.int32)
    out_flat = _gather(idx - hi * H, hi, p)
    return jnp.transpose(out_flat.reshape(HIST, BATCH, MD), (1, 0, 2))

# --- scband reference (transcript-rebuilt; emitter-appended) ---
"""Pipeline reference for scband-embedding-27324581937523 (READ-ONLY COPY).

The authoritative reference and input builder live on the scoring server;
editing this copy changes nothing except your own understanding.
"""

import jax, jax.numpy as jnp
import numpy as np

NUM_EMBEDDINGS = 1000000
EMBEDDING_DIM = 64
MODEL_DIM = 128
BATCH = 4096
HIST_LEN = 50


def setup_inputs(seed: int = 0) -> dict:
    key = jax.random.key(seed)
    k1, k2, k3 = jax.random.split(key, 3)
    input = jax.random.randint(k1, (BATCH, HIST_LEN), 0, NUM_EMBEDDINGS, dtype=jnp.int64 if jax.config.jax_enable_x64 else jnp.int32)
    table = jax.random.normal(k2, (NUM_EMBEDDINGS, EMBEDDING_DIM), dtype=jnp.float32) * 0.02
    # torch nn.Linear(embedding_dim, model_dim, bias=False): weight shape [model_dim, embedding_dim]
    W = jax.random.normal(k3, (MODEL_DIM, EMBEDDING_DIM), dtype=jnp.float32) * (1.0 / np.sqrt(EMBEDDING_DIM))
    return {"input": input, "table": table, "W": W}


def reference(input, table, W):
    # nn.Embedding: gather rows from table
    emb = jnp.take(table, input, axis=0)  # [B, L, embedding_dim]
    # nn.Dropout with p=0.0 (or eval mode): identity
    # nn.Linear(embedding_dim, model_dim, bias=False): emb @ W.T
    out = emb @ W.T  # [B, L, model_dim]
    return out

if __name__ == "__main__":
    import jax
    _d = setup_inputs()
    print(jax.jit(kernel)(*tuple(_d.values())))

</pallas_src>

<mosaic_0001>
#map = affine_map<(d0, d1) -> (0, 0, 0)>
#map1 = affine_map<(d0, d1) -> (0, 0)>
module attributes {stable_mosaic.version = 14 : i64} {
  func.func @_gather_body(%arg0: i32, %arg1: i32, %arg2: memref<32x50x128xi32, #tpu.memory_space<hbm>>, %arg3: memref<32x50x128xi32, #tpu.memory_space<hbm>>, %arg4: memref<507904x128xi32, #tpu.memory_space<hbm>>, %arg5: memref<204800x128xf32, #tpu.memory_space<hbm>>, %arg6: memref<50x128xi32, #tpu.memory_space<vmem>>, %arg7: memref<50x128xi32, #tpu.memory_space<vmem>>, %arg8: memref<2x128x128xi32, #tpu.memory_space<vmem>>, %arg9: memref<2x128x128xf32, #tpu.memory_space<vmem>>, %arg10: memref<!tpu.dma_semaphore, #tpu.memory_space<semaphore_mem>>, %arg11: memref<!tpu.dma_semaphore, #tpu.memory_space<semaphore_mem>>) attributes {dimension_semantics = [#tpu.dimension_semantics<core_parallel>, #tpu.dimension_semantics<subcore_parallel>], iteration_bounds = array<i64: 2, 16>, scalar_prefetch = 0 : i64, scratch_operands = 6 : i64, tpu.core_type = #tpu.core_type<sc_vector_subcore>, window_params = [{transform_indices = #map}, {transform_indices = #map}, {transform_indices = #map1}, {transform_indices = #map1}]} {
    %mul3A = arith.constant 2 : i32
    %mul3A_0 = arith.muli %arg1, %mul3A : i32
    %add3A = arith.addi %mul3A_0, %arg0 : i32
    %mul3A_1 = arith.constant 6400 : i32
    %mul3A_2 = arith.muli %add3A, %mul3A_1 : i32
    "tpu.region"() ({
      %run_scoped3A = tpu.sem_alloc : memref<!tpu.dma_semaphore, #tpu.memory_space<semaphore_mem>>
      %dma_start3A_56 = arith.constant 0 : i32
      %dma_start3A_57 = arith.constant 0 : i32
      %dma_start3A_58 = tpu.memref_slice %arg2[%add3A, %dma_start3A_56, %dma_start3A_57] : memref<32x50x128xi32, #tpu.memory_space<hbm>> -> memref<1x50x128xi32, #tpu.memory_space<hbm>>
      %dma_start3A_59 = tpu.memref_squeeze %dma_start3A_58 : memref<1x50x128xi32, #tpu.memory_space<hbm>> -> memref<50x128xi32, #tpu.memory_space<hbm>>
      %dma_start3A_60 = arith.constant 0 : i32
      %dma_start3A_61 = arith.constant 0 : i32
      %dma_start3A_62 = tpu.memref_slice %arg2[%add3A, %dma_start3A_60, %dma_start3A_61] : memref<32x50x128xi32, #tpu.memory_space<hbm>> -> memref<1x50x128xi32, #tpu.memory_space<hbm>>
      %dma_start3A_63 = tpu.memref_squeeze %dma_start3A_62 : memref<1x50x128xi32, #tpu.memory_space<hbm>> -> memref<50x128xi32, #tpu.memory_space<hbm>>
      tpu.enqueue_dma source(%dma_start3A_63 : memref<50x128xi32, #tpu.memory_space<hbm>>) target(%arg6 : memref<50x128xi32, #tpu.memory_space<vmem>>) target_semaphore(%run_scoped3A : memref<!tpu.dma_semaphore, #tpu.memory_space<semaphore_mem>>)
      %dma_wait3A_64 = arith.constant 0 : i32
      %dma_wait3A_65 = arith.constant 0 : i32
      %dma_wait3A_66 = tpu.memref_slice %arg2[%add3A, %dma_wait3A_64, %dma_wait3A_65] : memref<32x50x128xi32, #tpu.memory_space<hbm>> -> memref<1x50x128xi32, #tpu.memory_space<hbm>>
      %dma_wait3A_67 = tpu.memref_squeeze %dma_wait3A_66 : memref<1x50x128xi32, #tpu.memory_space<hbm>> -> memref<50x128xi32, #tpu.memory_space<hbm>>
      %dma_wait3A_68 = arith.constant 0 : i32
      %dma_wait3A_69 = arith.constant 0 : i32
      %dma_wait3A_70 = tpu.memref_slice %arg2[%add3A, %dma_wait3A_68, %dma_wait3A_69] : memref<32x50x128xi32, #tpu.memory_space<hbm>> -> memref<1x50x128xi32, #tpu.memory_space<hbm>>
      %dma_wait3A_71 = tpu.memref_squeeze %dma_wait3A_70 : memref<1x50x128xi32, #tpu.memory_space<hbm>> -> memref<50x128xi32, #tpu.memory_space<hbm>>
      tpu.wait_dma2 semaphore(%run_scoped3A : memref<!tpu.dma_semaphore, #tpu.memory_space<semaphore_mem>>) src(%dma_wait3A_71 : memref<50x128xi32, #tpu.memory_space<hbm>>) dst(%arg6 : memref<50x128xi32, #tpu.memory_space<vmem>>)
      tpu.yield
    }) : () -> ()
    "tpu.region"() ({
      %run_scoped3A = tpu.sem_alloc : memref<!tpu.dma_semaphore, #tpu.memory_space<semaphore_mem>>
      %dma_start3A_56 = arith.constant 0 : i32
      %dma_start3A_57 = arith.constant 0 : i32
      %dma_start3A_58 = tpu.memref_slice %arg3[%add3A, %dma_start3A_56, %dma_start3A_57] : memref<32x50x128xi32, #tpu.memory_space<hbm>> -> memref<1x50x128xi32, #tpu.memory_space<hbm>>
      %dma_start3A_59 = tpu.memref_squeeze %dma_start3A_58 : memref<1x50x128xi32, #tpu.memory_space<hbm>> -> memref<50x128xi32, #tpu.memory_space<hbm>>
      %dma_start3A_60 = arith.constant 0 : i32
      %dma_start3A_61 = arith.constant 0 : i32
      %dma_start3A_62 = tpu.memref_slice %arg3[%add3A, %dma_start3A_60, %dma_start3A_61] : memref<32x50x128xi32, #tpu.memory_space<hbm>> -> memref<1x50x128xi32, #tpu.memory_space<hbm>>
      %dma_start3A_63 = tpu.memref_squeeze %dma_start3A_62 : memref<1x50x128xi32, #tpu.memory_space<hbm>> -> memref<50x128xi32, #tpu.memory_space<hbm>>
      tpu.enqueue_dma source(%dma_start3A_63 : memref<50x128xi32, #tpu.memory_space<hbm>>) target(%arg7 : memref<50x128xi32, #tpu.memory_space<vmem>>) target_semaphore(%run_scoped3A : memref<!tpu.dma_semaphore, #tpu.memory_space<semaphore_mem>>)
      %dma_wait3A_64 = arith.constant 0 : i32
      %dma_wait3A_65 = arith.constant 0 : i32
      %dma_wait3A_66 = tpu.memref_slice %arg3[%add3A, %dma_wait3A_64, %dma_wait3A_65] : memref<32x50x128xi32, #tpu.memory_space<hbm>> -> memref<1x50x128xi32, #tpu.memory_space<hbm>>
      %dma_wait3A_67 = tpu.memref_squeeze %dma_wait3A_66 : memref<1x50x128xi32, #tpu.memory_space<hbm>> -> memref<50x128xi32, #tpu.memory_space<hbm>>
      %dma_wait3A_68 = arith.constant 0 : i32
      %dma_wait3A_69 = arith.constant 0 : i32
      %dma_wait3A_70 = tpu.memref_slice %arg3[%add3A, %dma_wait3A_68, %dma_wait3A_69] : memref<32x50x128xi32, #tpu.memory_space<hbm>> -> memref<1x50x128xi32, #tpu.memory_space<hbm>>
      %dma_wait3A_71 = tpu.memref_squeeze %dma_wait3A_70 : memref<1x50x128xi32, #tpu.memory_space<hbm>> -> memref<50x128xi32, #tpu.memory_space<hbm>>
      tpu.wait_dma2 semaphore(%run_scoped3A : memref<!tpu.dma_semaphore, #tpu.memory_space<semaphore_mem>>) src(%dma_wait3A_71 : memref<50x128xi32, #tpu.memory_space<hbm>>) dst(%arg7 : memref<50x128xi32, #tpu.memory_space<vmem>>)
      tpu.yield
    }) : () -> ()
    %dma_start3A = arith.constant 0 : i32
    %dma_start3A_3 = arith.constant 0 : i32
    %dma_start3A_4 = arith.constant 0 : i32
    %dma_start3A_5 = arith.constant 0 : i32
    %dma_start3A_6 = tpu.memref_slice %arg8[%dma_start3A_3, %dma_start3A_4, %dma_start3A_5] : memref<2x128x128xi32, #tpu.memory_space<vmem>> -> memref<1x128x128xi32, #tpu.memory_space<vmem>>
    %dma_start3A_7 = tpu.memref_squeeze %dma_start3A_6 : memref<1x128x128xi32, #tpu.memory_space<vmem>> -> memref<128x128xi32, #tpu.memory_space<vmem>>
    %dma_start3A_8 = arith.constant 0 : i32
    %dma_start3A_9 = tpu.memref_slice %arg6[%dma_start3A, %dma_start3A_8] : memref<50x128xi32, #tpu.memory_space<vmem>> -> memref<1x128xi32, #tpu.memory_space<vmem>>
    %dma_start3A_10 = tpu.memref_squeeze %dma_start3A_9 : memref<1x128xi32, #tpu.memory_space<vmem>> -> memref<128xi32, #tpu.memory_space<vmem>>
    %dma_start3A_11 = arith.constant 0 : i32
    %dma_start3A_12 = arith.constant 0 : i32
    %dma_start3A_13 = tpu.memref_slice %arg4[%dma_start3A_11, %dma_start3A_12] : memref<507904x128xi32, #tpu.memory_space<hbm>> -> memref<507904x128xi32, #tpu.memory_space<hbm>>
    tpu.enqueue_indirect_dma source(%dma_start3A_13 : memref<507904x128xi32, #tpu.memory_space<hbm>>) target(%dma_start3A_7 : memref<128x128xi32, #tpu.memory_space<vmem>>) offsets(%dma_start3A_10 : memref<128xi32, #tpu.memory_space<vmem>>) semaphore(%arg10 : memref<!tpu.dma_semaphore, #tpu.memory_space<semaphore_mem>>)
    %dma_start3A_14 = arith.constant 1 : i32
    %dma_start3A_15 = arith.constant 1 : i32
    %dma_start3A_16 = arith.constant 0 : i32
    %dma_start3A_17 = arith.constant 0 : i32
    %dma_start3A_18 = tpu.memref_slice %arg8[%dma_start3A_15, %dma_start3A_16, %dma_start3A_17] : memref<2x128x128xi32, #tpu.memory_space<vmem>> -> memref<1x128x128xi32, #tpu.memory_space<vmem>>
    %dma_start3A_19 = tpu.memref_squeeze %dma_start3A_18 : memref<1x128x128xi32, #tpu.memory_space<vmem>> -> memref<128x128xi32, #tpu.memory_space<vmem>>
    %dma_start3A_20 = arith.constant 0 : i32
    %dma_start3A_21 = tpu.memref_slice %arg6[%dma_start3A_14, %dma_start3A_20] : memref<50x128xi32, #tpu.memory_space<vmem>> -> memref<1x128xi32, #tpu.memory_space<vmem>>
    %dma_start3A_22 = tpu.memref_squeeze %dma_start3A_21 : memref<1x128xi32, #tpu.memory_space<vmem>> -> memref<128xi32, #tpu.memory_space<vmem>>
    %dma_start3A_23 = arith.constant 0 : i32
    %dma_start3A_24 = arith.constant 0 : i32
    %dma_start3A_25 = tpu.memref_slice %arg4[%dma_start3A_23, %dma_start3A_24] : memref<507904x128xi32, #tpu.memory_space<hbm>> -> memref<507904x128xi32, #tpu.memory_space<hbm>>
    tpu.enqueue_indirect_dma source(%dma_start3A_25 : memref<507904x128xi32, #tpu.memory_space<hbm>>) target(%dma_start3A_19 : memref<128x128xi32, #tpu.memory_space<vmem>>) offsets(%dma_start3A_22 : memref<128xi32, #tpu.memory_space<vmem>>) semaphore(%arg10 : memref<!tpu.dma_semaphore, #tpu.memory_space<semaphore_mem>>)
    %scan3A = arith.constant 0 : i32
    %scan3A_26 = arith.constant 0 : i32
    %scan3A_27 = arith.constant 50 : i32
    %scan3A_28 = arith.addi %scan3A_26, %scan3A_27 : i32
    %scan3A_29 = arith.constant 1 : i32
    scf.for %scan3A_56 = %scan3A_26 to %scan3A_28 step %scan3A_29  : i32 {
      %jit3A = arith.constant 2 : i32
      %eq3A = arith.constant 0 : i32
      %eq3A_57 = arith.cmpi eq, %jit3A, %eq3A : i32
      %jit3A_58 = arith.constant 1 : i32
      %select_n3A = arith.select %eq3A_57, %jit3A_58, %jit3A : i32
      %rem3A = arith.remsi %scan3A_56, %select_n3A : i32
      %ne3A = arith.constant 0 : i32
      %ne3A_59 = arith.cmpi ne, %rem3A, %ne3A : i32
      %lt3A = arith.constant 0 : i32
      %lt3A_60 = arith.cmpi slt, %rem3A, %lt3A : i32
      %lt3A_61 = arith.constant 0 : i32
      %lt3A_62 = arith.cmpi slt, %select_n3A, %lt3A_61 : i32
      %ne3A_63 = arith.xori %lt3A_60, %lt3A_62 : i1
      %and3A = arith.andi %ne3A_63, %ne3A_59 : i1
      %add3A_64 = arith.addi %rem3A, %select_n3A : i32
      %select_n3A_65 = arith.select %and3A, %add3A_64, %rem3A : i32
      %dma_wait3A_66 = arith.constant 0 : i32
      %dma_wait3A_67 = arith.constant 0 : i32
      %dma_wait3A_68 = arith.constant 0 : i32
      %dma_wait3A_69 = arith.constant 0 : i32
      %dma_wait3A_70 = tpu.memref_slice %arg8[%dma_wait3A_67, %dma_wait3A_68, %dma_wait3A_69] : memref<2x128x128xi32, #tpu.memory_space<vmem>> -> memref<1x128x128xi32, #tpu.memory_space<vmem>>
      %dma_wait3A_71 = tpu.memref_squeeze %dma_wait3A_70 : memref<1x128x128xi32, #tpu.memory_space<vmem>> -> memref<128x128xi32, #tpu.memory_space<vmem>>
      %dma_wait3A_72 = arith.constant 0 : i32
      %dma_wait3A_73 = tpu.memref_slice %arg6[%dma_wait3A_66, %dma_wait3A_72] : memref<50x128xi32, #tpu.memory_space<vmem>> -> memref<1x128xi32, #tpu.memory_space<vmem>>
      %dma_wait3A_74 = tpu.memref_squeeze %dma_wait3A_73 : memref<1x128xi32, #tpu.memory_space<vmem>> -> memref<128xi32, #tpu.memory_space<vmem>>
      %dma_wait3A_75 = arith.constant 0 : i32
      %dma_wait3A_76 = arith.constant 0 : i32
      %dma_wait3A_77 = tpu.memref_slice %arg4[%dma_wait3A_75, %dma_wait3A_76] : memref<507904x128xi32, #tpu.memory_space<hbm>> -> memref<507904x128xi32, #tpu.memory_space<hbm>>
      tpu.wait_indirect_dma semaphore(%arg10 : memref<!tpu.dma_semaphore, #tpu.memory_space<semaphore_mem>>) src(%dma_wait3A_77 : memref<507904x128xi32, #tpu.memory_space<hbm>>) dst(%dma_wait3A_71 : memref<128x128xi32, #tpu.memory_space<vmem>>)
      %ge3A = arith.constant 2 : i32
      %ge3A_78 = arith.cmpi sge, %scan3A_56, %ge3A : i32
      %convert_element_type3A = arith.extui %ge3A_78 : i1 to i32
      %cond3A = arith.constant 0 : i32
      %cond3A_79 = arith.cmpi ne, %convert_element_type3A, %cond3A : i32
      scf.if %cond3A_79 {
        %dma_wait3A_108 = arith.constant 0 : i32
        %dma_wait3A_109 = arith.constant 0 : i32
        %dma_wait3A_110 = arith.constant 0 : i32
        %dma_wait3A_111 = tpu.memref_slice %arg9[%dma_wait3A_108, %dma_wait3A_109, %dma_wait3A_110] : memref<2x128x128xf32, #tpu.memory_space<vmem>> -> memref<1x128x128xf32, #tpu.memory_space<vmem>>
        %dma_wait3A_112 = tpu.memref_squeeze %dma_wait3A_111 : memref<1x128x128xf32, #tpu.memory_space<vmem>> -> memref<128x128xf32, #tpu.memory_space<vmem>>
        %dma_wait3A_113 = arith.constant 0 : i32
        %dma_wait3A_114 = tpu.memref_slice %arg5[%mul3A_2, %dma_wait3A_113] : memref<204800x128xf32, #tpu.memory_space<hbm>> -> memref<128x128xf32, #tpu.memory_space<hbm>>
        %dma_wait3A_115 = arith.constant 0 : i32
        %dma_wait3A_116 = tpu.memref_slice %arg5[%mul3A_2, %dma_wait3A_115] : memref<204800x128xf32, #tpu.memory_space<hbm>> -> memref<128x128xf32, #tpu.memory_space<hbm>>
        %dma_wait3A_117 = arith.constant 0 : i32
        %dma_wait3A_118 = arith.constant 0 : i32
        %dma_wait3A_119 = tpu.memref_slice %arg9[%dma_wait3A_108, %dma_wait3A_117, %dma_wait3A_118] : memref<2x128x128xf32, #tpu.memory_space<vmem>> -> memref<1x128x128xf32, #tpu.memory_space<vmem>>
        %dma_wait3A_120 = tpu.memref_squeeze %dma_wait3A_119 : memref<1x128x128xf32, #tpu.memory_space<vmem>> -> memref<128x128xf32, #tpu.memory_space<vmem>>
        tpu.wait_dma2 semaphore(%arg11 : memref<!tpu.dma_semaphore, #tpu.memory_space<semaphore_mem>>) src(%dma_wait3A_120 : memref<128x128xf32, #tpu.memory_space<vmem>>) dst(%dma_wait3A_116 : memref<128x128xf32, #tpu.memory_space<hbm>>)
      } else {
      }
      %scan3A_80 = arith.constant 0 : i32
      %scan3A_81 = arith.constant 0 : i32
      %scan3A_82 = arith.constant 8 : i32
      %scan3A_83 = arith.addi %scan3A_81, %scan3A_82 : i32
      %scan3A_84 = arith.constant 1 : i32
      scf.for %scan3A_108 = %scan3A_81 to %scan3A_83 step %scan3A_84  : i32 {
        %mul3A_109 = arith.constant 16 : i32
        %mul3A_110 = arith.muli %scan3A_108, %mul3A_109 : i32
        %get3A = arith.index_cast %scan3A_56 : i32 to index
        %get3A_111 = arith.index_cast %mul3A_110 : i32 to index
        %get3A_112 = tpu.vector_load %arg7[%get3A, %get3A_111] {strides = array<i32>} : memref<50x128xi32, #tpu.memory_space<vmem>>, vector<16xi32>,
        %mul3A_113 = arith.constant 16 : i32
        %mul3A_114 = arith.muli %scan3A_108, %mul3A_113 : i32
        %add3A_115 = arith.constant 0 : i32
        %add3A_116 = arith.addi %mul3A_114, %add3A_115 : i32
        %slice3A = vector.extract_strided_slice %get3A_112 {offsets = [0], sizes = [1], strides = [1]} : vector<16xi32> to vector<1xi32>
        %squeeze3A = vector.extract %slice3A[0] : i32 from vector<1xi32>
        %sub3A = arith.constant 1 : i32
        %sub3A_117 = arith.subi %sub3A, %squeeze3A : i32
        %mul3A_118 = arith.constant 16 : i32
        %mul3A_119 = arith.muli %sub3A_117, %mul3A_118 : i32
        %eq3A_120 = arith.constant 1 : i32
        %eq3A_121 = arith.cmpi eq, %squeeze3A, %eq3A_120 : i32
        %jit3A_122 = arith.constant -65536 : i32
        %jit3A_123 = arith.constant -1 : i32
        %select_n3A_124 = arith.select %eq3A_121, %jit3A_122, %jit3A_123 : i32
        %get3A_125 = arith.index_cast %select_n3A_65 : i32 to index
        %get3A_126 = arith.index_cast %add3A_116 : i32 to index
        %get3A_127 = arith.constant 0 : index
        %get3A_128 = tpu.vector_load %arg8[%get3A_125, %get3A_126, %get3A_127] {strides = array<i32>} : memref<2x128x128xi32, #tpu.memory_space<vmem>>, vector<16xi32>,
        %shift_left3A = vector.broadcast %mul3A_119 : i32 to vector<16xi32>
        %shift_left3A_129 = arith.shli %get3A_128, %shift_left3A : vector<16xi32>
        %and3A_130 = vector.broadcast %select_n3A_124 : i32 to vector<16xi32>
        %and3A_131 = arith.andi %shift_left3A_129, %and3A_130 : vector<16xi32>
        %bitcast3A = vector.bitcast %and3A_131 : vector<16xi32> to vector<16xf32>
        %swap3A = arith.index_cast %select_n3A_65 : i32 to index
        %swap3A_132 = arith.index_cast %add3A_116 : i32 to index
        %swap3A_133 = arith.constant 0 : index
        %swap3A_134 = tpu.vector_load %arg9[%swap3A, %swap3A_132, %swap3A_133] {strides = array<i32>} : memref<2x128x128xf32, #tpu.memory_space<vmem>>, vector<16xf32>,
        tpu.vector_store %arg9[%swap3A, %swap3A_132, %swap3A_133], %bitcast3A {strides = array<i32>} : memref<2x128x128xf32, #tpu.memory_space<vmem>>, vector<16xf32>,
        %get3A_135 = arith.index_cast %select_n3A_65 : i32 to index
        %get3A_136 = arith.index_cast %add3A_116 : i32 to index
        %get3A_137 = arith.constant 16 : index
        %get3A_138 = tpu.vector_load %arg8[%get3A_135, %get3A_136, %get3A_137] {strides = array<i32>} : memref<2x128x128xi32, #tpu.memory_space<vmem>>, vector<16xi32>,
        %shift_left3A_139 = vector.broadcast %mul3A_119 : i32 to vector<16xi32>
        %shift_left3A_140 = arith.shli %get3A_138, %shift_left3A_139 : vector<16xi32>
        %and3A_141 = vector.broadcast %select_n3A_124 : i32 to vector<16xi32>
        %and3A_142 = arith.andi %shift_left3A_140, %and3A_141 : vector<16xi32>
        %bitcast3A_143 = vector.bitcast %and3A_142 : vector<16xi32> to vector<16xf32>
        %swap3A_144 = arith.index_cast %select_n3A_65 : i32 to index
        %swap3A_145 = arith.index_cast %add3A_116 : i32 to index
        %swap3A_146 = arith.constant 16 : index
        %swap3A_147 = tpu.vector_load %arg9[%swap3A_144, %swap3A_145, %swap3A_146] {strides = array<i32>} : memref<2x128x128xf32, #tpu.memory_space<vmem>>, vector<16xf32>,
        tpu.vector_store %arg9[%swap3A_144, %swap3A_145, %swap3A_146], %bitcast3A_143 {strides = array<i32>} : memref<2x128x128xf32, #tpu.memory_space<vmem>>, vector<16xf32>,
        %get3A_148 = arith.index_cast %select_n3A_65 : i32 to index
        %get3A_149 = arith.index_cast %add3A_116 : i32 to index
        %get3A_150 = arith.constant 32 : index
        %get3A_151 = tpu.vector_load %arg8[%get3A_148, %get3A_149, %get3A_150] {strides = array<i32>} : memref<2x128x128xi32, #tpu.memory_space<vmem>>, vector<16xi32>,
        %shift_left3A_152 = vector.broadcast %mul3A_119 : i32 to vector<16xi32>
        %shift_left3A_153 = arith.shli %get3A_151, %shift_left3A_152 : vector<16xi32>
        %and3A_154 = vector.broadcast %select_n3A_124 : i32 to vector<16xi32>
        %and3A_155 = arith.andi %shift_left3A_153, %and3A_154 : vector<16xi32>
        %bitcast3A_156 = vector.bitcast %and3A_155 : vector<16xi32> to vector<16xf32>
        %swap3A_157 = arith.index_cast %select_n3A_65 : i32 to index
        %swap3A_158 = arith.index_cast %add3A_116 : i32 to index
        %swap3A_159 = arith.constant 32 : index
        %swap3A_160 = tpu.vector_load %arg9[%swap3A_157, %swap3A_158, %swap3A_159] {strides = array<i32>} : memref<2x128x128xf32, #tpu.memory_space<vmem>>, vector<16xf32>,
        tpu.vector_store %arg9[%swap3A_157, %swap3A_158, %swap3A_159], %bitcast3A_156 {strides = array<i32>} : memref<2x128x128xf32, #tpu.memory_space<vmem>>, vector<16xf32>,
        %get3A_161 = arith.index_cast %select_n3A_65 : i32 to index
        %get3A_162 = arith.index_cast %add3A_116 : i32 to index
        %get3A_163 = arith.constant 48 : index
        %get3A_164 = tpu.vector_load %arg8[%get3A_161, %get3A_162, %get3A_163] {strides = array<i32>} : memref<2x128x128xi32, #tpu.memory_space<vmem>>, vector<16xi32>,
        %shift_left3A_165 = vector.broadcast %mul3A_119 : i32 to vector<16xi32>
        %shift_left3A_166 = arith.shli %get3A_164, %shift_left3A_165 : vector<16xi32>
        %and3A_167 = vector.broadcast %select_n3A_124 : i32 to vector<16xi32>
        %and3A_168 = arith.andi %shift_left3A_166, %and3A_167 : vector<16xi32>
        %bitcast3A_169 = vector.bitcast %and3A_168 : vector<16xi32> to vector<16xf32>
        %swap3A_170 = arith.index_cast %select_n3A_65 : i32 to index
        %swap3A_171 = arith.index_cast %add3A_116 : i32 to index
        %swap3A_172 = arith.constant 48 : index
        %swap3A_173 = tpu.vector_load %arg9[%swap3A_170, %swap3A_171, %swap3A_172] {strides = array<i32>} : memref<2x128x128xf32, #tpu.memory_space<vmem>>, vector<16xf32>,
        tpu.vector_store %arg9[%swap3A_170, %swap3A_171, %swap3A_172], %bitcast3A_169 {strides = array<i32>} : memref<2x128x128xf32, #tpu.memory_space<vmem>>, vector<16xf32>,
        %get3A_174 = arith.index_cast %select_n3A_65 : i32 to index
        %get3A_175 = arith.index_cast %add3A_116 : i32 to index
        %get3A_176 = arith.constant 64 : index
        %get3A_177 = tpu.vector_load %arg8[%get3A_174, %get3A_175, %get3A_176] {strides = array<i32>} : memref<2x128x128xi32, #tpu.memory_space<vmem>>, vector<16xi32>,
        %shift_left3A_178 = vector.broadcast %mul3A_119 : i32 to vector<16xi32>
        %shift_left3A_179 = arith.shli %get3A_177, %shift_left3A_178 : vector<16xi32>
        %and3A_180 = vector.broadcast %select_n3A_124 : i32 to vector<16xi32>
        %and3A_181 = arith.andi %shift_left3A_179, %and3A_180 : vector<16xi32>
        %bitcast3A_182 = vector.bitcast %and3A_181 : vector<16xi32> to vector<16xf32>
        %swap3A_183 = arith.index_cast %select_n3A_65 : i32 to index
        %swap3A_184 = arith.index_cast %add3A_116 : i32 to index
        %swap3A_185 = arith.constant 64 : index
        %swap3A_186 = tpu.vector_load %arg9[%swap3A_183, %swap3A_184, %swap3A_185] {strides = array<i32>} : memref<2x128x128xf32, #tpu.memory_space<vmem>>, vector<16xf32>,
        tpu.vector_store %arg9[%swap3A_183, %swap3A_184, %swap3A_185], %bitcast3A_182 {strides = array<i32>} : memref<2x128x128xf32, #tpu.memory_space<vmem>>, vector<16xf32>,
        %get3A_187 = arith.index_cast %select_n3A_65 : i32 to index
        %get3A_188 = arith.index_cast %add3A_116 : i32 to index
        %get3A_189 = arith.constant 80 : index
        %get3A_190 = tpu.vector_load %arg8[%get3A_187, %get3A_188, %get3A_189] {strides = array<i32>} : memref<2x128x128xi32, #tpu.memory_space<vmem>>, vector<16xi32>,
        %shift_left3A_191 = vector.broadcast %mul3A_119 : i32 to vector<16xi32>
        %shift_left3A_192 = arith.shli %get3A_190, %shift_left3A_191 : vector<16xi32>
        %and3A_193 = vector.broadcast %select_n3A_124 : i32 to vector<16xi32>
        %and3A_194 = arith.andi %shift_left3A_192, %and3A_193 : vector<16xi32>
        %bitcast3A_195 = vector.bitcast %and3A_194 : vector<16xi32> to vector<16xf32>
        %swap3A_196 = arith.index_cast %select_n3A_65 : i32 to index
        %swap3A_197 = arith.index_cast %add3A_116 : i32 to index
        %swap3A_198 = arith.constant 80 : index
        %swap3A_199 = tpu.vector_load %arg9[%swap3A_196, %swap3A_197, %swap3A_198] {strides = array<i32>} : memref<2x128x128xf32, #tpu.memory_space<vmem>>, vector<16xf32>,
        tpu.vector_store %arg9[%swap3A_196, %swap3A_197, %swap3A_198], %bitcast3A_195 {strides = array<i32>} : memref<2x128x128xf32, #tpu.memory_space<vmem>>, vector<16xf32>,
        %get3A_200 = arith.index_cast %select_n3A_65 : i32 to index
        %get3A_201 = arith.index_cast %add3A_116 : i32 to index
        %get3A_202 = arith.constant 96 : index
        %get3A_203 = tpu.vector_load %arg8[%get3A_200, %get3A_201, %get3A_202] {strides = array<i32>} : memref<2x128x128xi32, #tpu.memory_space<vmem>>, vector<16xi32>,
        %shift_left3A_204 = vector.broadcast %mul3A_119 : i32 to vector<16xi32>
        %shift_left3A_205 = arith.shli %get3A_203, %shift_left3A_204 : vector<16xi32>
        %and3A_206 = vector.broadcast %select_n3A_124 : i32 to vector<16xi32>
        %and3A_207 = arith.andi %shift_left3A_205, %and3A_206 : vector<16xi32>
        %bitcast3A_208 = vector.bitcast %and3A_207 : vector<16xi32> to vector<16xf32>
        %swap3A_209 = arith.index_cast %select_n3A_65 : i32 to index
        %swap3A_210 = arith.index_cast %add3A_116 : i32 to index
        %swap3A_211 = arith.constant 96 : index
        %swap3A_212 = tpu.vector_load %arg9[%swap3A_209, %swap3A_210, %swap3A_211] {strides = array<i32>} : memref<2x128x128xf32, #tpu.memory_space<vmem>>, vector<16xf32>,
        tpu.vector_store %arg9[%swap3A_209, %swap3A_210, %swap3A_211], %bitcast3A_208 {strides = array<i32>} : memref<2x128x128xf32, #tpu.memory_space<vmem>>, vector<16xf32>,
        %get3A_213 = arith.index_cast %select_n3A_65 : i32 to index
        %get3A_214 = arith.index_cast %add3A_116 : i32 to index
        %get3A_215 = arith.constant 112 : index
        %get3A_216 = tpu.vector_load %arg8[%get3A_213, %get3A_214, %get3A_215] {strides = array<i32>} : memref<2x128x128xi32, #tpu.memory_space<vmem>>, vector<16xi32>,
        %shift_left3A_217 = vector.broadcast %mul3A_119 : i32 to vector<16xi32>
        %shift_left3A_218 = arith.shli %get3A_216, %shift_left3A_217 : vector<16xi32>
        %and3A_219 = vector.broadcast %select_n3A_124 : i32 to vector<16xi32>
        %and3A_220 = arith.andi %shift_left3A_218, %and3A_219 : vector<16xi32>
        %bitcast3A_221 = vector.bitcast %and3A_220 : vector<16xi32> to vector<16xf32>
        %swap3A_222 = arith.index_cast %select_n3A_65 : i32 to index
        %swap3A_223 = arith.index_cast %add3A_116 : i32 to index
        %swap3A_224 = arith.constant 112 : index
        %swap3A_225 = tpu.vector_load %arg9[%swap3A_222, %swap3A_223, %swap3A_224] {strides = array<i32>} : memref<2x128x128xf32, #tpu.memory_space<vmem>>, vector<16xf32>,
        tpu.vector_store %arg9[%swap3A_222, %swap3A_223, %swap3A_224], %bitcast3A_221 {strides = array<i32>} : memref<2x128x128xf32, #tpu.memory_space<vmem>>, vector<16xf32>,
        %mul3A_226 = arith.constant 16 : i32
        %mul3A_227 = arith.muli %scan3A_108, %mul3A_226 : i32
        %add3A_228 = arith.constant 1 : i32
        %add3A_229 = arith.addi %mul3A_227, %add3A_228 : i32
        %slice3A_230 = vector.extract_strided_slice %get3A_112 {offsets = [1], sizes = [1], strides = [1]} : vector<16xi32> to vector<1xi32>
        %squeeze3A_231 = vector.extract %slice3A_230[0] : i32 from vector<1xi32>
        %sub3A_232 = arith.constant 1 : i32
        %sub3A_233 = arith.subi %sub3A_232, %squeeze3A_231 : i32
        %mul3A_234 = arith.constant 16 : i32
        %mul3A_235 = arith.muli %sub3A_233, %mul3A_234 : i32
        %eq3A_236 = arith.constant 1 : i32
        %eq3A_237 = arith.cmpi eq, %squeeze3A_231, %eq3A_236 : i32
        %jit3A_238 = arith.constant -65536 : i32
        %jit3A_239 = arith.constant -1 : i32
        %select_n3A_240 = arith.select %eq3A_237, %jit3A_238, %jit3A_239 : i32
        %get3A_241 = arith.index_cast %select_n3A_65 : i32 to index
        %get3A_242 = arith.index_cast %add3A_229 : i32 to index
        %get3A_243 = arith.constant 0 : index
        %get3A_244 = tpu.vector_load %arg8[%get3A_241, %get3A_242, %get3A_243] {strides = array<i32>} : memref<2x128x128xi32, #tpu.memory_space<vmem>>, vector<16xi32>,
        %shift_left3A_245 = vector.broadcast %mul3A_235 : i32 to vector<16xi32>
        %shift_left3A_246 = arith.shli %get3A_244, %shift_left3A_245 : vector<16xi32>
        %and3A_247 = vector.broadcast %select_n3A_240 : i32 to vector<16xi32>
        %and3A_248 = arith.andi %shift_left3A_246, %and3A_247 : vector<16xi32>
        %bitcast3A_249 = vector.bitcast %and3A_248 : vector<16xi32> to vector<16xf32>
        %swap3A_250 = arith.index_cast %select_n3A_65 : i32 to index
        %swap3A_251 = arith.index_cast %add3A_229 : i32 to index
        %swap3A_252 = arith.constant 0 : index
        %swap3A_253 = tpu.vector_load %arg9[%swap3A_250, %swap3A_251, %swap3A_252] {strides = array<i32>} : memref<2x128x128xf32, #tpu.memory_space<vmem>>, vector<16xf32>,
        tpu.vector_store %arg9[%swap3A_250, %swap3A_251, %swap3A_252], %bitcast3A_249 {strides = array<i32>} : memref<2x128x128xf32, #tpu.memory_space<vmem>>, vector<16xf32>,
        %get3A_254 = arith.index_cast %select_n3A_65 : i32 to index
        %get3A_255 = arith.index_cast %add3A_229 : i32 to index
        %get3A_256 = arith.constant 16 : index
        %get3A_257 = tpu.vector_load %arg8[%get3A_254, %get3A_255, %get3A_256] {strides = array<i32>} : memref<2x128x128xi32, #tpu.memory_space<vmem>>, vector<16xi32>,
        %shift_left3A_258 = vector.broadcast %mul3A_235 : i32 to vector<16xi32>
        %shift_left3A_259 = arith.shli %get3A_257, %shift_left3A_258 : vector<16xi32>
        %and3A_260 = vector.broadcast %select_n3A_240 : i32 to vector<16xi32>
        %and3A_261 = arith.andi %shift_left3A_259, %and3A_260 : vector<16xi32>
        %bitcast3A_262 = vector.bitcast %and3A_261 : vector<16xi32> to vector<16xf32>
        %swap3A_263 = arith.index_cast %select_n3A_65 : i32 to index
        %swap3A_264 = arith.index_cast %add3A_229 : i32 to index
        %swap3A_265 = arith.constant 16 : index
        %swap3A_266 = tpu.vector_load %arg9[%swap3A_263, %swap3A_264, %swap3A_265] {strides = array<i32>} : memref<2x128x128xf32, #tpu.memory_space<vmem>>, vector<16xf32>,
        tpu.vector_store %arg9[%swap3A_263, %swap3A_264, %swap3A_265], %bitcast3A_262 {strides = array<i32>} : memref<2x128x128xf32, #tpu.memory_space<vmem>>, vector<16xf32>,
        %get3A_267 = arith.index_cast %select_n3A_65 : i32 to index
        %get3A_268 = arith.index_cast %add3A_229 : i32 to index
        %get3A_269 = arith.constant 32 : index
        %get3A_270 = tpu.vector_load %arg8[%get3A_267, %get3A_268, %get3A_269] {strides = array<i32>} : memref<2x128x128xi32, #tpu.memory_space<vmem>>, vector<16xi32>,
        %shift_left3A_271 = vector.broadcast %mul3A_235 : i32 to vector<16xi32>
        %shift_left3A_272 = arith.shli %get3A_270, %shift_left3A_271 : vector<16xi32>
        %and3A_273 = vector.broadcast %select_n3A_240 : i32 to vector<16xi32>
        %and3A_274 = arith.andi %shift_left3A_272, %and3A_273 : vector<16xi32>
        %bitcast3A_275 = vector.bitcast %and3A_274 : vector<16xi32> to vector<16xf32>
        %swap3A_276 = arith.index_cast %select_n3A_65 : i32 to index
        %swap3A_277 = arith.index_cast %add3A_229 : i32 to index
        %swap3A_278 = arith.constant 32 : index
        %swap3A_279 = tpu.vector_load %arg9[%swap3A_276, %swap3A_277, %swap3A_278] {strides = array<i32>} : memref<2x128x128xf32, #tpu.memory_space<vmem>>, vector<16xf32>,
        tpu.vector_store %arg9[%swap3A_276, %swap3A_277, %swap3A_278], %bitcast3A_275 {strides = array<i32>} : memref<2x128x128xf32, #tpu.memory_space<vmem>>, vector<16xf32>,
        %get3A_280 = arith.index_cast %select_n3A_65 : i32 to index
        %get3A_281 = arith.index_cast %add3A_229 : i32 to index
        %get3A_282 = arith.constant 48 : index
        %get3A_283 = tpu.vector_load %arg8[%get3A_280, %get3A_281, %get3A_282] {strides = array<i32>} : memref<2x128x128xi32, #tpu.memory_space<vmem>>, vector<16xi32>,
        %shift_left3A_284 = vector.broadcast %mul3A_235 : i32 to vector<16xi32>
        %shift_left3A_285 = arith.shli %get3A_283, %shift_left3A_284 : vector<16xi32>
        %and3A_286 = vector.broadcast %select_n3A_240 : i32 to vector<16xi32>
        %and3A_287 = arith.andi %shift_left3A_285, %and3A_286 : vector<16xi32>
        %bitcast3A_288 = vector.bitcast %and3A_287 : vector<16xi32> to vector<16xf32>
        %swap3A_289 = arith.index_cast %select_n3A_65 : i32 to index
        %swap3A_290 = arith.index_cast %add3A_229 : i32 to index
        %swap3A_291 = arith.constant 48 : index
        %swap3A_292 = tpu.vector_load %arg9[%swap3A_289, %swap3A_290, %swap3A_291] {strides = array<i32>} : memref<2x128x128xf32, #tpu.memory_space<vmem>>, vector<16xf32>,
        tpu.vector_store %arg9[%swap3A_289, %swap3A_290, %swap3A_291], %bitcast3A_288 {strides = array<i32>} : memref<2x128x128xf32, #tpu.memory_space<vmem>>, vector<16xf32>,
        %get3A_293 = arith.index_cast %select_n3A_65 : i32 to index
        %get3A_294 = arith.index_cast %add3A_229 : i32 to index
        %get3A_295 = arith.constant 64 : index
        %get3A_296 = tpu.vector_load %arg8[%get3A_293, %get3A_294, %get3A_295] {strides = array<i32>} : memref<2x128x128xi32, #tpu.memory_space<vmem>>, vector<16xi32>,
        %shift_left3A_297 = vector.broadcast %mul3A_235 : i32 to vector<16xi32>
        %shift_left3A_298 = arith.shli %get3A_296, %shift_left3A_297 : vector<16xi32>
        %and3A_299 = vector.broadcast %select_n3A_240 : i32 to vector<16xi32>
        %and3A_300 = arith.andi %shift_left3A_298, %and3A_299 : vector<16xi32>
        %bitcast3A_301 = vector.bitcast %and3A_300 : vector<16xi32> to vector<16xf32>
        %swap3A_302 = arith.index_cast %select_n3A_65 : i32 to index
        %swap3A_303 = arith.index_cast %add3A_229 : i32 to index
        %swap3A_304 = arith.constant 64 : index
        %swap3A_305 = tpu.vector_load %arg9[%swap3A_302, %swap3A_303, %swap3A_304] {strides = array<i32>} : memref<2x128x128xf32, #tpu.memory_space<vmem>>, vector<16xf32>,
        tpu.vector_store %arg9[%swap3A_302, %swap3A_303, %swap3A_304], %bitcast3A_301 {strides = array<i32>} : memref<2x128x128xf32, #tpu.memory_space<vmem>>, vector<16xf32>,
        %get3A_306 = arith.index_cast %select_n3A_65 : i32 to index
        %get3A_307 = arith.index_cast %add3A_229 : i32 to index
        %get3A_308 = arith.constant 80 : index
        %get3A_309 = tpu.vector_load %arg8[%get3A_306, %get3A_307, %get3A_308] {strides = array<i32>} : memref<2x128x128xi32, #tpu.memory_space<vmem>>, vector<16xi32>,
        %shift_left3A_310 = vector.broadcast %mul3A_235 : i32 to vector<16xi32>
        %shift_left3A_311 = arith.shli %get3A_309, %shift_left3A_310 : vector<16xi32>
        %and3A_312 = vector.broadcast %select_n3A_240 : i32 to vector<16xi32>
        %and3A_313 = arith.andi %shift_left3A_311, %and3A_312 : vector<16xi32>
        %bitcast3A_314 = vector.bitcast %and3A_313 : vector<16xi32> to vector<16xf32>
        %swap3A_315 = arith.index_cast %select_n3A_65 : i32 to index
        %swap3A_316 = arith.index_cast %add3A_229 : i32 to index
        %swap3A_317 = arith.constant 80 : index
        %swap3A_318 = tpu.vector_load %arg9[%swap3A_315, %swap3A_316, %swap3A_317] {strides = array<i32>} : memref<2x128x128xf32, #tpu.memory_space<vmem>>, vector<16xf32>,
        tpu.vector_store %arg9[%swap3A_315, %swap3A_316, %swap3A_317], %bitcast3A_314 {strides = array<i32>} : memref<2x128x128xf32, #tpu.memory_space<vmem>>, vector<16xf32>,
        %get3A_319 = arith.index_cast %select_n3A_65 : i32 to index
        %get3A_320 = arith.index_cast %add3A_229 : i32 to index
        %get3A_321 = arith.constant 96 : index
        %get3A_322 = tpu.vector_load %arg8[%get3A_319, %get3A_320, %get3A_321] {strides = array<i32>} : memref<2x128x128xi32, #tpu.memory_space<vmem>>, vector<16xi32>,
        %shift_left3A_323 = vector.broadcast %mul3A_235 : i32 to vector<16xi32>
        %shift_left3A_324 = arith.shli %get3A_322, %shift_left3A_323 : vector<16xi32>
        %and3A_325 = vector.broadcast %select_n3A_240 : i32 to vector<16xi32>
        %and3A_326 = arith.andi %shift_left3A_324, %and3A_325 : vector<16xi32>
        %bitcast3A_327 = vector.bitcast %and3A_326 : vector<16xi32> to vector<16xf32>
        %swap3A_328 = arith.index_cast %select_n3A_65 : i32 to index
        %swap3A_329 = arith.index_cast %add3A_229 : i32 to index
        %swap3A_330 = arith.constant 96 : index
        %swap3A_331 = tpu.vector_load %arg9[%swap3A_328, %swap3A_329, %swap3A_330] {strides = array<i32>} : memref<2x128x128xf32, #tpu.memory_space<vmem>>, vector<16xf32>,
        tpu.vector_store %arg9[%swap3A_328, %swap3A_329, %swap3A_330], %bitcast3A_327 {strides = array<i32>} : memref<2x128x128xf32, #tpu.memory_space<vmem>>, vector<16xf32>,
        %get3A_332 = arith.index_cast %select_n3A_65 : i32 to index
        %get3A_333 = arith.index_cast %add3A_229 : i32 to index
        %get3A_334 = arith.constant 112 : index
        %get3A_335 = tpu.vector_load %arg8[%get3A_332, %get3A_333, %get3A_334] {strides = array<i32>} : memref<2x128x128xi32, #tpu.memory_space<vmem>>, vector<16xi32>,
        %shift_left3A_336 = vector.broadcast %mul3A_235 : i32 to vector<16xi32>
        %shift_left3A_337 = arith.shli %get3A_335, %shift_left3A_336 : vector<16xi32>
        %and3A_338 = vector.broadcast %select_n3A_240 : i32 to vector<16xi32>
        %and3A_339 = arith.andi %shift_left3A_337, %and3A_338 : vector<16xi32>
        %bitcast3A_340 = vector.bitcast %and3A_339 : vector<16xi32> to vector<16xf32>
        %swap3A_341 = arith.index_cast %select_n3A_65 : i32 to index
        %swap3A_342 = arith.index_cast %add3A_229 : i32 to index
        %swap3A_343 = arith.constant 112 : index
        %swap3A_344 = tpu.vector_load %arg9[%swap3A_341, %swap3A_342, %swap3A_343] {strides = array<i32>} : memref<2x128x128xf32, #tpu.memory_space<vmem>>, vector<16xf32>,
        tpu.vector_store %arg9[%swap3A_341, %swap3A_342, %swap3A_343], %bitcast3A_340 {strides = array<i32>} : memref<2x128x128xf32, #tpu.memory_space<vmem>>, vector<16xf32>,
        %mul3A_345 = arith.constant 16 : i32
        %mul3A_346 = arith.muli %scan3A_108, %mul3A_345 : i32
        %add3A_347 = arith.constant 2 : i32
        %add3A_348 = arith.addi %mul3A_346, %add3A_347 : i32
        %slice3A_349 = vector.extract_strided_slice %get3A_112 {offsets = [2], sizes = [1], strides = [1]} : vector<16xi32> to vector<1xi32>
        %squeeze3A_350 = vector.extract %slice3A_349[0] : i32 from vector<1xi32>
        %sub3A_351 = arith.constant 1 : i32
        %sub3A_352 = arith.subi %sub3A_351, %squeeze3A_350 : i32
        %mul3A_353 = arith.constant 16 : i32
        %mul3A_354 = arith.muli %sub3A_352, %mul3A_353 : i32
        %eq3A_355 = arith.constant 1 : i32
        %eq3A_356 = arith.cmpi eq, %squeeze3A_350, %eq3A_355 : i32
        %jit3A_357 = arith.constant -65536 : i32
        %jit3A_358 = arith.constant -1 : i32
        %select_n3A_359 = arith.select %eq3A_356, %jit3A_357, %jit3A_358 : i32
        %get3A_360 = arith.index_cast %select_n3A_65 : i32 to index
        %get3A_361 = arith.index_cast %add3A_348 : i32 to index
        %get3A_362 = arith.constant 0 : index
        %get3A_363 = tpu.vector_load %arg8[%get3A_360, %get3A_361, %get3A_362] {strides = array<i32>} : memref<2x128x128xi32, #tpu.memory_space<vmem>>, vector<16xi32>,
        %shift_left3A_364 = vector.broadcast %mul3A_354 : i32 to vector<16xi32>
        %shift_left3A_365 = arith.shli %get3A_363, %shift_left3A_364 : vector<16xi32>
        %and3A_366 = vector.broadcast %select_n3A_359 : i32 to vector<16xi32>
        %and3A_367 = arith.andi %shift_left3A_365, %and3A_366 : vector<16xi32>
        %bitcast3A_368 = vector.bitcast %and3A_367 : vector<16xi32> to vector<16xf32>
        %swap3A_369 = arith.index_cast %select_n3A_65 : i32 to index
        %swap3A_370 = arith.index_cast %add3A_348 : i32 to index
        %swap3A_371 = arith.constant 0 : index
        %swap3A_372 = tpu.vector_load %arg9[%swap3A_369, %swap3A_370, %swap3A_371] {strides = array<i32>} : memref<2x128x128xf32, #tpu.memory_space<vmem>>, vector<16xf32>,
        tpu.vector_store %arg9[%swap3A_369, %swap3A_370, %swap3A_371], %bitcast3A_368 {strides = array<i32>} : memref<2x128x128xf32, #tpu.memory_space<vmem>>, vector<16xf32>,
        %get3A_373 = arith.index_cast %select_n3A_65 : i32 to index
        %get3A_374 = arith.index_cast %add3A_348 : i32 to index
        %get3A_375 = arith.constant 16 : index
        %get3A_376 = tpu.vector_load %arg8[%get3A_373, %get3A_374, %get3A_375] {strides = array<i32>} : memref<2x128x128xi32, #tpu.memory_space<vmem>>, vector<16xi32>,
        %shift_left3A_377 = vector.broadcast %mul3A_354 : i32 to vector<16xi32>
        %shift_left3A_378 = arith.shli %get3A_376, %shift_left3A_377 : vector<16xi32>
        %and3A_379 = vector.broadcast %select_n3A_359 : i32 to vector<16xi32>
        %and3A_380 = arith.andi %shift_left3A_378, %and3A_379 : vector<16xi32>
        %bitcast3A_381 = vector.bitcast %and3A_380 : vector<16xi32> to vector<16xf32>
        %swap3A_382 = arith.index_cast %select_n3A_65 : i32 to index
        %swap3A_383 = arith.index_cast %add3A_348 : i32 to index
        %swap3A_384 = arith.constant 16 : index
        %swap3A_385 = tpu.vector_load %arg9[%swap3A_382, %swap3A_383, %swap3A_384] {strides = array<i32>} : memref<2x128x128xf32, #tpu.memory_space<vmem>>, vector<16xf32>,
        tpu.vector_store %arg9[%swap3A_382, %swap3A_383, %swap3A_384], %bitcast3A_381 {strides = array<i32>} : memref<2x128x128xf32, #tpu.memory_space<vmem>>, vector<16xf32>,
        %get3A_386 = arith.index_cast %select_n3A_65 : i32 to index
        %get3A_387 = arith.index_cast %add3A_348 : i32 to index
        %get3A_388 = arith.constant 32 : index
        %get3A_389 = tpu.vector_load %arg8[%get3A_386, %get3A_387, %get3A_388] {strides = array<i32>} : memref<2x128x128xi32, #tpu.memory_space<vmem>>, vector<16xi32>,
        %shift_left3A_390 = vector.broadcast %mul3A_354 : i32 to vector<16xi32>
        %shift_left3A_391 = arith.shli %get3A_389, %shift_left3A_390 : vector<16xi32>
        %and3A_392 = vector.broadcast %select_n3A_359 : i32 to vector<16xi32>
        %and3A_393 = arith.andi %shift_left3A_391, %and3A_392 : vector<16xi32>
        %bitcast3A_394 = vector.bitcast %and3A_393 : vector<16xi32> to vector<16xf32>
        %swap3A_395 = arith.index_cast %select_n3A_65 : i32 to index
        %swap3A_396 = arith.index_cast %add3A_348 : i32 to index
        %swap3A_397 = arith.constant 32 : index
        %swap3A_398 = tpu.vector_load %arg9[%swap3A_395, %swap3A_396, %swap3A_397] {strides = array<i32>} : memref<2x128x128xf32, #tpu.memory_space<vmem>>, vector<16xf32>,
        tpu.vector_store %arg9[%swap3A_395, %swap3A_396, %swap3A_397], %bitcast3A_394 {strides = array<i32>} : memref<2x128x128xf32, #tpu.memory_space<vmem>>, vector<16xf32>,
        %get3A_399 = arith.index_cast %select_n3A_65 : i32 to index
        %get3A_400 = arith.index_cast %add3A_348 : i32 to index
        %get3A_401 = arith.constant 48 : index
        %get3A_402 = tpu.vector_load %arg8[%get3A_399, %get3A_400, %get3A_401] {strides = array<i32>} : memref<2x128x128xi32, #tpu.memory_space<vmem>>, vector<16xi32>,
        %shift_left3A_403 = vector.broadcast %mul3A_354 : i32 to vector<16xi32>
        %shift_left3A_404 = arith.shli %get3A_402, %shift_left3A_403 : vector<16xi32>
        %and3A_405 = vector.broadcast %select_n3A_359 : i32 to vector<16xi32>
        %and3A_406 = arith.andi %shift_left3A_404, %and3A_405 : vector<16xi32>
        %bitcast3A_407 = vector.bitcast %and3A_406 : vector<16xi32> to vector<16xf32>
        %swap3A_408 = arith.index_cast %select_n3A_65 : i32 to index
        %swap3A_409 = arith.index_cast %add3A_348 : i32 to index
        %swap3A_410 = arith.constant 48 : index
        %swap3A_411 = tpu.vector_load %arg9[%swap3A_408, %swap3A_409, %swap3A_410] {strides = array<i32>} : memref<2x128x128xf32, #tpu.memory_space<vmem>>, vector<16xf32>,
        tpu.vector_store %arg9[%swap3A_408, %swap3A_409, %swap3A_410], %bitcast3A_407 {strides = array<i32>} : memref<2x128x128xf32, #tpu.memory_space<vmem>>, vector<16xf32>,
        %get3A_412 = arith.index_cast %select_n3A_65 : i32 to index
        %get3A_413 = arith.index_cast %add3A_348 : i32 to index
        %get3A_414 = arith.constant 64 : index
        %get3A_415 = tpu.vector_load %arg8[%get3A_412, %get3A_413, %get3A_414] {strides = array<i32>} : memref<2x128x128xi32, #tpu.memory_space<vmem>>, vector<16xi32>,
        %shift_left3A_416 = vector.broadcast %mul3A_354 : i32 to vector<16xi32>
        %shift_left3A_417 = arith.shli %get3A_415, %shift_left3A_416 : vector<16xi32>
        %and3A_418 = vector.broadcast %select_n3A_359 : i32 to vector<16xi32>
        %and3A_419 = arith.andi %shift_left3A_417, %and3A_418 : vector<16xi32>
        %bitcast3A_420 = vector.bitcast %and3A_419 : vector<16xi32> to vector<16xf32>
        %swap3A_421 = arith.index_cast %select_n3A_65 : i32 to index
        %swap3A_422 = arith.index_cast %add3A_348 : i32 to index
        %swap3A_423 = arith.constant 64 : index
        %swap3A_424 = tpu.vector_load %arg9[%swap3A_421, %swap3A_422, %swap3A_423] {strides = array<i32>} : memref<2x128x128xf32, #tpu.memory_space<vmem>>, vector<16xf32>,
        tpu.vector_store %arg9[%swap3A_421, %swap3A_422, %swap3A_423], %bitcast3A_420 {strides = array<i32>} : memref<2x128x128xf32, #tpu.memory_space<vmem>>, vector<16xf32>,
        %get3A_425 = arith.index_cast %select_n3A_65 : i32 to index
        %get3A_426 = arith.index_cast %add3A_348 : i32 to index
        %get3A_427 = arith.constant 80 : index
        %get3A_428 = tpu.vector_load %arg8[%get3A_425, %get3A_426, %get3A_427] {strides = array<i32>} : memref<2x128x128xi32, #tpu.memory_space<vmem>>, vector<16xi32>,
        %shift_left3A_429 = vector.broadcast %mul3A_354 : i32 to vector<16xi32>
        %shift_left3A_430 = arith.shli %get3A_428, %shift_left3A_429 : vector<16xi32>
        %and3A_431 = vector.broadcast %select_n3A_359 : i32 to vector<16xi32>
        %and3A_432 = arith.andi %shift_left3A_430, %and3A_431 : vector<16xi32>
        %bitcast3A_433 = vector.bitcast %and3A_432 : vector<16xi32> to vector<16xf32>
        %swap3A_434 = arith.index_cast %select_n3A_65 : i32 to index
        %swap3A_435 = arith.index_cast %add3A_348 : i32 to index
        %swap3A_436 = arith.constant 80 : index
        %swap3A_437 = tpu.vector_load %arg9[%swap3A_434, %swap3A_435, %swap3A_436] {strides = array<i32>} : memref<2x128x128xf32, #tpu.memory_space<vmem>>, vector<16xf32>,
        tpu.vector_store %arg9[%swap3A_434, %swap3A_435, %swap3A_436], %bitcast3A_433 {strides = array<i32>} : memref<2x128x128xf32, #tpu.memory_space<vmem>>, vector<16xf32>,
        %get3A_438 = arith.index_cast %select_n3A_65 : i32 to index
        %get3A_439 = arith.index_cast %add3A_348 : i32 to index
        %get3A_440 = arith.constant 96 : index
        %get3A_441 = tpu.vector_load %arg8[%get3A_438, %get3A_439, %get3A_440] {strides = array<i32>} : memref<2x128x128xi32, #tpu.memory_space<vmem>>, vector<16xi32>,
        %shift_left3A_442 = vector.broadcast %mul3A_354 : i32 to vector<16xi32>
        %shift_left3A_443 = arith.shli %get3A_441, %shift_left3A_442 : vector<16xi32>
        %and3A_444 = vector.broadcast %select_n3A_359 : i32 to vector<16xi32>
        %and3A_445 = arith.andi %shift_left3A_443, %and3A_444 : vector<16xi32>
        %bitcast3A_446 = vector.bitcast %and3A_445 : vector<16xi32> to vector<16xf32>
        %swap3A_447 = arith.index_cast %select_n3A_65 : i32 to index
        %swap3A_448 = arith.index_cast %add3A_348 : i32 to index
        %swap3A_449 = arith.constant 96 : index
        %swap3A_450 = tpu.vector_load %arg9[%swap3A_447, %swap3A_448, %swap3A_449] {strides = array<i32>} : memref<2x128x128xf32, #tpu.memory_space<vmem>>, vector<16xf32>,
        tpu.vector_store %arg9[%swap3A_447, %swap3A_448, %swap3A_449], %bitcast3A_446 {strides = array<i32>} : memref<2x128x128xf32, #tpu.memory_space<vmem>>, vector<16xf32>,
        %get3A_451 = arith.index_cast %select_n3A_65 : i32 to index
        %get3A_452 = arith.index_cast %add3A_348 : i32 to index
        %get3A_453 = arith.constant 112 : index
        %get3A_454 = tpu.vector_load %arg8[%get3A_451, %get3A_452, %get3A_453] {strides = array<i32>} : memref<2x128x128xi32, #tpu.memory_space<vmem>>, vector<16xi32>,
        %shift_left3A_455 = vector.broadcast %mul3A_354 : i32 to vector<16xi32>
        %shift_left3A_456 = arith.shli %get3A_454, %shift_left3A_455 : vector<16xi32>
        %and3A_457 = vector.broadcast %select_n3A_359 : i32 to vector<16xi32>
        %and3A_458 = arith.andi %shift_left3A_456, %and3A_457 : vector<16xi32>
        %bitcast3A_459 = vector.bitcast %and3A_458 : vector<16xi32> to vector<16xf32>
        %swap3A_460 = arith.index_cast %select_n3A_65 : i32 to index
        %swap3A_461 = arith.index_cast %add3A_348 : i32 to index
        %swap3A_462 = arith.constant 112 : index
        %swap3A_463 = tpu.vector_load %arg9[%swap3A_460, %swap3A_461, %swap3A_462] {strides = array<i32>} : memref<2x128x128xf32, #tpu.memory_space<vmem>>, vector<16xf32>,
        tpu.vector_store %arg9[%swap3A_460, %swap3A_461, %swap3A_462], %bitcast3A_459 {strides = array<i32>} : memref<2x128x128xf32, #tpu.memory_space<vmem>>, vector<16xf32>,
        %mul3A_464 = arith.constant 16 : i32
        %mul3A_465 = arith.muli %scan3A_108, %mul3A_464 : i32
        %add3A_466 = arith.constant 3 : i32
        %add3A_467 = arith.addi %mul3A_465, %add3A_466 : i32
        %slice3A_468 = vector.extract_strided_slice %get3A_112 {offsets = [3], sizes = [1], strides = [1]} : vector<16xi32> to vector<1xi32>
        %squeeze3A_469 = vector.extract %slice3A_468[0] : i32 from vector<1xi32>
        %sub3A_470 = arith.constant 1 : i32
        %sub3A_471 = arith.subi %sub3A_470, %squeeze3A_469 : i32
        %mul3A_472 = arith.constant 16 : i32
        %mul3A_473 = arith.muli %sub3A_471, %mul3A_472 : i32
        %eq3A_474 = arith.constant 1 : i32
        %eq3A_475 = arith.cmpi eq, %squeeze3A_469, %eq3A_474 : i32
        %jit3A_476 = arith.constant -65536 : i32
        %jit3A_477 = arith.constant -1 : i32
        %select_n3A_478 = arith.select %eq3A_475, %jit3A_476, %jit3A_477 : i32
        %get3A_479 = arith.index_cast %select_n3A_65 : i32 to index
        %get3A_480 = arith.index_cast %add3A_467 : i32 to index
        %get3A_481 = arith.constant 0 : index
        %get3A_482 = tpu.vector_load %arg8[%get3A_479, %get3A_480, %get3A_481] {strides = array<i32>} : memref<2x128x128xi32, #tpu.memory_space<vmem>>, vector<16xi32>,
        %shift_left3A_483 = vector.broadcast %mul3A_473 : i32 to vector<16xi32>
        %shift_left3A_484 = arith.shli %get3A_482, %shift_left3A_483 : vector<16xi32>
        %and3A_485 = vector.broadcast %select_n3A_478 : i32 to vector<16xi32>
        %and3A_486 = arith.andi %shift_left3A_484, %and3A_485 : vector<16xi32>
        %bitcast3A_487 = vector.bitcast %and3A_486 : vector<16xi32> to vector<16xf32>
        %swap3A_488 = arith.index_cast %select_n3A_65 : i32 to index
        %swap3A_489 = arith.index_cast %add3A_467 : i32 to index
        %swap3A_490 = arith.constant 0 : index
        %swap3A_491 = tpu.vector_load %arg9[%swap3A_488, %swap3A_489, %swap3A_490] {strides = array<i32>} : memref<2x128x128xf32, #tpu.memory_space<vmem>>, vector<16xf32>,
        tpu.vector_store %arg9[%swap3A_488, %swap3A_489, %swap3A_490], %bitcast3A_487 {strides = array<i32>} : memref<2x128x128xf32, #tpu.memory_space<vmem>>, vector<16xf32>,
        %get3A_492 = arith.index_cast %select_n3A_65 : i32 to index
        %get3A_493 = arith.index_cast %add3A_467 : i32 to index
        %get3A_494 = arith.constant 16 : index
        %get3A_495 = tpu.vector_load %arg8[%get3A_492, %get3A_493, %get3A_494] {strides = array<i32>} : memref<2x128x128xi32, #tpu.memory_space<vmem>>, vector<16xi32>,
        %shift_left3A_496 = vector.broadcast %mul3A_473 : i32 to vector<16xi32>
        %shift_left3A_497 = arith.shli %get3A_495, %shift_left3A_496 : vector<16xi32>
        %and3A_498 = vector.broadcast %select_n3A_478 : i32 to vector<16xi32>
        %and3A_499 = arith.andi %shift_left3A_497, %and3A_498 : vector<16xi32>
        %bitcast3A_500 = vector.bitcast %and3A_499 : vector<16xi32> to vector<16xf32>
        %swap3A_501 = arith.index_cast %select_n3A_65 : i32 to index
        %swap3A_502 = arith.index_cast %add3A_467 : i32 to index
        %swap3A_503 = arith.constant 16 : index
        %swap3A_504 = tpu.vector_load %arg9[%swap3A_501, %swap3A_502, %swap3A_503] {strides = array<i32>} : memref<2x128x128xf32, #tpu.memory_space<vmem>>, vector<16xf32>,
        tpu.vector_store %arg9[%swap3A_501, %swap3A_502, %swap3A_503], %bitcast3A_500 {strides = array<i32>} : memref<2x128x128xf32, #tpu.memory_space<vmem>>, vector<16xf32>,
        %get3A_505 = arith.index_cast %select_n3A_65 : i32 to index
        %get3A_506 = arith.index_cast %add3A_467 : i32 to index
        %get3A_507 = arith.constant 32 : index
        %get3A_508 = tpu.vector_load %arg8[%get3A_505, %get3A_506, %get3A_507] {strides = array<i32>} : memref<2x128x128xi32, #tpu.memory_space<vmem>>, vector<16xi32>,
        %shift_left3A_509 = vector.broadcast %mul3A_473 : i32 to vector<16xi32>
        %shift_left3A_510 = arith.shli %get3A_508, %shift_left3A_509 : vector<16xi32>
        %and3A_511 = vector.broadcast %select_n3A_478 : i32 to vector<16xi32>
        %and3A_512 = arith.andi %shift_left3A_510, %and3A_511 : vector<16xi32>
        %bitcast3A_513 = vector.bitcast %and3A_512 : vector<16xi32> to vector<16xf32>
        %swap3A_514 = arith.index_cast %select_n3A_65 : i32 to index
        %swap3A_515 = arith.index_cast %add3A_467 : i32 to index
        %swap3A_516 = arith.constant 32 : index
        %swap3A_517 = tpu.vector_load %arg9[%swap3A_514, %swap3A_515, %swap3A_516] {strides = array<i32>} : memref<2x128x128xf32, #tpu.memory_space<vmem>>, vector<16xf32>,
        tpu.vector_store %arg9[%swap3A_514, %swap3A_515, %swap3A_516], %bitcast3A_513 {strides = array<i32>} : memref<2x128x128xf32, #tpu.memory_space<vmem>>, vector<16xf32>,
        %get3A_518 = arith.index_cast %select_n3A_65 : i32 to index
        %get3A_519 = arith.index_cast %add3A_467 : i32 to index
        %get3A_520 = arith.constant 48 : index
        %get3A_521 = tpu.vector_load %arg8[%get3A_518, %get3A_519, %get3A_520] {strides = array<i32>} : memref<2x128x128xi32, #tpu.memory_space<vmem>>, vector<16xi32>,
        %shift_left3A_522 = vector.broadcast %mul3A_473 : i32 to vector<16xi32>
        %shift_left3A_523 = arith.shli %get3A_521, %shift_left3A_522 : vector<16xi32>
        %and3A_524 = vector.broadcast %select_n3A_478 : i32 to vector<16xi32>
        %and3A_525 = arith.andi %shift_left3A_523, %and3A_524 : vector<16xi32>
        %bitcast3A_526 = vector.bitcast %and3A_525 : vector<16xi32> to vector<16xf32>
        %swap3A_527 = arith.index_cast %select_n3A_65 : i32 to index
        %swap3A_528 = arith.index_cast %add3A_467 : i32 to index
        %swap3A_529 = arith.constant 48 : index
        %swap3A_530 = tpu.vector_load %arg9[%swap3A_527, %swap3A_528, %swap3A_529] {strides = array<i32>} : memref<2x128x128xf32, #tpu.memory_space<vmem>>, vector<16xf32>,
        tpu.vector_store %arg9[%swap3A_527, %swap3A_528, %swap3A_529], %bitcast3A_526 {strides = array<i32>} : memref<2x128x128xf32, #tpu.memory_space<vmem>>, vector<16xf32>,
        %get3A_531 = arith.index_cast %select_n3A_65 : i32 to index
        %get3A_532 = arith.index_cast %add3A_467 : i32 to index
        %get3A_533 = arith.constant 64 : index
        %get3A_534 = tpu.vector_load %arg8[%get3A_531, %get3A_532, %get3A_533] {strides = array<i32>} : memref<2x128x128xi32, #tpu.memory_space<vmem>>, vector<16xi32>,
        %shift_left3A_535 = vector.broadcast %mul3A_473 : i32 to vector<16xi32>
        %shift_left3A_536 = arith.shli %get3A_534, %shift_left3A_535 : vector<16xi32>
        %and3A_537 = vector.broadcast %select_n3A_478 : i32 to vector<16xi32>
        %and3A_538 = arith.andi %shift_left3A_536, %and3A_537 : vector<16xi32>
        %bitcast3A_539 = vector.bitcast %and3A_538 : vector<16xi32> to vector<16xf32>
        %swap3A_540 = arith.index_cast %select_n3A_65 : i32 to index
        %swap3A_541 = arith.index_cast %add3A_467 : i32 to index
        %swap3A_542 = arith.constant 64 : index
        %swap3A_543 = tpu.vector_load %arg9[%swap3A_540, %swap3A_541, %swap3A_542] {strides = array<i32>} : memref<2x128x128xf32, #tpu.memory_space<vmem>>, vector<16xf32>,
        tpu.vector_store %arg9[%swap3A_540, %swap3A_541, %swap3A_542], %bitcast3A_539 {strides = array<i32>} : memref<2x128x128xf32, #tpu.memory_space<vmem>>, vector<16xf32>,
        %get3A_544 = arith.index_cast %select_n3A_65 : i32 to index
        %get3A_545 = arith.index_cast %add3A_467 : i32 to index
        %get3A_546 = arith.constant 80 : index
        %get3A_547 = tpu.vector_load %arg8[%get3A_544, %get3A_545, %get3A_546] {strides = array<i32>} : memref<2x128x128xi32, #tpu.memory_space<vmem>>, vector<16xi32>,
        %shift_left3A_548 = vector.broadcast %mul3A_473 : i32 to vector<16xi32>
        %shift_left3A_549 = arith.shli %get3A_547, %shift_left3A_548 : vector<16xi32>
        %and3A_550 = vector.broadcast %select_n3A_478 : i32 to vector<16xi32>
        %and3A_551 = arith.andi %shift_left3A_549, %and3A_550 : vector<16xi32>
        %bitcast3A_552 = vector.bitcast %and3A_551 : vector<16xi32> to vector<16xf32>
        %swap3A_553 = arith.index_cast %select_n3A_65 : i32 to index
        %swap3A_554 = arith.index_cast %add3A_467 : i32 to index
        %swap3A_555 = arith.constant 80 : index
        %swap3A_556 = tpu.vector_load %arg9[%swap3A_553, %swap3A_554, %swap3A_555] {strides = array<i32>} : memref<2x128x128xf32, #tpu.memory_space<vmem>>, vector<16xf32>,
        tpu.vector_store %arg9[%swap3A_553, %swap3A_554, %swap3A_555], %bitcast3A_552 {strides = array<i32>} : memref<2x128x128xf32, #tpu.memory_space<vmem>>, vector<16xf32>,
        %get3A_557 = arith.index_cast %select_n3A_65 : i32 to index
        %get3A_558 = arith.index_cast %add3A_467 : i32 to index
        %get3A_559 = arith.constant 96 : index
        %get3A_560 = tpu.vector_load %arg8[%get3A_557, %get3A_558, %get3A_559] {strides = array<i32>} : memref<2x128x128xi32, #tpu.memory_space<vmem>>, vector<16xi32>,
        %shift_left3A_561 = vector.broadcast %mul3A_473 : i32 to vector<16xi32>
        %shift_left3A_562 = arith.shli %get3A_560, %shift_left3A_561 : vector<16xi32>
        %and3A_563 = vector.broadcast %select_n3A_478 : i32 to vector<16xi32>
        %and3A_564 = arith.andi %shift_left3A_562, %and3A_563 : vector<16xi32>
        %bitcast3A_565 = vector.bitcast %and3A_564 : vector<16xi32> to vector<16xf32>
        %swap3A_566 = arith.index_cast %select_n3A_65 : i32 to index
        %swap3A_567 = arith.index_cast %add3A_467 : i32 to index
        %swap3A_568 = arith.constant 96 : index
        %swap3A_569 = tpu.vector_load %arg9[%swap3A_566, %swap3A_567, %swap3A_568] {strides = array<i32>} : memref<2x128x128xf32, #tpu.memory_space<vmem>>, vector<16xf32>,
        tpu.vector_store %arg9[%swap3A_566, %swap3A_567, %swap3A_568], %bitcast3A_565 {strides = array<i32>} : memref<2x128x128xf32, #tpu.memory_space<vmem>>, vector<16xf32>,
        %get3A_570 = arith.index_cast %select_n3A_65 : i32 to index
        %get3A_571 = arith.index_cast %add3A_467 : i32 to index
        %get3A_572 = arith.constant 112 : index
        %get3A_573 = tpu.vector_load %arg8[%get3A_570, %get3A_571, %get3A_572] {strides = array<i32>} : memref<2x128x128xi32, #tpu.memory_space<vmem>>, vector<16xi32>,
        %shift_left3A_574 = vector.broadcast %mul3A_473 : i32 to vector<16xi32>
        %shift_left3A_575 = arith.shli %get3A_573, %shift_left3A_574 : vector<16xi32>
        %and3A_576 = vector.broadcast %select_n3A_478 : i32 to vector<16xi32>
        %and3A_577 = arith.andi %shift_left3A_575, %and3A_576 : vector<16xi32>
        %bitcast3A_578 = vector.bitcast %and3A_577 : vector<16xi32> to vector<16xf32>
        %swap3A_579 = arith.index_cast %select_n3A_65 : i32 to index
        %swap3A_580 = arith.index_cast %add3A_467 : i32 to index
        %swap3A_581 = arith.constant 112 : index
        %swap3A_582 = tpu.vector_load %arg9[%swap3A_579, %swap3A_580, %swap3A_581] {strides = array<i32>} : memref<2x128x128xf32, #tpu.memory_space<vmem>>, vector<16xf32>,
        tpu.vector_store %arg9[%swap3A_579, %swap3A_580, %swap3A_581], %bitcast3A_578 {strides = array<i32>} : memref<2x128x128xf32, #tpu.memory_space<vmem>>, vector<16xf32>,
        %mul3A_583 = arith.constant 16 : i32
        %mul3A_584 = arith.muli %scan3A_108, %mul3A_583 : i32
        %add3A_585 = arith.constant 4 : i32
        %add3A_586 = arith.addi %mul3A_584, %add3A_585 : i32
        %slice3A_587 = vector.extract_strided_slice %get3A_112 {offsets = [4], sizes = [1], strides = [1]} : vector<16xi32> to vector<1xi32>
        %squeeze3A_588 = vector.extract %slice3A_587[0] : i32 from vector<1xi32>
        %sub3A_589 = arith.constant 1 : i32
        %sub3A_590 = arith.subi %sub3A_589, %squeeze3A_588 : i32
        %mul3A_591 = arith.constant 16 : i32
        %mul3A_592 = arith.muli %sub3A_590, %mul3A_591 : i32
        %eq3A_593 = arith.constant 1 : i32
        %eq3A_594 = arith.cmpi eq, %squeeze3A_588, %eq3A_593 : i32
        %jit3A_595 = arith.constant -65536 : i32
        %jit3A_596 = arith.constant -1 : i32
        %select_n3A_597 = arith.select %eq3A_594, %jit3A_595, %jit3A_596 : i32
        %get3A_598 = arith.index_cast %select_n3A_65 : i32 to index
        %get3A_599 = arith.index_cast %add3A_586 : i32 to index
        %get3A_600 = arith.constant 0 : index
        %get3A_601 = tpu.vector_load %arg8[%get3A_598, %get3A_599, %get3A_600] {strides = array<i32>} : memref<2x128x128xi32, #tpu.memory_space<vmem>>, vector<16xi32>,
        %shift_left3A_602 = vector.broadcast %mul3A_592 : i32 to vector<16xi32>
        %shift_left3A_603 = arith.shli %get3A_601, %shift_left3A_602 : vector<16xi32>
        %and3A_604 = vector.broadcast %select_n3A_597 : i32 to vector<16xi32>
        %and3A_605 = arith.andi %shift_left3A_603, %and3A_604 : vector<16xi32>
        %bitcast3A_606 = vector.bitcast %and3A_605 : vector<16xi32> to vector<16xf32>
        %swap3A_607 = arith.index_cast %select_n3A_65 : i32 to index
        %swap3A_608 = arith.index_cast %add3A_586 : i32 to index
        %swap3A_609 = arith.constant 0 : index
        %swap3A_610 = tpu.vector_load %arg9[%swap3A_607, %swap3A_608, %swap3A_609] {strides = array<i32>} : memref<2x128x128xf32, #tpu.memory_space<vmem>>, vector<16xf32>,
        tpu.vector_store %arg9[%swap3A_607, %swap3A_608, %swap3A_609], %bitcast3A_606 {strides = array<i32>} : memref<2x128x128xf32, #tpu.memory_space<vmem>>, vector<16xf32>,
        %get3A_611 = arith.index_cast %select_n3A_65 : i32 to index
        %get3A_612 = arith.index_cast %add3A_586 : i32 to index
        %get3A_613 = arith.constant 16 : index
        %get3A_614 = tpu.vector_load %arg8[%get3A_611, %get3A_612, %get3A_613] {strides = array<i32>} : memref<2x128x128xi32, #tpu.memory_space<vmem>>, vector<16xi32>,
        %shift_left3A_615 = vector.broadcast %mul3A_592 : i32 to vector<16xi32>
        %shift_left3A_616 = arith.shli %get3A_614, %shift_left3A_615 : vector<16xi32>
        %and3A_617 = vector.broadcast %select_n3A_597 : i32 to vector<16xi32>
        %and3A_618 = arith.andi %shift_left3A_616, %and3A_617 : vector<16xi32>
        %bitcast3A_619 = vector.bitcast %and3A_618 : vector<16xi32> to vector<16xf32>
        %swap3A_620 = arith.index_cast %select_n3A_65 : i32 to index
        %swap3A_621 = arith.index_cast %add3A_586 : i32 to index
        %swap3A_622 = arith.constant 16 : index
        %swap3A_623 = tpu.vector_load %arg9[%swap3A_620, %swap3A_621, %swap3A_622] {strides = array<i32>} : memref<2x128x128xf32, #tpu.memory_space<vmem>>, vector<16xf32>,
        tpu.vector_store %arg9[%swap3A_620, %swap3A_621, %swap3A_622], %bitcast3A_619 {strides = array<i32>} : memref<2x128x128xf32, #tpu.memory_space<vmem>>, vector<16xf32>,
        %get3A_624 = arith.index_cast %select_n3A_65 : i32 to index
        %get3A_625 = arith.index_cast %add3A_586 : i32 to index
        %get3A_626 = arith.constant 32 : index
        %get3A_627 = tpu.vector_load %arg8[%get3A_624, %get3A_625, %get3A_626] {strides = array<i32>} : memref<2x128x128xi32, #tpu.memory_space<vmem>>, vector<16xi32>,
        %shift_left3A_628 = vector.broadcast %mul3A_592 : i32 to vector<16xi32>
        %shift_left3A_629 = arith.shli %get3A_627, %shift_left3A_628 : vector<16xi32>
        %and3A_630 = vector.broadcast %select_n3A_597 : i32 to vector<16xi32>
        %and3A_631 = arith.andi %shift_left3A_629, %and3A_630 : vector<16xi32>
        %bitcast3A_632 = vector.bitcast %and3A_631 : vector<16xi32> to vector<16xf32>
        %swap3A_633 = arith.index_cast %select_n3A_65 : i32 to index
        %swap3A_634 = arith.index_cast %add3A_586 : i32 to index
        %swap3A_635 = arith.constant 32 : index
        %swap3A_636 = tpu.vector_load %arg9[%swap3A_633, %swap3A_634, %swap3A_635] {strides = array<i32>} : memref<2x128x128xf32, #tpu.memory_space<vmem>>, vector<16xf32>,
        tpu.vector_store %arg9[%swap3A_633, %swap3A_634, %swap3A_635], %bitcast3A_632 {strides = array<i32>} : memref<2x128x128xf32, #tpu.memory_space<vmem>>, vector<16xf32>,
        %get3A_637 = arith.index_cast %select_n3A_65 : i32 to index
        %get3A_638 = arith.index_cast %add3A_586 : i32 to index
        %get3A_639 = arith.constant 48 : index
        %get3A_640 = tpu.vector_load %arg8[%get3A_637, %get3A_638, %get3A_639] {strides = array<i32>} : memref<2x128x128xi32, #tpu.memory_space<vmem>>, vector<16xi32>,
        %shift_left3A_641 = vector.broadcast %mul3A_592 : i32 to vector<16xi32>
        %shift_left3A_642 = arith.shli %get3A_640, %shift_left3A_641 : vector<16xi32>
        %and3A_643 = vector.broadcast %select_n3A_597 : i32 to vector<16xi32>
        %and3A_644 = arith.andi %shift_left3A_642, %and3A_643 : vector<16xi32>
        %bitcast3A_645 = vector.bitcast %and3A_644 : vector<16xi32> to vector<16xf32>
        %swap3A_646 = arith.index_cast %select_n3A_65 : i32 to index
        %swap3A_647 = arith.index_cast %add3A_586 : i32 to index
        %swap3A_648 = arith.constant 48 : index
        %swap3A_649 = tpu.vector_load %arg9[%swap3A_646, %swap3A_647, %swap3A_648] {strides = array<i32>} : memref<2x128x128xf32, #tpu.memory_space<vmem>>, vector<16xf32>,
        tpu.vector_store %arg9[%swap3A_646, %swap3A_647, %swap3A_648], %bitcast3A_645 {strides = array<i32>} : memref<2x128x128xf32, #tpu.memory_space<vmem>>, vector<16xf32>,
        %get3A_650 = arith.index_cast %select_n3A_65 : i32 to index
        %get3A_651 = arith.index_cast %add3A_586 : i32 to index
        %get3A_652 = arith.constant 64 : index
        %get3A_653 = tpu.vector_load %arg8[%get3A_650, %get3A_651, %get3A_652] {strides = array<i32>} : memref<2x128x128xi32, #tpu.memory_space<vmem>>, vector<16xi32>,
        %shift_left3A_654 = vector.broadcast %mul3A_592 : i32 to vector<16xi32>
        %shift_left3A_655 = arith.shli %get3A_653, %shift_left3A_654 : vector<16xi32>
        %and3A_656 = vector.broadcast %select_n3A_597 : i32 to vector<16xi32>
        %and3A_657 = arith.andi %shift_left3A_655, %and3A_656 : vector<16xi32>
        %bitcast3A_658 = vector.bitcast %and3A_657 : vector<16xi32> to vector<16xf32>
        %swap3A_659 = arith.index_cast %select_n3A_65 : i32 to index
        %swap3A_660 = arith.index_cast %add3A_586 : i32 to index
        %swap3A_661 = arith.constant 64 : index
        %swap3A_662 = tpu.vector_load %arg9[%swap3A_659, %swap3A_660, %swap3A_661] {strides = array<i32>} : memref<2x128x128xf32, #tpu.memory_space<vmem>>, vector<16xf32>,
        tpu.vector_store %arg9[%swap3A_659, %swap3A_660, %swap3A_661], %bitcast3A_658 {strides = array<i32>} : memref<2x128x128xf32, #tpu.memory_space<vmem>>, vector<16xf32>,
        %get3A_663 = arith.index_cast %select_n3A_65 : i32 to index
        %get3A_664 = arith.index_cast %add3A_586 : i32 to index
        %get3A_665 = arith.constant 80 : index
        %get3A_666 = tpu.vector_load %arg8[%get3A_663, %get3A_664, %get3A_665] {strides = array<i32>} : memref<2x128x128xi32, #tpu.memory_space<vmem>>, vector<16xi32>,
        %shift_left3A_667 = vector.broadcast %mul3A_592 : i32 to vector<16xi32>
        %shift_left3A_668 = arith.shli %get3A_666, %shift_left3A_667 : vector<16xi32>
        %and3A_669 = vector.broadcast %select_n3A_597 : i32 to vector<16xi32>
        %and3A_670 = arith.andi %shift_left3A_668, %and3A_669 : vector<16xi32>
        %bitcast3A_671 = vector.bitcast %and3A_670 : vector<16xi32> to vector<16xf32>
        %swap3A_672 = arith.index_cast %select_n3A_65 : i32 to index
        %swap3A_673 = arith.index_cast %add3A_586 : i32 to index
        %swap3A_674 = arith.constant 80 : index
        %swap3A_675 = tpu.vector_load %arg9[%swap3A_672, %swap3A_673, %swap3A_674] {strides = array<i32>} : memref<2x128x128xf32, #tpu.memory_space<vmem>>, vector<16xf32>,
        tpu.vector_store %arg9[%swap3A_672, %swap3A_673, %swap3A_674], %bitcast3A_671 {strides = array<i32>} : memref<2x128x128xf32, #tpu.memory_space<vmem>>, vector<16xf32>,
        %get3A_676 = arith.index_cast %select_n3A_65 : i32 to index
        %get3A_677 = arith.index_cast %add3A_586 : i32 to index
        %get3A_678 = arith.constant 96 : index
        %get3A_679 = tpu.vector_load %arg8[%get3A_676, %get3A_677, %get3A_678] {strides = array<i32>} : memref<2x128x128xi32, #tpu.memory_space<vmem>>, vector<16xi32>,
        %shift_left3A_680 = vector.broadcast %mul3A_592 : i32 to vector<16xi32>
        %shift_left3A_681 = arith.shli %get3A_679, %shift_left3A_680 : vector<16xi32>
        %and3A_682 = vector.broadcast %select_n3A_597 : i32 to vector<16xi32>
        %and3A_683 = arith.andi %shift_left3A_681, %and3A_682 : vector<16xi32>
        %bitcast3A_684 = vector.bitcast %and3A_683 : vector<16xi32> to vector<16xf32>
        %swap3A_685 = arith.index_cast %select_n3A_65 : i32 to index
        %swap3A_686 = arith.index_cast %add3A_586 : i32 to index
        %swap3A_687 = arith.constant 96 : index
        %swap3A_688 = tpu.vector_load %arg9[%swap3A_685, %swap3A_686, %swap3A_687] {strides = array<i32>} : memref<2x128x128xf32, #tpu.memory_space<vmem>>, vector<16xf32>,
        tpu.vector_store %arg9[%swap3A_685, %swap3A_686, %swap3A_687], %bitcast3A_684 {strides = array<i32>} : memref<2x128x128xf32, #tpu.memory_space<vmem>>, vector<16xf32>,
        %get3A_689 = arith.index_cast %select_n3A_65 : i32 to index
        %get3A_690 = arith.index_cast %add3A_586 : i32 to index
        %get3A_691 = arith.constant 112 : index
        %get3A_692 = tpu.vector_load %arg8[%get3A_689, %get3A_690, %get3A_691] {strides = array<i32>} : memref<2x128x128xi32, #tpu.memory_space<vmem>>, vector<16xi32>,
        %shift_left3A_693 = vector.broadcast %mul3A_592 : i32 to vector<16xi32>
        %shift_left3A_694 = arith.shli %get3A_692, %shift_left3A_693 : vector<16xi32>
        %and3A_695 = vector.broadcast %select_n3A_597 : i32 to vector<16xi32>
        %and3A_696 = arith.andi %shift_left3A_694, %and3A_695 : vector<16xi32>
        %bitcast3A_697 = vector.bitcast %and3A_696 : vector<16xi32> to vector<16xf32>
        %swap3A_698 = arith.index_cast %select_n3A_65 : i32 to index
        %swap3A_699 = arith.index_cast %add3A_586 : i32 to index
        %swap3A_700 = arith.constant 112 : index
        %swap3A_701 = tpu.vector_load %arg9[%swap3A_698, %swap3A_699, %swap3A_700] {strides = array<i32>} : memref<2x128x128xf32, #tpu.memory_space<vmem>>, vector<16xf32>,
        tpu.vector_store %arg9[%swap3A_698, %swap3A_699, %swap3A_700], %bitcast3A_697 {strides = array<i32>} : memref<2x128x128xf32, #tpu.memory_space<vmem>>, vector<16xf32>,
        %mul3A_702 = arith.constant 16 : i32
        %mul3A_703 = arith.muli %scan3A_108, %mul3A_702 : i32
        %add3A_704 = arith.constant 5 : i32
        %add3A_705 = arith.addi %mul3A_703, %add3A_704 : i32
        %slice3A_706 = vector.extract_strided_slice %get3A_112 {offsets = [5], sizes = [1], strides = [1]} : vector<16xi32> to vector<1xi32>
        %squeeze3A_707 = vector.extract %slice3A_706[0] : i32 from vector<1xi32>
        %sub3A_708 = arith.constant 1 : i32
        %sub3A_709 = arith.subi %sub3A_708, %squeeze3A_707 : i32
        %mul3A_710 = arith.constant 16 : i32
        %mul3A_711 = arith.muli %sub3A_709, %mul3A_710 : i32
        %eq3A_712 = arith.constant 1 : i32
        %eq3A_713 = arith.cmpi eq, %squeeze3A_707, %eq3A_712 : i32
        %jit3A_714 = arith.constant -65536 : i32
        %jit3A_715 = arith.constant -1 : i32
        %select_n3A_716 = arith.select %eq3A_713, %jit3A_714, %jit3A_715 : i32
        %get3A_717 = arith.index_cast %select_n3A_65 : i32 to index
        %get3A_718 = arith.index_cast %add3A_705 : i32 to index
        %get3A_719 = arith.constant 0 : index
        %get3A_720 = tpu.vector_load %arg8[%get3A_717, %get3A_718, %get3A_719] {strides = array<i32>} : memref<2x128x128xi32, #tpu.memory_space<vmem>>, vector<16xi32>,
        %shift_left3A_721 = vector.broadcast %mul3A_711 : i32 to vector<16xi32>
        %shift_left3A_722 = arith.shli %get3A_720, %shift_left3A_721 : vector<16xi32>
        %and3A_723 = vector.broadcast %select_n3A_716 : i32 to vector<16xi32>
        %and3A_724 = arith.andi %shift_left3A_722, %and3A_723 : vector<16xi32>
        %bitcast3A_725 = vector.bitcast %and3A_724 : vector<16xi32> to vector<16xf32>
        %swap3A_726 = arith.index_cast %select_n3A_65 : i32 to index
        %swap3A_727 = arith.index_cast %add3A_705 : i32 to index
        %swap3A_728 = arith.constant 0 : index
        %swap3A_729 = tpu.vector_load %arg9[%swap3A_726, %swap3A_727, %swap3A_728] {strides = array<i32>} : memref<2x128x128xf32, #tpu.memory_space<vmem>>, vector<16xf32>,
        tpu.vector_store %arg9[%swap3A_726, %swap3A_727, %swap3A_728], %bitcast3A_725 {strides = array<i32>} : memref<2x128x128xf32, #tpu.memory_space<vmem>>, vector<16xf32>,
        %get3A_730 = arith.index_cast %select_n3A_65 : i32 to index
        %get3A_731 = arith.index_cast %add3A_705 : i32 to index
        %get3A_732 = arith.constant 16 : index
        %get3A_733 = tpu.vector_load %arg8[%get3A_730, %get3A_731, %get3A_732] {strides = array<i32>} : memref<2x128x128xi32, #tpu.memory_space<vmem>>, vector<16xi32>,
        %shift_left3A_734 = vector.broadcast %mul3A_711 : i32 to vector<16xi32>
        %shift_left3A_735 = arith.shli %get3A_733, %shift_left3A_734 : vector<16xi32>
        %and3A_736 = vector.broadcast %select_n3A_716 : i32 to vector<16xi32>
        %and3A_737 = arith.andi %shift_left3A_735, %and3A_736 : vector<16xi32>
        %bitcast3A_738 = vector.bitcast %and3A_737 : vector<16xi32> to vector<16xf32>
        %swap3A_739 = arith.index_cast %select_n3A_65 : i32 to index
        %swap3A_740 = arith.index_cast %add3A_705 : i32 to index
        %swap3A_741 = arith.constant 16 : index
        %swap3A_742 = tpu.vector_load %arg9[%swap3A_739, %swap3A_740, %swap3A_741] {strides = array<i32>} : memref<2x128x128xf32, #tpu.memory_space<vmem>>, vector<16xf32>,
        tpu.vector_store %arg9[%swap3A_739, %swap3A_740, %swap3A_741], %bitcast3A_738 {strides = array<i32>} : memref<2x128x128xf32, #tpu.memory_space<vmem>>, vector<16xf32>,
        %get3A_743 = arith.index_cast %select_n3A_65 : i32 to index
        %get3A_744 = arith.index_cast %add3A_705 : i32 to index
        %get3A_745 = arith.constant 32 : index
        %get3A_746 = tpu.vector_load %arg8[%get3A_743, %get3A_744, %get3A_745] {strides = array<i32>} : memref<2x128x128xi32, #tpu.memory_space<vmem>>, vector<16xi32>,
        %shift_left3A_747 = vector.broadcast %mul3A_711 : i32 to vector<16xi32>
        %shift_left3A_748 = arith.shli %get3A_746, %shift_left3A_747 : vector<16xi32>
        %and3A_749 = vector.broadcast %select_n3A_716 : i32 to vector<16xi32>
        %and3A_750 = arith.andi %shift_left3A_748, %and3A_749 : vector<16xi32>
        %bitcast3A_751 = vector.bitcast %and3A_750 : vector<16xi32> to vector<16xf32>
        %swap3A_752 = arith.index_cast %select_n3A_65 : i32 to index
        %swap3A_753 = arith.index_cast %add3A_705 : i32 to index
        %swap3A_754 = arith.constant 32 : index
        %swap3A_755 = tpu.vector_load %arg9[%swap3A_752, %swap3A_753, %swap3A_754] {strides = array<i32>} : memref<2x128x128xf32, #tpu.memory_space<vmem>>, vector<16xf32>,
        tpu.vector_store %arg9[%swap3A_752, %swap3A_753, %swap3A_754], %bitcast3A_751 {strides = array<i32>} : memref<2x128x128xf32, #tpu.memory_space<vmem>>, vector<16xf32>,
        %get3A_756 = arith.index_cast %select_n3A_65 : i32 to index
        %get3A_757 = arith.index_cast %add3A_705 : i32 to index
        %get3A_758 = arith.constant 48 : index
        %get3A_759 = tpu.vector_load %arg8[%get3A_756, %get3A_757, %get3A_758] {strides = array<i32>} : memref<2x128x128xi32, #tpu.memory_space<vmem>>, vector<16xi32>,
        %shift_left3A_760 = vector.broadcast %mul3A_711 : i32 to vector<16xi32>
        %shift_left3A_761 = arith.shli %get3A_759, %shift_left3A_760 : vector<16xi32>
        %and3A_762 = vector.broadcast %select_n3A_716 : i32 to vector<16xi32>
        %and3A_763 = arith.andi %shift_left3A_761, %and3A_762 : vector<16xi32>
        %bitcast3A_764 = vector.bitcast %and3A_763 : vector<16xi32> to vector<16xf32>
        %swap3A_765 = arith.index_cast %select_n3A_65 : i32 to index
        %swap3A_766 = arith.index_cast %add3A_705 : i32 to index
        %swap3A_767 = arith.constant 48 : index
        %swap3A_768 = tpu.vector_load %arg9[%swap3A_765, %swap3A_766, %swap3A_767] {strides = array<i32>} : memref<2x128x128xf32, #tpu.memory_space<vmem>>, vector<16xf32>,
        tpu.vector_store %arg9[%swap3A_765, %swap3A_766, %swap3A_767], %bitcast3A_764 {strides = array<i32>} : memref<2x128x128xf32, #tpu.memory_space<vmem>>, vector<16xf32>,
        %get3A_769 = arith.index_cast %select_n3A_65 : i32 to index
        %get3A_770 = arith.index_cast %add3A_705 : i32 to index
        %get3A_771 = arith.constant 64 : index
        %get3A_772 = tpu.vector_load %arg8[%get3A_769, %get3A_770, %get3A_771] {strides = array<i32>} : memref<2x128x128xi32, #tpu.memory_space<vmem>>, vector<16xi32>,
        %shift_left3A_773 = vector.broadcast %mul3A_711 : i32 to vector<16xi32>
        %shift_left3A_774 = arith.shli %get3A_772, %shift_left3A_773 : vector<16xi32>
        %and3A_775 = vector.broadcast %select_n3A_716 : i32 to vector<16xi32>
        %and3A_776 = arith.andi %shift_left3A_774, %and3A_775 : vector<16xi32>
        %bitcast3A_777 = vector.bitcast %and3A_776 : vector<16xi32> to vector<16xf32>
        %swap3A_778 = arith.index_cast %select_n3A_65 : i32 to index
        %swap3A_779 = arith.index_cast %add3A_705 : i32 to index
        %swap3A_780 = arith.constant 64 : index
        %swap3A_781 = tpu.vector_load %arg9[%swap3A_778, %swap3A_779, %swap3A_780] {strides = array<i32>} : memref<2x128x128xf32, #tpu.memory_space<vmem>>, vector<16xf32>,
        tpu.vector_store %arg9[%swap3A_778, %swap3A_779, %swap3A_780], %bitcast3A_777 {strides = array<i32>} : memref<2x128x128xf32, #tpu.memory_space<vmem>>, vector<16xf32>,
        %get3A_782 = arith.index_cast %select_n3A_65 : i32 to index
        %get3A_783 = arith.index_cast %add3A_705 : i32 to index
        %get3A_784 = arith.constant 80 : index
        %get3A_785 = tpu.vector_load %arg8[%get3A_782, %get3A_783, %get3A_784] {strides = array<i32>} : memref<2x128x128xi32, #tpu.memory_space<vmem>>, vector<16xi32>,
        %shift_left3A_786 = vector.broadcast %mul3A_711 : i32 to vector<16xi32>
        %shift_left3A_787 = arith.shli %get3A_785, %shift_left3A_786 : vector<16xi32>
        %and3A_788 = vector.broadcast %select_n3A_716 : i32 to vector<16xi32>
        %and3A_789 = arith.andi %shift_left3A_787, %and3A_788 : vector<16xi32>
        %bitcast3A_790 = vector.bitcast %and3A_789 : vector<16xi32> to vector<16xf32>
        %swap3A_791 = arith.index_cast %select_n3A_65 : i32 to index
        %swap3A_792 = arith.index_cast %add3A_705 : i32 to index
        %swap3A_793 = arith.constant 80 : index
        %swap3A_794 = tpu.vector_load %arg9[%swap3A_791, %swap3A_792, %swap3A_793] {strides = array<i32>} : memref<2x128x128xf32, #tpu.memory_space<vmem>>, vector<16xf32>,
        tpu.vector_store %arg9[%swap3A_791, %swap3A_792, %swap3A_793], %bitcast3A_790 {strides = array<i32>} : memref<2x128x128xf32, #tpu.memory_space<vmem>>, vector<16xf32>,
        %get3A_795 = arith.index_cast %select_n3A_65 : i32 to index
        %get3A_796 = arith.index_cast %add3A_705 : i32 to index
        %get3A_797 = arith.constant 96 : index
        %get3A_798 = tpu.vector_load %arg8[%get3A_795, %get3A_796, %get3A_797] {strides = array<i32>} : memref<2x128x128xi32, #tpu.memory_space<vmem>>, vector<16xi32>,
        %shift_left3A_799 = vector.broadcast %mul3A_711 : i32 to vector<16xi32>
        %shift_left3A_800 = arith.shli %get3A_798, %shift_left3A_799 : vector<16xi32>
        %and3A_801 = vector.broadcast %select_n3A_716 : i32 to vector<16xi32>
        %and3A_802 = arith.andi %shift_left3A_800, %and3A_801 : vector<16xi32>
        %bitcast3A_803 = vector.bitcast %and3A_802 : vector<16xi32> to vector<16xf32>
        %swap3A_804 = arith.index_cast %select_n3A_65 : i32 to index
        %swap3A_805 = arith.index_cast %add3A_705 : i32 to index
        %swap3A_806 = arith.constant 96 : index
        %swap3A_807 = tpu.vector_load %arg9[%swap3A_804, %swap3A_805, %swap3A_806] {strides = array<i32>} : memref<2x128x128xf32, #tpu.memory_space<vmem>>, vector<16xf32>,
        tpu.vector_store %arg9[%swap3A_804, %swap3A_805, %swap3A_806], %bitcast3A_803 {strides = array<i32>} : memref<2x128x128xf32, #tpu.memory_space<vmem>>, vector<16xf32>,
        %get3A_808 = arith.index_cast %select_n3A_65 : i32 to index
        %get3A_809 = arith.index_cast %add3A_705 : i32 to index
        %get3A_810 = arith.constant 112 : index
        %get3A_811 = tpu.vector_load %arg8[%get3A_808, %get3A_809, %get3A_810] {strides = array<i32>} : memref<2x128x128xi32, #tpu.memory_space<vmem>>, vector<16xi32>,
        %shift_left3A_812 = vector.broadcast %mul3A_711 : i32 to vector<16xi32>
        %shift_left3A_813 = arith.shli %get3A_811, %shift_left3A_812 : vector<16xi32>
        %and3A_814 = vector.broadcast %select_n3A_716 : i32 to vector<16xi32>
        %and3A_815 = arith.andi %shift_left3A_813, %and3A_814 : vector<16xi32>
        %bitcast3A_816 = vector.bitcast %and3A_815 : vector<16xi32> to vector<16xf32>
        %swap3A_817 = arith.index_cast %select_n3A_65 : i32 to index
        %swap3A_818 = arith.index_cast %add3A_705 : i32 to index
        %swap3A_819 = arith.constant 112 : index
        %swap3A_820 = tpu.vector_load %arg9[%swap3A_817, %swap3A_818, %swap3A_819] {strides = array<i32>} : memref<2x128x128xf32, #tpu.memory_space<vmem>>, vector<16xf32>,
        tpu.vector_store %arg9[%swap3A_817, %swap3A_818, %swap3A_819], %bitcast3A_816 {strides = array<i32>} : memref<2x128x128xf32, #tpu.memory_space<vmem>>, vector<16xf32>,
        %mul3A_821 = arith.constant 16 : i32
        %mul3A_822 = arith.muli %scan3A_108, %mul3A_821 : i32
        %add3A_823 = arith.constant 6 : i32
        %add3A_824 = arith.addi %mul3A_822, %add3A_823 : i32
        %slice3A_825 = vector.extract_strided_slice %get3A_112 {offsets = [6], sizes = [1], strides = [1]} : vector<16xi32> to vector<1xi32>
        %squeeze3A_826 = vector.extract %slice3A_825[0] : i32 from vector<1xi32>
        %sub3A_827 = arith.constant 1 : i32
        %sub3A_828 = arith.subi %sub3A_827, %squeeze3A_826 : i32
        %mul3A_829 = arith.constant 16 : i32
        %mul3A_830 = arith.muli %sub3A_828, %mul3A_829 : i32
        %eq3A_831 = arith.constant 1 : i32
        %eq3A_832 = arith.cmpi eq, %squeeze3A_826, %eq3A_831 : i32
        %jit3A_833 = arith.constant -65536 : i32
        %jit3A_834 = arith.constant -1 : i32
        %select_n3A_835 = arith.select %eq3A_832, %jit3A_833, %jit3A_834 : i32
        %get3A_836 = arith.index_cast %select_n3A_65 : i32 to index
        %get3A_837 = arith.index_cast %add3A_824 : i32 to index
        %get3A_838 = arith.constant 0 : index
        %get3A_839 = tpu.vector_load %arg8[%get3A_836, %get3A_837, %get3A_838] {strides = array<i32>} : memref<2x128x128xi32, #tpu.memory_space<vmem>>, vector<16xi32>,
        %shift_left3A_840 = vector.broadcast %mul3A_830 : i32 to vector<16xi32>
        %shift_left3A_841 = arith.shli %get3A_839, %shift_left3A_840 : vector<16xi32>
        %and3A_842 = vector.broadcast %select_n3A_835 : i32 to vector<16xi32>
        %and3A_843 = arith.andi %shift_left3A_841, %and3A_842 : vector<16xi32>
        %bitcast3A_844 = vector.bitcast %and3A_843 : vector<16xi32> to vector<16xf32>
        %swap3A_845 = arith.index_cast %select_n3A_65 : i32 to index
        %swap3A_846 = arith.index_cast %add3A_824 : i32 to index
        %swap3A_847 = arith.constant 0 : index
        %swap3A_848 = tpu.vector_load %arg9[%swap3A_845, %swap3A_846, %swap3A_847] {strides = array<i32>} : memref<2x128x128xf32, #tpu.memory_space<vmem>>, vector<16xf32>,
        tpu.vector_store %arg9[%swap3A_845, %swap3A_846, %swap3A_847], %bitcast3A_844 {strides = array<i32>} : memref<2x128x128xf32, #tpu.memory_space<vmem>>, vector<16xf32>,
        %get3A_849 = arith.index_cast %select_n3A_65 : i32 to index
        %get3A_850 = arith.index_cast %add3A_824 : i32 to index
        %get3A_851 = arith.constant 16 : index
        %get3A_852 = tpu.vector_load %arg8[%get3A_849, %get3A_850, %get3A_851] {strides = array<i32>} : memref<2x128x128xi32, #tpu.memory_space<vmem>>, vector<16xi32>,
        %shift_left3A_853 = vector.broadcast %mul3A_830 : i32 to vector<16xi32>
        %shift_left3A_854 = arith.shli %get3A_852, %shift_left3A_853 : vector<16xi32>
        %and3A_855 = vector.broadcast %select_n3A_835 : i32 to vector<16xi32>
        %and3A_856 = arith.andi %shift_left3A_854, %and3A_855 : vector<16xi32>
        %bitcast3A_857 = vector.bitcast %and3A_856 : vector<16xi32> to vector<16xf32>
        %swap3A_858 = arith.index_cast %select_n3A_65 : i32 to index
        %swap3A_859 = arith.index_cast %add3A_824 : i32 to index
        %swap3A_860 = arith.constant 16 : index
        %swap3A_861 = tpu.vector_load %arg9[%swap3A_858, %swap3A_859, %swap3A_860] {strides = array<i32>} : memref<2x128x128xf32, #tpu.memory_space<vmem>>, vector<16xf32>,
        tpu.vector_store %arg9[%swap3A_858, %swap3A_859, %swap3A_860], %bitcast3A_857 {strides = array<i32>} : memref<2x128x128xf32, #tpu.memory_space<vmem>>, vector<16xf32>,
        %get3A_862 = arith.index_cast %select_n3A_65 : i32 to index
        %get3A_863 = arith.index_cast %add3A_824 : i32 to index
        %get3A_864 = arith.constant 32 : index
        %get3A_865 = tpu.vector_load %arg8[%get3A_862, %get3A_863, %get3A_864] {strides = array<i32>} : memref<2x128x128xi32, #tpu.memory_space<vmem>>, vector<16xi32>,
        %shift_left3A_866 = vector.broadcast %mul3A_830 : i32 to vector<16xi32>
        %shift_left3A_867 = arith.shli %get3A_865, %shift_left3A_866 : vector<16xi32>
        %and3A_868 = vector.broadcast %select_n3A_835 : i32 to vector<16xi32>
        %and3A_869 = arith.andi %shift_left3A_867, %and3A_868 : vector<16xi32>
        %bitcast3A_870 = vector.bitcast %and3A_869 : vector<16xi32> to vector<16xf32>
        %swap3A_871 = arith.index_cast %select_n3A_65 : i32 to index
        %swap3A_872 = arith.index_cast %add3A_824 : i32 to index
        %swap3A_873 = arith.constant 32 : index
        %swap3A_874 = tpu.vector_load %arg9[%swap3A_871, %swap3A_872, %swap3A_873] {strides = array<i32>} : memref<2x128x128xf32, #tpu.memory_space<vmem>>, vector<16xf32>,
        tpu.vector_store %arg9[%swap3A_871, %swap3A_872, %swap3A_873], %bitcast3A_870 {strides = array<i32>} : memref<2x128x128xf32, #tpu.memory_space<vmem>>, vector<16xf32>,
        %get3A_875 = arith.index_cast %select_n3A_65 : i32 to index
        %get3A_876 = arith.index_cast %add3A_824 : i32 to index
        %get3A_877 = arith.constant 48 : index
        %get3A_878 = tpu.vector_load %arg8[%get3A_875, %get3A_876, %get3A_877] {strides = array<i32>} : memref<2x128x128xi32, #tpu.memory_space<vmem>>, vector<16xi32>,
        %shift_left3A_879 = vector.broadcast %mul3A_830 : i32 to vector<16xi32>
        %shift_left3A_880 = arith.shli %get3A_878, %shift_left3A_879 : vector<16xi32>
        %and3A_881 = vector.broadcast %select_n3A_835 : i32 to vector<16xi32>
        %and3A_882 = arith.andi %shift_left3A_880, %and3A_881 : vector<16xi32>
        %bitcast3A_883 = vector.bitcast %and3A_882 : vector<16xi32> to vector<16xf32>
        %swap3A_884 = arith.index_cast %select_n3A_65 : i32 to index
        %swap3A_885 = arith.index_cast %add3A_824 : i32 to index
        %swap3A_886 = arith.constant 48 : index
        %swap3A_887 = tpu.vector_load %arg9[%swap3A_884, %swap3A_885, %swap3A_886] {strides = array<i32>} : memref<2x128x128xf32, #tpu.memory_space<vmem>>, vector<16xf32>,
        tpu.vector_store %arg9[%swap3A_884, %swap3A_885, %swap3A_886], %bitcast3A_883 {strides = array<i32>} : memref<2x128x128xf32, #tpu.memory_space<vmem>>, vector<16xf32>,
        %get3A_888 = arith.index_cast %select_n3A_65 : i32 to index
        %get3A_889 = arith.index_cast %add3A_824 : i32 to index
        %get3A_890 = arith.constant 64 : index
        %get3A_891 = tpu.vector_load %arg8[%get3A_888, %get3A_889, %get3A_890] {strides = array<i32>} : memref<2x128x128xi32, #tpu.memory_space<vmem>>, vector<16xi32>,
        %shift_left3A_892 = vector.broadcast %mul3A_830 : i32 to vector<16xi32>
        %shift_left3A_893 = arith.shli %get3A_891, %shift_left3A_892 : vector<16xi32>
        %and3A_894 = vector.broadcast %select_n3A_835 : i32 to vector<16xi32>
        %and3A_895 = arith.andi %shift_left3A_893, %and3A_894 : vector<16xi32>
        %bitcast3A_896 = vector.bitcast %and3A_895 : vector<16xi32> to vector<16xf32>
        %swap3A_897 = arith.index_cast %select_n3A_65 : i32 to index
        %swap3A_898 = arith.index_cast %add3A_824 : i32 to index
        %swap3A_899 = arith.constant 64 : index
        %swap3A_900 = tpu.vector_load %arg9[%swap3A_897, %swap3A_898, %swap3A_899] {strides = array<i32>} : memref<2x128x128xf32, #tpu.memory_space<vmem>>, vector<16xf32>,
        tpu.vector_store %arg9[%swap3A_897, %swap3A_898, %swap3A_899], %bitcast3A_896 {strides = array<i32>} : memref<2x128x128xf32, #tpu.memory_space<vmem>>, vector<16xf32>,
        %get3A_901 = arith.index_cast %select_n3A_65 : i32 to index
        %get3A_902 = arith.index_cast %add3A_824 : i32 to index
        %get3A_903 = arith.constant 80 : index
        %get3A_904 = tpu.vector_load %arg8[%get3A_901, %get3A_902, %get3A_903] {strides = array<i32>} : memref<2x128x128xi32, #tpu.memory_space<vmem>>, vector<16xi32>,
        %shift_left3A_905 = vector.broadcast %mul3A_830 : i32 to vector<16xi32>
        %shift_left3A_906 = arith.shli %get3A_904, %shift_left3A_905 : vector<16xi32>
        %and3A_907 = vector.broadcast %select_n3A_835 : i32 to vector<16xi32>
        %and3A_908 = arith.andi %shift_left3A_906, %and3A_907 : vector<16xi32>
        %bitcast3A_909 = vector.bitcast %and3A_908 : vector<16xi32> to vector<16xf32>
        %swap3A_910 = arith.index_cast %select_n3A_65 : i32 to index
        %swap3A_911 = arith.index_cast %add3A_824 : i32 to index
        %swap3A_912 = arith.constant 80 : index
        %swap3A_913 = tpu.vector_load %arg9[%swap3A_910, %swap3A_911, %swap3A_912] {strides = array<i32>} : memref<2x128x128xf32, #tpu.memory_space<vmem>>, vector<16xf32>,
        tpu.vector_store %arg9[%swap3A_910, %swap3A_911, %swap3A_912], %bitcast3A_909 {strides = array<i32>} : memref<2x128x128xf32, #tpu.memory_space<vmem>>, vector<16xf32>,
        %get3A_914 = arith.index_cast %select_n3A_65 : i32 to index
        %get3A_915 = arith.index_cast %add3A_824 : i32 to index
        %get3A_916 = arith.constant 96 : index
        %get3A_917 = tpu.vector_load %arg8[%get3A_914, %get3A_915, %get3A_916] {strides = array<i32>} : memref<2x128x128xi32, #tpu.memory_space<vmem>>, vector<16xi32>,
        %shift_left3A_918 = vector.broadcast %mul3A_830 : i32 to vector<16xi32>
        %shift_left3A_919 = arith.shli %get3A_917, %shift_left3A_918 : vector<16xi32>
        %and3A_920 = vector.broadcast %select_n3A_835 : i32 to vector<16xi32>
        %and3A_921 = arith.andi %shift_left3A_919, %and3A_920 : vector<16xi32>
        %bitcast3A_922 = vector.bitcast %and3A_921 : vector<16xi32> to vector<16xf32>
        %swap3A_923 = arith.index_cast %select_n3A_65 : i32 to index
        %swap3A_924 = arith.index_cast %add3A_824 : i32 to index
        %swap3A_925 = arith.constant 96 : index
        %swap3A_926 = tpu.vector_load %arg9[%swap3A_923, %swap3A_924, %swap3A_925] {strides = array<i32>} : memref<2x128x128xf32, #tpu.memory_space<vmem>>, vector<16xf32>,
        tpu.vector_store %arg9[%swap3A_923, %swap3A_924, %swap3A_925], %bitcast3A_922 {strides = array<i32>} : memref<2x128x128xf32, #tpu.memory_space<vmem>>, vector<16xf32>,
        %get3A_927 = arith.index_cast %select_n3A_65 : i32 to index
        %get3A_928 = arith.index_cast %add3A_824 : i32 to index
        %get3A_929 = arith.constant 112 : index
        %get3A_930 = tpu.vector_load %arg8[%get3A_927, %get3A_928, %get3A_929] {strides = array<i32>} : memref<2x128x128xi32, #tpu.memory_space<vmem>>, vector<16xi32>,
        %shift_left3A_931 = vector.broadcast %mul3A_830 : i32 to vector<16xi32>
        %shift_left3A_932 = arith.shli %get3A_930, %shift_left3A_931 : vector<16xi32>
        %and3A_933 = vector.broadcast %select_n3A_835 : i32 to vector<16xi32>
        %and3A_934 = arith.andi %shift_left3A_932, %and3A_933 : vector<16xi32>
        %bitcast3A_935 = vector.bitcast %and3A_934 : vector<16xi32> to vector<16xf32>
        %swap3A_936 = arith.index_cast %select_n3A_65 : i32 to index
        %swap3A_937 = arith.index_cast %add3A_824 : i32 to index
        %swap3A_938 = arith.constant 112 : index
        %swap3A_939 = tpu.vector_load %arg9[%swap3A_936, %swap3A_937, %swap3A_938] {strides = array<i32>} : memref<2x128x128xf32, #tpu.memory_space<vmem>>, vector<16xf32>,
        tpu.vector_store %arg9[%swap3A_936, %swap3A_937, %swap3A_938], %bitcast3A_935 {strides = array<i32>} : memref<2x128x128xf32, #tpu.memory_space<vmem>>, vector<16xf32>,
        %mul3A_940 = arith.constant 16 : i32
        %mul3A_941 = arith.muli %scan3A_108, %mul3A_940 : i32
        %add3A_942 = arith.constant 7 : i32
        %add3A_943 = arith.addi %mul3A_941, %add3A_942 : i32
        %slice3A_944 = vector.extract_strided_slice %get3A_112 {offsets = [7], sizes = [1], strides = [1]} : vector<16xi32> to vector<1xi32>
        %squeeze3A_945 = vector.extract %slice3A_944[0] : i32 from vector<1xi32>
        %sub3A_946 = arith.constant 1 : i32
        %sub3A_947 = arith.subi %sub3A_946, %squeeze3A_945 : i32
        %mul3A_948 = arith.constant 16 : i32
        %mul3A_949 = arith.muli %sub3A_947, %mul3A_948 : i32
        %eq3A_950 = arith.constant 1 : i32
        %eq3A_951 = arith.cmpi eq, %squeeze3A_945, %eq3A_950 : i32
        %jit3A_952 = arith.constant -65536 : i32
        %jit3A_953 = arith.constant -1 : i32
        %select_n3A_954 = arith.select %eq3A_951, %jit3A_952, %jit3A_953 : i32
        %get3A_955 = arith.index_cast %select_n3A_65 : i32 to index
        %get3A_956 = arith.index_cast %add3A_943 : i32 to index
        %get3A_957 = arith.constant 0 : index
        %get3A_958 = tpu.vector_load %arg8[%get3A_955, %get3A_956, %get3A_957] {strides = array<i32>} : memref<2x128x128xi32, #tpu.memory_space<vmem>>, vector<16xi32>,
        %shift_left3A_959 = vector.broadcast %mul3A_949 : i32 to vector<16xi32>
        %shift_left3A_960 = arith.shli %get3A_958, %shift_left3A_959 : vector<16xi32>
        %and3A_961 = vector.broadcast %select_n3A_954 : i32 to vector<16xi32>
        %and3A_962 = arith.andi %shift_left3A_960, %and3A_961 : vector<16xi32>
        %bitcast3A_963 = vector.bitcast %and3A_962 : vector<16xi32> to vector<16xf32>
        %swap3A_964 = arith.index_cast %select_n3A_65 : i32 to index
        %swap3A_965 = arith.index_cast %add3A_943 : i32 to index
        %swap3A_966 = arith.constant 0 : index
        %swap3A_967 = tpu.vector_load %arg9[%swap3A_964, %swap3A_965, %swap3A_966] {strides = array<i32>} : memref<2x128x128xf32, #tpu.memory_space<vmem>>, vector<16xf32>,
        tpu.vector_store %arg9[%swap3A_964, %swap3A_965, %swap3A_966], %bitcast3A_963 {strides = array<i32>} : memref<2x128x128xf32, #tpu.memory_space<vmem>>, vector<16xf32>,
        %get3A_968 = arith.index_cast %select_n3A_65 : i32 to index
        %get3A_969 = arith.index_cast %add3A_943 : i32 to index
        %get3A_970 = arith.constant 16 : index
        %get3A_971 = tpu.vector_load %arg8[%get3A_968, %get3A_969, %get3A_970] {strides = array<i32>} : memref<2x128x128xi32, #tpu.memory_space<vmem>>, vector<16xi32>,
        %shift_left3A_972 = vector.broadcast %mul3A_949 : i32 to vector<16xi32>
        %shift_left3A_973 = arith.shli %get3A_971, %shift_left3A_972 : vector<16xi32>
        %and3A_974 = vector.broadcast %select_n3A_954 : i32 to vector<16xi32>
        %and3A_975 = arith.andi %shift_left3A_973, %and3A_974 : vector<16xi32>
        %bitcast3A_976 = vector.bitcast %and3A_975 : vector<16xi32> to vector<16xf32>
        %swap3A_977 = arith.index_cast %select_n3A_65 : i32 to index
        %swap3A_978 = arith.index_cast %add3A_943 : i32 to index
        %swap3A_979 = arith.constant 16 : index
        %swap3A_980 = tpu.vector_load %arg9[%swap3A_977, %swap3A_978, %swap3A_979] {strides = array<i32>} : memref<2x128x128xf32, #tpu.memory_space<vmem>>, vector<16xf32>,
        tpu.vector_store %arg9[%swap3A_977, %swap3A_978, %swap3A_979], %bitcast3A_976 {strides = array<i32>} : memref<2x128x128xf32, #tpu.memory_space<vmem>>, vector<16xf32>,
        %get3A_981 = arith.index_cast %select_n3A_65 : i32 to index
        %get3A_982 = arith.index_cast %add3A_943 : i32 to index
        %get3A_983 = arith.constant 32 : index
        %get3A_984 = tpu.vector_load %arg8[%get3A_981, %get3A_982, %get3A_983] {strides = array<i32>} : memref<2x128x128xi32, #tpu.memory_space<vmem>>, vector<16xi32>,
        %shift_left3A_985 = vector.broadcast %mul3A_949 : i32 to vector<16xi32>
        %shift_left3A_986 = arith.shli %get3A_984, %shift_left3A_985 : vector<16xi32>
        %and3A_987 = vector.broadcast %select_n3A_954 : i32 to vector<16xi32>
        %and3A_988 = arith.andi %shift_left3A_986, %and3A_987 : vector<16xi32>
        %bitcast3A_989 = vector.bitcast %and3A_988 : vector<16xi32> to vector<16xf32>
        %swap3A_990 = arith.index_cast %select_n3A_65 : i32 to index
        %swap3A_991 = arith.index_cast %add3A_943 : i32 to index
        %swap3A_992 = arith.constant 32 : index
        %swap3A_993 = tpu.vector_load %arg9[%swap3A_990, %swap3A_991, %swap3A_992] {strides = array<i32>} : memref<2x128x128xf32, #tpu.memory_space<vmem>>, vector<16xf32>,
        tpu.vector_store %arg9[%swap3A_990, %swap3A_991, %swap3A_992], %bitcast3A_989 {strides = array<i32>} : memref<2x128x128xf32, #tpu.memory_space<vmem>>, vector<16xf32>,
        %get3A_994 = arith.index_cast %select_n3A_65 : i32 to index
        %get3A_995 = arith.index_cast %add3A_943 : i32 to index
        %get3A_996 = arith.constant 48 : index
        %get3A_997 = tpu.vector_load %arg8[%get3A_994, %get3A_995, %get3A_996] {strides = array<i32>} : memref<2x128x128xi32, #tpu.memory_space<vmem>>, vector<16xi32>,
        %shift_left3A_998 = vector.broadcast %mul3A_949 : i32 to vector<16xi32>
        %shift_left3A_999 = arith.shli %get3A_997, %shift_left3A_998 : vector<16xi32>
        %and3A_1000 = vector.broadcast %select_n3A_954 : i32 to vector<16xi32>
        %and3A_1001 = arith.andi %shift_left3A_999, %and3A_1000 : vector<16xi32>
        %bitcast3A_1002 = vector.bitcast %and3A_1001 : vector<16xi32> to vector<16xf32>
        %swap3A_1003 = arith.index_cast %select_n3A_65 : i32 to index
        %swap3A_1004 = arith.index_cast %add3A_943 : i32 to index
        %swap3A_1005 = arith.constant 48 : index
        %swap3A_1006 = tpu.vector_load %arg9[%swap3A_1003, %swap3A_1004, %swap3A_1005] {strides = array<i32>} : memref<2x128x128xf32, #tpu.memory_space<vmem>>, vector<16xf32>,
        tpu.vector_store %arg9[%swap3A_1003, %swap3A_1004, %swap3A_1005], %bitcast3A_1002 {strides = array<i32>} : memref<2x128x128xf32, #tpu.memory_space<vmem>>, vector<16xf32>,
        %get3A_1007 = arith.index_cast %select_n3A_65 : i32 to index
        %get3A_1008 = arith.index_cast %add3A_943 : i32 to index
        %get3A_1009 = arith.constant 64 : index
        %get3A_1010 = tpu.vector_load %arg8[%get3A_1007, %get3A_1008, %get3A_1009] {strides = array<i32>} : memref<2x128x128xi32, #tpu.memory_space<vmem>>, vector<16xi32>,
        %shift_left3A_1011 = vector.broadcast %mul3A_949 : i32 to vector<16xi32>
        %shift_left3A_1012 = arith.shli %get3A_1010, %shift_left3A_1011 : vector<16xi32>
        %and3A_1013 = vector.broadcast %select_n3A_954 : i32 to vector<16xi32>
        %and3A_1014 = arith.andi %shift_left3A_1012, %and3A_1013 : vector<16xi32>
        %bitcast3A_1015 = vector.bitcast %and3A_1014 : vector<16xi32> to vector<16xf32>
        %swap3A_1016 = arith.index_cast %select_n3A_65 : i32 to index
        %swap3A_1017 = arith.index_cast %add3A_943 : i32 to index
        %swap3A_1018 = arith.constant 64 : index
        %swap3A_1019 = tpu.vector_load %arg9[%swap3A_1016, %swap3A_1017, %swap3A_1018] {strides = array<i32>} : memref<2x128x128xf32, #tpu.memory_space<vmem>>, vector<16xf32>,
        tpu.vector_store %arg9[%swap3A_1016, %swap3A_1017, %swap3A_1018], %bitcast3A_1015 {strides = array<i32>} : memref<2x128x128xf32, #tpu.memory_space<vmem>>, vector<16xf32>,
        %get3A_1020 = arith.index_cast %select_n3A_65 : i32 to index
        %get3A_1021 = arith.index_cast %add3A_943 : i32 to index
        %get3A_1022 = arith.constant 80 : index
        %get3A_1023 = tpu.vector_load %arg8[%get3A_1020, %get3A_1021, %get3A_1022] {strides = array<i32>} : memref<2x128x128xi32, #tpu.memory_space<vmem>>, vector<16xi32>,
        %shift_left3A_1024 = vector.broadcast %mul3A_949 : i32 to vector<16xi32>
        %shift_left3A_1025 = arith.shli %get3A_1023, %shift_left3A_1024 : vector<16xi32>
        %and3A_1026 = vector.broadcast %select_n3A_954 : i32 to vector<16xi32>
        %and3A_1027 = arith.andi %shift_left3A_1025, %and3A_1026 : vector<16xi32>
        %bitcast3A_1028 = vector.bitcast %and3A_1027 : vector<16xi32> to vector<16xf32>
        %swap3A_1029 = arith.index_cast %select_n3A_65 : i32 to index
        %swap3A_1030 = arith.index_cast %add3A_943 : i32 to index
        %swap3A_1031 = arith.constant 80 : index
        %swap3A_1032 = tpu.vector_load %arg9[%swap3A_1029, %swap3A_1030, %swap3A_1031] {strides = array<i32>} : memref<2x128x128xf32, #tpu.memory_space<vmem>>, vector<16xf32>,
        tpu.vector_store %arg9[%swap3A_1029, %swap3A_1030, %swap3A_1031], %bitcast3A_1028 {strides = array<i32>} : memref<2x128x128xf32, #tpu.memory_space<vmem>>, vector<16xf32>,
        %get3A_1033 = arith.index_cast %select_n3A_65 : i32 to index
        %get3A_1034 = arith.index_cast %add3A_943 : i32 to index
        %get3A_1035 = arith.constant 96 : index
        %get3A_1036 = tpu.vector_load %arg8[%get3A_1033, %get3A_1034, %get3A_1035] {strides = array<i32>} : memref<2x128x128xi32, #tpu.memory_space<vmem>>, vector<16xi32>,
        %shift_left3A_1037 = vector.broadcast %mul3A_949 : i32 to vector<16xi32>
        %shift_left3A_1038 = arith.shli %get3A_1036, %shift_left3A_1037 : vector<16xi32>
        %and3A_1039 = vector.broadcast %select_n3A_954 : i32 to vector<16xi32>
        %and3A_1040 = arith.andi %shift_left3A_1038, %and3A_1039 : vector<16xi32>
        %bitcast3A_1041 = vector.bitcast %and3A_1040 : vector<16xi32> to vector<16xf32>
        %swap3A_1042 = arith.index_cast %select_n3A_65 : i32 to index
        %swap3A_1043 = arith.index_cast %add3A_943 : i32 to index
        %swap3A_1044 = arith.constant 96 : index
        %swap3A_1045 = tpu.vector_load %arg9[%swap3A_1042, %swap3A_1043, %swap3A_1044] {strides = array<i32>} : memref<2x128x128xf32, #tpu.memory_space<vmem>>, vector<16xf32>,
        tpu.vector_store %arg9[%swap3A_1042, %swap3A_1043, %swap3A_1044], %bitcast3A_1041 {strides = array<i32>} : memref<2x128x128xf32, #tpu.memory_space<vmem>>, vector<16xf32>,
        %get3A_1046 = arith.index_cast %select_n3A_65 : i32 to index
        %get3A_1047 = arith.index_cast %add3A_943 : i32 to index
        %get3A_1048 = arith.constant 112 : index
        %get3A_1049 = tpu.vector_load %arg8[%get3A_1046, %get3A_1047, %get3A_1048] {strides = array<i32>} : memref<2x128x128xi32, #tpu.memory_space<vmem>>, vector<16xi32>,
        %shift_left3A_1050 = vector.broadcast %mul3A_949 : i32 to vector<16xi32>
        %shift_left3A_1051 = arith.shli %get3A_1049, %shift_left3A_1050 : vector<16xi32>
        %and3A_1052 = vector.broadcast %select_n3A_954 : i32 to vector<16xi32>
        %and3A_1053 = arith.andi %shift_left3A_1051, %and3A_1052 : vector<16xi32>
        %bitcast3A_1054 = vector.bitcast %and3A_1053 : vector<16xi32> to vector<16xf32>
        %swap3A_1055 = arith.index_cast %select_n3A_65 : i32 to index
        %swap3A_1056 = arith.index_cast %add3A_943 : i32 to index
        %swap3A_1057 = arith.constant 112 : index
        %swap3A_1058 = tpu.vector_load %arg9[%swap3A_1055, %swap3A_1056, %swap3A_1057] {strides = array<i32>} : memref<2x128x128xf32, #tpu.memory_space<vmem>>, vector<16xf32>,
        tpu.vector_store %arg9[%swap3A_1055, %swap3A_1056, %swap3A_1057], %bitcast3A_1054 {strides = array<i32>} : memref<2x128x128xf32, #tpu.memory_space<vmem>>, vector<16xf32>,
        %mul3A_1059 = arith.constant 16 : i32
        %mul3A_1060 = arith.muli %scan3A_108, %mul3A_1059 : i32
        %add3A_1061 = arith.constant 8 : i32
        %add3A_1062 = arith.addi %mul3A_1060, %add3A_1061 : i32
        %slice3A_1063 = vector.extract_strided_slice %get3A_112 {offsets = [8], sizes = [1], strides = [1]} : vector<16xi32> to vector<1xi32>
        %squeeze3A_1064 = vector.extract %slice3A_1063[0] : i32 from vector<1xi32>
        %sub3A_1065 = arith.constant 1 : i32
        %sub3A_1066 = arith.subi %sub3A_1065, %squeeze3A_1064 : i32
        %mul3A_1067 = arith.constant 16 : i32
        %mul3A_1068 = arith.muli %sub3A_1066, %mul3A_1067 : i32
        %eq3A_1069 = arith.constant 1 : i32
        %eq3A_1070 = arith.cmpi eq, %squeeze3A_1064, %eq3A_1069 : i32
        %jit3A_1071 = arith.constant -65536 : i32
        %jit3A_1072 = arith.constant -1 : i32
        %select_n3A_1073 = arith.select %eq3A_1070, %jit3A_1071, %jit3A_1072 : i32
        %get3A_1074 = arith.index_cast %select_n3A_65 : i32 to index
        %get3A_1075 = arith.index_cast %add3A_1062 : i32 to index
        %get3A_1076 = arith.constant 0 : index
        %get3A_1077 = tpu.vector_load %arg8[%get3A_1074, %get3A_1075, %get3A_1076] {strides = array<i32>} : memref<2x128x128xi32, #tpu.memory_space<vmem>>, vector<16xi32>,
        %shift_left3A_1078 = vector.broadcast %mul3A_1068 : i32 to vector<16xi32>
        %shift_left3A_1079 = arith.shli %get3A_1077, %shift_left3A_1078 : vector<16xi32>
        %and3A_1080 = vector.broadcast %select_n3A_1073 : i32 to vector<16xi32>
        %and3A_1081 = arith.andi %shift_left3A_1079, %and3A_1080 : vector<16xi32>
        %bitcast3A_1082 = vector.bitcast %and3A_1081 : vector<16xi32> to vector<16xf32>
        %swap3A_1083 = arith.index_cast %select_n3A_65 : i32 to index
        %swap3A_1084 = arith.index_cast %add3A_1062 : i32 to index
        %swap3A_1085 = arith.constant 0 : index
        %swap3A_1086 = tpu.vector_load %arg9[%swap3A_1083, %swap3A_1084, %swap3A_1085] {strides = array<i32>} : memref<2x128x128xf32, #tpu.memory_space<vmem>>, vector<16xf32>,
        tpu.vector_store %arg9[%swap3A_1083, %swap3A_1084, %swap3A_1085], %bitcast3A_1082 {strides = array<i32>} : memref<2x128x128xf32, #tpu.memory_space<vmem>>, vector<16xf32>,
        %get3A_1087 = arith.index_cast %select_n3A_65 : i32 to index
        %get3A_1088 = arith.index_cast %add3A_1062 : i32 to index
        %get3A_1089 = arith.constant 16 : index
        %get3A_1090 = tpu.vector_load %arg8[%get3A_1087, %get3A_1088, %get3A_1089] {strides = array<i32>} : memref<2x128x128xi32, #tpu.memory_space<vmem>>, vector<16xi32>,
        %shift_left3A_1091 = vector.broadcast %mul3A_1068 : i32 to vector<16xi32>
        %shift_left3A_1092 = arith.shli %get3A_1090, %shift_left3A_1091 : vector<16xi32>
        %and3A_1093 = vector.broadcast %select_n3A_1073 : i32 to vector<16xi32>
        %and3A_1094 = arith.andi %shift_left3A_1092, %and3A_1093 : vector<16xi32>
        %bitcast3A_1095 = vector.bitcast %and3A_1094 : vector<16xi32> to vector<16xf32>
        %swap3A_1096 = arith.index_cast %select_n3A_65 : i32 to index
        %swap3A_1097 = arith.index_cast %add3A_1062 : i32 to index
        %swap3A_1098 = arith.constant 16 : index
        %swap3A_1099 = tpu.vector_load %arg9[%swap3A_1096, %swap3A_1097, %swap3A_1098] {strides = array<i32>} : memref<2x128x128xf32, #tpu.memory_space<vmem>>, vector<16xf32>,
        tpu.vector_store %arg9[%swap3A_1096, %swap3A_1097, %swap3A_1098], %bitcast3A_1095 {strides = array<i32>} : memref<2x128x128xf32, #tpu.memory_space<vmem>>, vector<16xf32>,
        %get3A_1100 = arith.index_cast %select_n3A_65 : i32 to index
        %get3A_1101 = arith.index_cast %add3A_1062 : i32 to index
        %get3A_1102 = arith.constant 32 : index
        %get3A_1103 = tpu.vector_load %arg8[%get3A_1100, %get3A_1101, %get3A_1102] {strides = array<i32>} : memref<2x128x128xi32, #tpu.memory_space<vmem>>, vector<16xi32>,
        %shift_left3A_1104 = vector.broadcast %mul3A_1068 : i32 to vector<16xi32>
        %shift_left3A_1105 = arith.shli %get3A_1103, %shift_left3A_1104 : vector<16xi32>
        %and3A_1106 = vector.broadcast %select_n3A_1073 : i32 to vector<16xi32>
        %and3A_1107 = arith.andi %shift_left3A_1105, %and3A_1106 : vector<16xi32>
        %bitcast3A_1108 = vector.bitcast %and3A_1107 : vector<16xi32> to vector<16xf32>
        %swap3A_1109 = arith.index_cast %select_n3A_65 : i32 to index
        %swap3A_1110 = arith.index_cast %add3A_1062 : i32 to index
        %swap3A_1111 = arith.constant 32 : index
        %swap3A_1112 = tpu.vector_load %arg9[%swap3A_1109, %swap3A_1110, %swap3A_1111] {strides = array<i32>} : memref<2x128x128xf32, #tpu.memory_space<vmem>>, vector<16xf32>,
        tpu.vector_store %arg9[%swap3A_1109, %swap3A_1110, %swap3A_1111], %bitcast3A_1108 {strides = array<i32>} : memref<2x128x128xf32, #tpu.memory_space<vmem>>, vector<16xf32>,
        %get3A_1113 = arith.index_cast %select_n3A_65 : i32 to index
        %get3A_1114 = arith.index_cast %add3A_1062 : i32 to index
        %get3A_1115 = arith.constant 48 : index
        %get3A_1116 = tpu.vector_load %arg8[%get3A_1113, %get3A_1114, %get3A_1115] {strides = array<i32>} : memref<2x128x128xi32, #tpu.memory_space<vmem>>, vector<16xi32>,
        %shift_left3A_1117 = vector.broadcast %mul3A_1068 : i32 to vector<16xi32>
        %shift_left3A_1118 = arith.shli %get3A_1116, %shift_left3A_1117 : vector<16xi32>
        %and3A_1119 = vector.broadcast %select_n3A_1073 : i32 to vector<16xi32>
        %and3A_1120 = arith.andi %shift_left3A_1118, %and3A_1119 : vector<16xi32>
        %bitcast3A_1121 = vector.bitcast %and3A_1120 : vector<16xi32> to vector<16xf32>
        %swap3A_1122 = arith.index_cast %select_n3A_65 : i32 to index
        %swap3A_1123 = arith.index_cast %add3A_1062 : i32 to index
        %swap3A_1124 = arith.constant 48 : index
        %swap3A_1125 = tpu.vector_load %arg9[%swap3A_1122, %swap3A_1123, %swap3A_1124] {strides = array<i32>} : memref<2x128x128xf32, #tpu.memory_space<vmem>>, vector<16xf32>,
        tpu.vector_store %arg9[%swap3A_1122, %swap3A_1123, %swap3A_1124], %bitcast3A_1121 {strides = array<i32>} : memref<2x128x128xf32, #tpu.memory_space<vmem>>, vector<16xf32>,
        %get3A_1126 = arith.index_cast %select_n3A_65 : i32 to index
        %get3A_1127 = arith.index_cast %add3A_1062 : i32 to index
        %get3A_1128 = arith.constant 64 : index
        %get3A_1129 = tpu.vector_load %arg8[%get3A_1126, %get3A_1127, %get3A_1128] {strides = array<i32>} : memref<2x128x128xi32, #tpu.memory_space<vmem>>, vector<16xi32>,
        %shift_left3A_1130 = vector.broadcast %mul3A_1068 : i32 to vector<16xi32>
        %shift_left3A_1131 = arith.shli %get3A_1129, %shift_left3A_1130 : vector<16xi32>
        %and3A_1132 = vector.broadcast %select_n3A_1073 : i32 to vector<16xi32>
        %and3A_1133 = arith.andi %shift_left3A_1131, %and3A_1132 : vector<16xi32>
        %bitcast3A_1134 = vector.bitcast %and3A_1133 : vector<16xi32> to vector<16xf32>
        %swap3A_1135 = arith.index_cast %select_n3A_65 : i32 to index
        %swap3A_1136 = arith.index_cast %add3A_1062 : i32 to index
        %swap3A_1137 = arith.constant 64 : index
        %swap3A_1138 = tpu.vector_load %arg9[%swap3A_1135, %swap3A_1136, %swap3A_1137] {strides = array<i32>} : memref<2x128x128xf32, #tpu.memory_space<vmem>>, vector<16xf32>,
        tpu.vector_store %arg9[%swap3A_1135, %swap3A_1136, %swap3A_1137], %bitcast3A_1134 {strides = array<i32>} : memref<2x128x128xf32, #tpu.memory_space<vmem>>, vector<16xf32>,
        %get3A_1139 = arith.index_cast %select_n3A_65 : i32 to index
        %get3A_1140 = arith.index_cast %add3A_1062 : i32 to index
        %get3A_1141 = arith.constant 80 : index
        %get3A_1142 = tpu.vector_load %arg8[%get3A_1139, %get3A_1140, %get3A_1141] {strides = array<i32>} : memref<2x128x128xi32, #tpu.memory_space<vmem>>, vector<16xi32>,
        %shift_left3A_1143 = vector.broadcast %mul3A_1068 : i32 to vector<16xi32>
        %shift_left3A_1144 = arith.shli %get3A_1142, %shift_left3A_1143 : vector<16xi32>
        %and3A_1145 = vector.broadcast %select_n3A_1073 : i32 to vector<16xi32>
        %and3A_1146 = arith.andi %shift_left3A_1144, %and3A_1145 : vector<16xi32>
        %bitcast3A_1147 = vector.bitcast %and3A_1146 : vector<16xi32> to vector<16xf32>
        %swap3A_1148 = arith.index_cast %select_n3A_65 : i32 to index
        %swap3A_1149 = arith.index_cast %add3A_1062 : i32 to index
        %swap3A_1150 = arith.constant 80 : index
        %swap3A_1151 = tpu.vector_load %arg9[%swap3A_1148, %swap3A_1149, %swap3A_1150] {strides = array<i32>} : memref<2x128x128xf32, #tpu.memory_space<vmem>>, vector<16xf32>,
        tpu.vector_store %arg9[%swap3A_1148, %swap3A_1149, %swap3A_1150], %bitcast3A_1147 {strides = array<i32>} : memref<2x128x128xf32, #tpu.memory_space<vmem>>, vector<16xf32>,
        %get3A_1152 = arith.index_cast %select_n3A_65 : i32 to index
        %get3A_1153 = arith.index_cast %add3A_1062 : i32 to index
        %get3A_1154 = arith.constant 96 : index
        %get3A_1155 = tpu.vector_load %arg8[%get3A_1152, %get3A_1153, %get3A_1154] {strides = array<i32>} : memref<2x128x128xi32, #tpu.memory_space<vmem>>, vector<16xi32>,
        %shift_left3A_1156 = vector.broadcast %mul3A_1068 : i32 to vector<16xi32>
        %shift_left3A_1157 = arith.shli %get3A_1155, %shift_left3A_1156 : vector<16xi32>
        %and3A_1158 = vector.broadcast %select_n3A_1073 : i32 to vector<16xi32>
        %and3A_1159 = arith.andi %shift_left3A_1157, %and3A_1158 : vector<16xi32>
        %bitcast3A_1160 = vector.bitcast %and3A_1159 : vector<16xi32> to vector<16xf32>
        %swap3A_1161 = arith.index_cast %select_n3A_65 : i32 to index
        %swap3A_1162 = arith.index_cast %add3A_1062 : i32 to index
        %swap3A_1163 = arith.constant 96 : index
        %swap3A_1164 = tpu.vector_load %arg9[%swap3A_1161, %swap3A_1162, %swap3A_1163] {strides = array<i32>} : memref<2x128x128xf32, #tpu.memory_space<vmem>>, vector<16xf32>,
        tpu.vector_store %arg9[%swap3A_1161, %swap3A_1162, %swap3A_1163], %bitcast3A_1160 {strides = array<i32>} : memref<2x128x128xf32, #tpu.memory_space<vmem>>, vector<16xf32>,
        %get3A_1165 = arith.index_cast %select_n3A_65 : i32 to index
        %get3A_1166 = arith.index_cast %add3A_1062 : i32 to index
        %get3A_1167 = arith.constant 112 : index
        %get3A_1168 = tpu.vector_load %arg8[%get3A_1165, %get3A_1166, %get3A_1167] {strides = array<i32>} : memref<2x128x128xi32, #tpu.memory_space<vmem>>, vector<16xi32>,
        %shift_left3A_1169 = vector.broadcast %mul3A_1068 : i32 to vector<16xi32>
        %shift_left3A_1170 = arith.shli %get3A_1168, %shift_left3A_1169 : vector<16xi32>
        %and3A_1171 = vector.broadcast %select_n3A_1073 : i32 to vector<16xi32>
        %and3A_1172 = arith.andi %shift_left3A_1170, %and3A_1171 : vector<16xi32>
        %bitcast3A_1173 = vector.bitcast %and3A_1172 : vector<16xi32> to vector<16xf32>
        %swap3A_1174 = arith.index_cast %select_n3A_65 : i32 to index
        %swap3A_1175 = arith.index_cast %add3A_1062 : i32 to index
        %swap3A_1176 = arith.constant 112 : index
        %swap3A_1177 = tpu.vector_load %arg9[%swap3A_1174, %swap3A_1175, %swap3A_1176] {strides = array<i32>} : memref<2x128x128xf32, #tpu.memory_space<vmem>>, vector<16xf32>,
        tpu.vector_store %arg9[%swap3A_1174, %swap3A_1175, %swap3A_1176], %bitcast3A_1173 {strides = array<i32>} : memref<2x128x128xf32, #tpu.memory_space<vmem>>, vector<16xf32>,
        %mul3A_1178 = arith.constant 16 : i32
        %mul3A_1179 = arith.muli %scan3A_108, %mul3A_1178 : i32
        %add3A_1180 = arith.constant 9 : i32
        %add3A_1181 = arith.addi %mul3A_1179, %add3A_1180 : i32
        %slice3A_1182 = vector.extract_strided_slice %get3A_112 {offsets = [9], sizes = [1], strides = [1]} : vector<16xi32> to vector<1xi32>
        %squeeze3A_1183 = vector.extract %slice3A_1182[0] : i32 from vector<1xi32>
        %sub3A_1184 = arith.constant 1 : i32
        %sub3A_1185 = arith.subi %sub3A_1184, %squeeze3A_1183 : i32
        %mul3A_1186 = arith.constant 16 : i32
        %mul3A_1187 = arith.muli %sub3A_1185, %mul3A_1186 : i32
        %eq3A_1188 = arith.constant 1 : i32
        %eq3A_1189 = arith.cmpi eq, %squeeze3A_1183, %eq3A_1188 : i32
        %jit3A_1190 = arith.constant -65536 : i32
        %jit3A_1191 = arith.constant -1 : i32
        %select_n3A_1192 = arith.select %eq3A_1189, %jit3A_1190, %jit3A_1191 : i32
        %get3A_1193 = arith.index_cast %select_n3A_65 : i32 to index
        %get3A_1194 = arith.index_cast %add3A_1181 : i32 to index
        %get3A_1195 = arith.constant 0 : index
        %get3A_1196 = tpu.vector_load %arg8[%get3A_1193, %get3A_1194, %get3A_1195] {strides = array<i32>} : memref<2x128x128xi32, #tpu.memory_space<vmem>>, vector<16xi32>,
        %shift_left3A_1197 = vector.broadcast %mul3A_1187 : i32 to vector<16xi32>
        %shift_left3A_1198 = arith.shli %get3A_1196, %shift_left3A_1197 : vector<16xi32>
        %and3A_1199 = vector.broadcast %select_n3A_1192 : i32 to vector<16xi32>
        %and3A_1200 = arith.andi %shift_left3A_1198, %and3A_1199 : vector<16xi32>
        %bitcast3A_1201 = vector.bitcast %and3A_1200 : vector<16xi32> to vector<16xf32>
        %swap3A_1202 = arith.index_cast %select_n3A_65 : i32 to index
        %swap3A_1203 = arith.index_cast %add3A_1181 : i32 to index
        %swap3A_1204 = arith.constant 0 : index
        %swap3A_1205 = tpu.vector_load %arg9[%swap3A_1202, %swap3A_1203, %swap3A_1204] {strides = array<i32>} : memref<2x128x128xf32, #tpu.memory_space<vmem>>, vector<16xf32>,
        tpu.vector_store %arg9[%swap3A_1202, %swap3A_1203, %swap3A_1204], %bitcast3A_1201 {strides = array<i32>} : memref<2x128x128xf32, #tpu.memory_space<vmem>>, vector<16xf32>,
        %get3A_1206 = arith.index_cast %select_n3A_65 : i32 to index
        %get3A_1207 = arith.index_cast %add3A_1181 : i32 to index
        %get3A_1208 = arith.constant 16 : index
        %get3A_1209 = tpu.vector_load %arg8[%get3A_1206, %get3A_1207, %get3A_1208] {strides = array<i32>} : memref<2x128x128xi32, #tpu.memory_space<vmem>>, vector<16xi32>,
        %shift_left3A_1210 = vector.broadcast %mul3A_1187 : i32 to vector<16xi32>
        %shift_left3A_1211 = arith.shli %get3A_1209, %shift_left3A_1210 : vector<16xi32>
        %and3A_1212 = vector.broadcast %select_n3A_1192 : i32 to vector<16xi32>
        %and3A_1213 = arith.andi %shift_left3A_1211, %and3A_1212 : vector<16xi32>
        %bitcast3A_1214 = vector.bitcast %and3A_1213 : vector<16xi32> to vector<16xf32>
        %swap3A_1215 = arith.index_cast %select_n3A_65 : i32 to index
        %swap3A_1216 = arith.index_cast %add3A_1181 : i32 to index
        %swap3A_1217 = arith.constant 16 : index
        %swap3A_1218 = tpu.vector_load %arg9[%swap3A_1215, %swap3A_1216, %swap3A_1217] {strides = array<i32>} : memref<2x128x128xf32, #tpu.memory_space<vmem>>, vector<16xf32>,
        tpu.vector_store %arg9[%swap3A_1215, %swap3A_1216, %swap3A_1217], %bitcast3A_1214 {strides = array<i32>} : memref<2x128x128xf32, #tpu.memory_space<vmem>>, vector<16xf32>,
        %get3A_1219 = arith.index_cast %select_n3A_65 : i32 to index
        %get3A_1220 = arith.index_cast %add3A_1181 : i32 to index
        %get3A_1221 = arith.constant 32 : index
        %get3A_1222 = tpu.vector_load %arg8[%get3A_1219, %get3A_1220, %get3A_1221] {strides = array<i32>} : memref<2x128x128xi32, #tpu.memory_space<vmem>>, vector<16xi32>,
        %shift_left3A_1223 = vector.broadcast %mul3A_1187 : i32 to vector<16xi32>
        %shift_left3A_1224 = arith.shli %get3A_1222, %shift_left3A_1223 : vector<16xi32>
        %and3A_1225 = vector.broadcast %select_n3A_1192 : i32 to vector<16xi32>
        %and3A_1226 = arith.andi %shift_left3A_1224, %and3A_1225 : vector<16xi32>
        %bitcast3A_1227 = vector.bitcast %and3A_1226 : vector<16xi32> to vector<16xf32>
        %swap3A_1228 = arith.index_cast %select_n3A_65 : i32 to index
        %swap3A_1229 = arith.index_cast %add3A_1181 : i32 to index
        %swap3A_1230 = arith.constant 32 : index
        %swap3A_1231 = tpu.vector_load %arg9[%swap3A_1228, %swap3A_1229, %swap3A_1230] {strides = array<i32>} : memref<2x128x128xf32, #tpu.memory_space<vmem>>, vector<16xf32>,
        tpu.vector_store %arg9[%swap3A_1228, %swap3A_1229, %swap3A_1230], %bitcast3A_1227 {strides = array<i32>} : memref<2x128x128xf32, #tpu.memory_space<vmem>>, vector<16xf32>,
        %get3A_1232 = arith.index_cast %select_n3A_65 : i32 to index
        %get3A_1233 = arith.index_cast %add3A_1181 : i32 to index
        %get3A_1234 = arith.constant 48 : index
        %get3A_1235 = tpu.vector_load %arg8[%get3A_1232, %get3A_1233, %get3A_1234] {strides = array<i32>} : memref<2x128x128xi32, #tpu.memory_space<vmem>>, vector<16xi32>,
        %shift_left3A_1236 = vector.broadcast %mul3A_1187 : i32 to vector<16xi32>
        %shift_left3A_1237 = arith.shli %get3A_1235, %shift_left3A_1236 : vector<16xi32>
        %and3A_1238 = vector.broadcast %select_n3A_1192 : i32 to vector<16xi32>
        %and3A_1239 = arith.andi %shift_left3A_1237, %and3A_1238 : vector<16xi32>
        %bitcast3A_1240 = vector.bitcast %and3A_1239 : vector<16xi32> to vector<16xf32>
        %swap3A_1241 = arith.index_cast %select_n3A_65 : i32 to index
        %swap3A_1242 = arith.index_cast %add3A_1181 : i32 to index
        %swap3A_1243 = arith.constant 48 : index
        %swap3A_1244 = tpu.vector_load %arg9[%swap3A_1241, %swap3A_1242, %swap3A_1243] {strides = array<i32>} : memref<2x128x128xf32, #tpu.memory_space<vmem>>, vector<16xf32>,
        tpu.vector_store %arg9[%swap3A_1241, %swap3A_1242, %swap3A_1243], %bitcast3A_1240 {strides = array<i32>} : memref<2x128x128xf32, #tpu.memory_space<vmem>>, vector<16xf32>,
        %get3A_1245 = arith.index_cast %select_n3A_65 : i32 to index
        %get3A_1246 = arith.index_cast %add3A_1181 : i32 to index
        %get3A_1247 = arith.constant 64 : index
        %get3A_1248 = tpu.vector_load %arg8[%get3A_1245, %get3A_1246, %get3A_1247] {strides = array<i32>} : memref<2x128x128xi32, #tpu.memory_space<vmem>>, vector<16xi32>,
        %shift_left3A_1249 = vector.broadcast %mul3A_1187 : i32 to vector<16xi32>
        %shift_left3A_1250 = arith.shli %get3A_1248, %shift_left3A_1249 : vector<16xi32>
        %and3A_1251 = vector.broadcast %select_n3A_1192 : i32 to vector<16xi32>
        %and3A_1252 = arith.andi %shift_left3A_1250, %and3A_1251 : vector<16xi32>
        %bitcast3A_1253 = vector.bitcast %and3A_1252 : vector<16xi32> to vector<16xf32>
        %swap3A_1254 = arith.index_cast %select_n3A_65 : i32 to index
        %swap3A_1255 = arith.index_cast %add3A_1181 : i32 to index
        %swap3A_1256 = arith.constant 64 : index
        %swap3A_1257 = tpu.vector_load %arg9[%swap3A_1254, %swap3A_1255, %swap3A_1256] {strides = array<i32>} : memref<2x128x128xf32, #tpu.memory_space<vmem>>, vector<16xf32>,
        tpu.vector_store %arg9[%swap3A_1254, %swap3A_1255, %swap3A_1256], %bitcast3A_1253 {strides = array<i32>} : memref<2x128x128xf32, #tpu.memory_space<vmem>>, vector<16xf32>,
        %get3A_1258 = arith.index_cast %select_n3A_65 : i32 to index
        %get3A_1259 = arith.index_cast %add3A_1181 : i32 to index
        %get3A_1260 = arith.constant 80 : index
        %get3A_1261 = tpu.vector_load %arg8[%get3A_1258, %get3A_1259, %get3A_1260] {strides = array<i32>} : memref<2x128x128xi32, #tpu.memory_space<vmem>>, vector<16xi32>,
        %shift_left3A_1262 = vector.broadcast %mul3A_1187 : i32 to vector<16xi32>
        %shift_left3A_1263 = arith.shli %get3A_1261, %shift_left3A_1262 : vector<16xi32>
        %and3A_1264 = vector.broadcast %select_n3A_1192 : i32 to vector<16xi32>
        %and3A_1265 = arith.andi %shift_left3A_1263, %and3A_1264 : vector<16xi32>
        %bitcast3A_1266 = vector.bitcast %and3A_1265 : vector<16xi32> to vector<16xf32>
        %swap3A_1267 = arith.index_cast %select_n3A_65 : i32 to index
        %swap3A_1268 = arith.index_cast %add3A_1181 : i32 to index
        %swap3A_1269 = arith.constant 80 : index
        %swap3A_1270 = tpu.vector_load %arg9[%swap3A_1267, %swap3A_1268, %swap3A_1269] {strides = array<i32>} : memref<2x128x128xf32, #tpu.memory_space<vmem>>, vector<16xf32>,
        tpu.vector_store %arg9[%swap3A_1267, %swap3A_1268, %swap3A_1269], %bitcast3A_1266 {strides = array<i32>} : memref<2x128x128xf32, #tpu.memory_space<vmem>>, vector<16xf32>,
        %get3A_1271 = arith.index_cast %select_n3A_65 : i32 to index
        %get3A_1272 = arith.index_cast %add3A_1181 : i32 to index
        %get3A_1273 = arith.constant 96 : index
        %get3A_1274 = tpu.vector_load %arg8[%get3A_1271, %get3A_1272, %get3A_1273] {strides = array<i32>} : memref<2x128x128xi32, #tpu.memory_space<vmem>>, vector<16xi32>,
        %shift_left3A_1275 = vector.broadcast %mul3A_1187 : i32 to vector<16xi32>
        %shift_left3A_1276 = arith.shli %get3A_1274, %shift_left3A_1275 : vector<16xi32>
        %and3A_1277 = vector.broadcast %select_n3A_1192 : i32 to vector<16xi32>
        %and3A_1278 = arith.andi %shift_left3A_1276, %and3A_1277 : vector<16xi32>
        %bitcast3A_1279 = vector.bitcast %and3A_1278 : vector<16xi32> to vector<16xf32>
        %swap3A_1280 = arith.index_cast %select_n3A_65 : i32 to index
        %swap3A_1281 = arith.index_cast %add3A_1181 : i32 to index
        %swap3A_1282 = arith.constant 96 : index
        %swap3A_1283 = tpu.vector_load %arg9[%swap3A_1280, %swap3A_1281, %swap3A_1282] {strides = array<i32>} : memref<2x128x128xf32, #tpu.memory_space<vmem>>, vector<16xf32>,
        tpu.vector_store %arg9[%swap3A_1280, %swap3A_1281, %swap3A_1282], %bitcast3A_1279 {strides = array<i32>} : memref<2x128x128xf32, #tpu.memory_space<vmem>>, vector<16xf32>,
        %get3A_1284 = arith.index_cast %select_n3A_65 : i32 to index
        %get3A_1285 = arith.index_cast %add3A_1181 : i32 to index
        %get3A_1286 = arith.constant 112 : index
        %get3A_1287 = tpu.vector_load %arg8[%get3A_1284, %get3A_1285, %get3A_1286] {strides = array<i32>} : memref<2x128x128xi32, #tpu.memory_space<vmem>>, vector<16xi32>,
        %shift_left3A_1288 = vector.broadcast %mul3A_1187 : i32 to vector<16xi32>
        %shift_left3A_1289 = arith.shli %get3A_1287, %shift_left3A_1288 : vector<16xi32>
        %and3A_1290 = vector.broadcast %select_n3A_1192 : i32 to vector<16xi32>
        %and3A_1291 = arith.andi %shift_left3A_1289, %and3A_1290 : vector<16xi32>
        %bitcast3A_1292 = vector.bitcast %and3A_1291 : vector<16xi32> to vector<16xf32>
        %swap3A_1293 = arith.index_cast %select_n3A_65 : i32 to index
        %swap3A_1294 = arith.index_cast %add3A_1181 : i32 to index
        %swap3A_1295 = arith.constant 112 : index
        %swap3A_1296 = tpu.vector_load %arg9[%swap3A_1293, %swap3A_1294, %swap3A_1295] {strides = array<i32>} : memref<2x128x128xf32, #tpu.memory_space<vmem>>, vector<16xf32>,
        tpu.vector_store %arg9[%swap3A_1293, %swap3A_1294, %swap3A_1295], %bitcast3A_1292 {strides = array<i32>} : memref<2x128x128xf32, #tpu.memory_space<vmem>>, vector<16xf32>,
        %mul3A_1297 = arith.constant 16 : i32
        %mul3A_1298 = arith.muli %scan3A_108, %mul3A_1297 : i32
        %add3A_1299 = arith.constant 10 : i32
        %add3A_1300 = arith.addi %mul3A_1298, %add3A_1299 : i32
        %slice3A_1301 = vector.extract_strided_slice %get3A_112 {offsets = [10], sizes = [1], strides = [1]} : vector<16xi32> to vector<1xi32>
        %squeeze3A_1302 = vector.extract %slice3A_1301[0] : i32 from vector<1xi32>
        %sub3A_1303 = arith.constant 1 : i32
        %sub3A_1304 = arith.subi %sub3A_1303, %squeeze3A_1302 : i32
        %mul3A_1305 = arith.constant 16 : i32
        %mul3A_1306 = arith.muli %sub3A_1304, %mul3A_1305 : i32
        %eq3A_1307 = arith.constant 1 : i32
        %eq3A_1308 = arith.cmpi eq, %squeeze3A_1302, %eq3A_1307 : i32
        %jit3A_1309 = arith.constant -65536 : i32
        %jit3A_1310 = arith.constant -1 : i32
        %select_n3A_1311 = arith.select %eq3A_1308, %jit3A_1309, %jit3A_1310 : i32
        %get3A_1312 = arith.index_cast %select_n3A_65 : i32 to index
        %get3A_1313 = arith.index_cast %add3A_1300 : i32 to index
        %get3A_1314 = arith.constant 0 : index
        %get3A_1315 = tpu.vector_load %arg8[%get3A_1312, %get3A_1313, %get3A_1314] {strides = array<i32>} : memref<2x128x128xi32, #tpu.memory_space<vmem>>, vector<16xi32>,
        %shift_left3A_1316 = vector.broadcast %mul3A_1306 : i32 to vector<16xi32>
        %shift_left3A_1317 = arith.shli %get3A_1315, %shift_left3A_1316 : vector<16xi32>
        %and3A_1318 = vector.broadcast %select_n3A_1311 : i32 to vector<16xi32>
        %and3A_1319 = arith.andi %shift_left3A_1317, %and3A_1318 : vector<16xi32>
        %bitcast3A_1320 = vector.bitcast %and3A_1319 : vector<16xi32> to vector<16xf32>
        %swap3A_1321 = arith.index_cast %select_n3A_65 : i32 to index
        %swap3A_1322 = arith.index_cast %add3A_1300 : i32 to index
        %swap3A_1323 = arith.constant 0 : index
        %swap3A_1324 = tpu.vector_load %arg9[%swap3A_1321, %swap3A_1322, %swap3A_1323] {strides = array<i32>} : memref<2x128x128xf32, #tpu.memory_space<vmem>>, vector<16xf32>,
        tpu.vector_store %arg9[%swap3A_1321, %swap3A_1322, %swap3A_1323], %bitcast3A_1320 {strides = array<i32>} : memref<2x128x128xf32, #tpu.memory_space<vmem>>, vector<16xf32>,
        %get3A_1325 = arith.index_cast %select_n3A_65 : i32 to index
        %get3A_1326 = arith.index_cast %add3A_1300 : i32 to index
        %get3A_1327 = arith.constant 16 : index
        %get3A_1328 = tpu.vector_load %arg8[%get3A_1325, %get3A_1326, %get3A_1327] {strides = array<i32>} : memref<2x128x128xi32, #tpu.memory_space<vmem>>, vector<16xi32>,
        %shift_left3A_1329 = vector.broadcast %mul3A_1306 : i32 to vector<16xi32>
        %shift_left3A_1330 = arith.shli %get3A_1328, %shift_left3A_1329 : vector<16xi32>
        %and3A_1331 = vector.broadcast %select_n3A_1311 : i32 to vector<16xi32>
        %and3A_1332 = arith.andi %shift_left3A_1330, %and3A_1331 : vector<16xi32>
        %bitcast3A_1333 = vector.bitcast %and3A_1332 : vector<16xi32> to vector<16xf32>
        %swap3A_1334 = arith.index_cast %select_n3A_65 : i32 to index
        %swap3A_1335 = arith.index_cast %add3A_1300 : i32 to index
        %swap3A_1336 = arith.constant 16 : index
        %swap3A_1337 = tpu.vector_load %arg9[%swap3A_1334, %swap3A_1335, %swap3A_1336] {strides = array<i32>} : memref<2x128x128xf32, #tpu.memory_space<vmem>>, vector<16xf32>,
        tpu.vector_store %arg9[%swap3A_1334, %swap3A_1335, %swap3A_1336], %bitcast3A_1333 {strides = array<i32>} : memref<2x128x128xf32, #tpu.memory_space<vmem>>, vector<16xf32>,
        %get3A_1338 = arith.index_cast %select_n3A_65 : i32 to index
        %get3A_1339 = arith.index_cast %add3A_1300 : i32 to index
        %get3A_1340 = arith.constant 32 : index
        %get3A_1341 = tpu.vector_load %arg8[%get3A_1338, %get3A_1339, %get3A_1340] {strides = array<i32>} : memref<2x128x128xi32, #tpu.memory_space<vmem>>, vector<16xi32>,
        %shift_left3A_1342 = vector.broadcast %mul3A_1306 : i32 to vector<16xi32>
        %shift_left3A_1343 = arith.shli %get3A_1341, %shift_left3A_1342 : vector<16xi32>
        %and3A_1344 = vector.broadcast %select_n3A_1311 : i32 to vector<16xi32>
        %and3A_1345 = arith.andi %shift_left3A_1343, %and3A_1344 : vector<16xi32>
        %bitcast3A_1346 = vector.bitcast %and3A_1345 : vector<16xi32> to vector<16xf32>
        %swap3A_1347 = arith.index_cast %select_n3A_65 : i32 to index
        %swap3A_1348 = arith.index_cast %add3A_1300 : i32 to index
        %swap3A_1349 = arith.constant 32 : index
        %swap3A_1350 = tpu.vector_load %arg9[%swap3A_1347, %swap3A_1348, %swap3A_1349] {strides = array<i32>} : memref<2x128x128xf32, #tpu.memory_space<vmem>>, vector<16xf32>,
        tpu.vector_store %arg9[%swap3A_1347, %swap3A_1348, %swap3A_1349], %bitcast3A_1346 {strides = array<i32>} : memref<2x128x128xf32, #tpu.memory_space<vmem>>, vector<16xf32>,
        %get3A_1351 = arith.index_cast %select_n3A_65 : i32 to index
        %get3A_1352 = arith.index_cast %add3A_1300 : i32 to index
        %get3A_1353 = arith.constant 48 : index
        %get3A_1354 = tpu.vector_load %arg8[%get3A_1351, %get3A_1352, %get3A_1353] {strides = array<i32>} : memref<2x128x128xi32, #tpu.memory_space<vmem>>, vector<16xi32>,
        %shift_left3A_1355 = vector.broadcast %mul3A_1306 : i32 to vector<16xi32>
        %shift_left3A_1356 = arith.shli %get3A_1354, %shift_left3A_1355 : vector<16xi32>
        %and3A_1357 = vector.broadcast %select_n3A_1311 : i32 to vector<16xi32>
        %and3A_1358 = arith.andi %shift_left3A_1356, %and3A_1357 : vector<16xi32>
        %bitcast3A_1359 = vector.bitcast %and3A_1358 : vector<16xi32> to vector<16xf32>
        %swap3A_1360 = arith.index_cast %select_n3A_65 : i32 to index
        %swap3A_1361 = arith.index_cast %add3A_1300 : i32 to index
        %swap3A_1362 = arith.constant 48 : index
        %swap3A_1363 = tpu.vector_load %arg9[%swap3A_1360, %swap3A_1361, %swap3A_1362] {strides = array<i32>} : memref<2x128x128xf32, #tpu.memory_space<vmem>>, vector<16xf32>,
        tpu.vector_store %arg9[%swap3A_1360, %swap3A_1361, %swap3A_1362], %bitcast3A_1359 {strides = array<i32>} : memref<2x128x128xf32, #tpu.memory_space<vmem>>, vector<16xf32>,
        %get3A_1364 = arith.index_cast %select_n3A_65 : i32 to index
        %get3A_1365 = arith.index_cast %add3A_1300 : i32 to index
        %get3A_1366 = arith.constant 64 : index
        %get3A_1367 = tpu.vector_load %arg8[%get3A_1364, %get3A_1365, %get3A_1366] {strides = array<i32>} : memref<2x128x128xi32, #tpu.memory_space<vmem>>, vector<16xi32>,
        %shift_left3A_1368 = vector.broadcast %mul3A_1306 : i32 to vector<16xi32>
        %shift_left3A_1369 = arith.shli %get3A_1367, %shift_left3A_1368 : vector<16xi32>
        %and3A_1370 = vector.broadcast %select_n3A_1311 : i32 to vector<16xi32>
        %and3A_1371 = arith.andi %shift_left3A_1369, %and3A_1370 : vector<16xi32>
        %bitcast3A_1372 = vector.bitcast %and3A_1371 : vector<16xi32> to vector<16xf32>
        %swap3A_1373 = arith.index_cast %select_n3A_65 : i32 to index
        %swap3A_1374 = arith.index_cast %add3A_1300 : i32 to index
        %swap3A_1375 = arith.constant 64 : index
        %swap3A_1376 = tpu.vector_load %arg9[%swap3A_1373, %swap3A_1374, %swap3A_1375] {strides = array<i32>} : memref<2x128x128xf32, #tpu.memory_space<vmem>>, vector<16xf32>,
        tpu.vector_store %arg9[%swap3A_1373, %swap3A_1374, %swap3A_1375], %bitcast3A_1372 {strides = array<i32>} : memref<2x128x128xf32, #tpu.memory_space<vmem>>, vector<16xf32>,
        %get3A_1377 = arith.index_cast %select_n3A_65 : i32 to index
        %get3A_1378 = arith.index_cast %add3A_1300 : i32 to index
        %get3A_1379 = arith.constant 80 : index
        %get3A_1380 = tpu.vector_load %arg8[%get3A_1377, %get3A_1378, %get3A_1379] {strides = array<i32>} : memref<2x128x128xi32, #tpu.memory_space<vmem>>, vector<16xi32>,
        %shift_left3A_1381 = vector.broadcast %mul3A_1306 : i32 to vector<16xi32>
        %shift_left3A_1382 = arith.shli %get3A_1380, %shift_left3A_1381 : vector<16xi32>
        %and3A_1383 = vector.broadcast %select_n3A_1311 : i32 to vector<16xi32>
        %and3A_1384 = arith.andi %shift_left3A_1382, %and3A_1383 : vector<16xi32>
        %bitcast3A_1385 = vector.bitcast %and3A_1384 : vector<16xi32> to vector<16xf32>
        %swap3A_1386 = arith.index_cast %select_n3A_65 : i32 to index
        %swap3A_1387 = arith.index_cast %add3A_1300 : i32 to index
        %swap3A_1388 = arith.constant 80 : index
        %swap3A_1389 = tpu.vector_load %arg9[%swap3A_1386, %swap3A_1387, %swap3A_1388] {strides = array<i32>} : memref<2x128x128xf32, #tpu.memory_space<vmem>>, vector<16xf32>,
        tpu.vector_store %arg9[%swap3A_1386, %swap3A_1387, %swap3A_1388], %bitcast3A_1385 {strides = array<i32>} : memref<2x128x128xf32, #tpu.memory_space<vmem>>, vector<16xf32>,
        %get3A_1390 = arith.index_cast %select_n3A_65 : i32 to index
        %get3A_1391 = arith.index_cast %add3A_1300 : i32 to index
        %get3A_1392 = arith.constant 96 : index
        %get3A_1393 = tpu.vector_load %arg8[%get3A_1390, %get3A_1391, %get3A_1392] {strides = array<i32>} : memref<2x128x128xi32, #tpu.memory_space<vmem>>, vector<16xi32>,
        %shift_left3A_1394 = vector.broadcast %mul3A_1306 : i32 to vector<16xi32>
        %shift_left3A_1395 = arith.shli %get3A_1393, %shift_left3A_1394 : vector<16xi32>
        %and3A_1396 = vector.broadcast %select_n3A_1311 : i32 to vector<16xi32>
        %and3A_1397 = arith.andi %shift_left3A_1395, %and3A_1396 : vector<16xi32>
        %bitcast3A_1398 = vector.bitcast %and3A_1397 : vector<16xi32> to vector<16xf32>
        %swap3A_1399 = arith.index_cast %select_n3A_65 : i32 to index
        %swap3A_1400 = arith.index_cast %add3A_1300 : i32 to index
        %swap3A_1401 = arith.constant 96 : index
        %swap3A_1402 = tpu.vector_load %arg9[%swap3A_1399, %swap3A_1400, %swap3A_1401] {strides = array<i32>} : memref<2x128x128xf32, #tpu.memory_space<vmem>>, vector<16xf32>,
        tpu.vector_store %arg9[%swap3A_1399, %swap3A_1400, %swap3A_1401], %bitcast3A_1398 {strides = array<i32>} : memref<2x128x128xf32, #tpu.memory_space<vmem>>, vector<16xf32>,
        %get3A_1403 = arith.index_cast %select_n3A_65 : i32 to index
        %get3A_1404 = arith.index_cast %add3A_1300 : i32 to index
        %get3A_1405 = arith.constant 112 : index
        %get3A_1406 = tpu.vector_load %arg8[%get3A_1403, %get3A_1404, %get3A_1405] {strides = array<i32>} : memref<2x128x128xi32, #tpu.memory_space<vmem>>, vector<16xi32>,
        %shift_left3A_1407 = vector.broadcast %mul3A_1306 : i32 to vector<16xi32>
        %shift_left3A_1408 = arith.shli %get3A_1406, %shift_left3A_1407 : vector<16xi32>
        %and3A_1409 = vector.broadcast %select_n3A_1311 : i32 to vector<16xi32>
        %and3A_1410 = arith.andi %shift_left3A_1408, %and3A_1409 : vector<16xi32>
        %bitcast3A_1411 = vector.bitcast %and3A_1410 : vector<16xi32> to vector<16xf32>
        %swap3A_1412 = arith.index_cast %select_n3A_65 : i32 to index
        %swap3A_1413 = arith.index_cast %add3A_1300 : i32 to index
        %swap3A_1414 = arith.constant 112 : index
        %swap3A_1415 = tpu.vector_load %arg9[%swap3A_1412, %swap3A_1413, %swap3A_1414] {strides = array<i32>} : memref<2x128x128xf32, #tpu.memory_space<vmem>>, vector<16xf32>,
        tpu.vector_store %arg9[%swap3A_1412, %swap3A_1413, %swap3A_1414], %bitcast3A_1411 {strides = array<i32>} : memref<2x128x128xf32, #tpu.memory_space<vmem>>, vector<16xf32>,
        %mul3A_1416 = arith.constant 16 : i32
        %mul3A_1417 = arith.muli %scan3A_108, %mul3A_1416 : i32
        %add3A_1418 = arith.constant 11 : i32
        %add3A_1419 = arith.addi %mul3A_1417, %add3A_1418 : i32
        %slice3A_1420 = vector.extract_strided_slice %get3A_112 {offsets = [11], sizes = [1], strides = [1]} : vector<16xi32> to vector<1xi32>
        %squeeze3A_1421 = vector.extract %slice3A_1420[0] : i32 from vector<1xi32>
        %sub3A_1422 = arith.constant 1 : i32
        %sub3A_1423 = arith.subi %sub3A_1422, %squeeze3A_1421 : i32
        %mul3A_1424 = arith.constant 16 : i32
        %mul3A_1425 = arith.muli %sub3A_1423, %mul3A_1424 : i32
        %eq3A_1426 = arith.constant 1 : i32
        %eq3A_1427 = arith.cmpi eq, %squeeze3A_1421, %eq3A_1426 : i32
        %jit3A_1428 = arith.constant -65536 : i32
        %jit3A_1429 = arith.constant -1 : i32
        %select_n3A_1430 = arith.select %eq3A_1427, %jit3A_1428, %jit3A_1429 : i32
        %get3A_1431 = arith.index_cast %select_n3A_65 : i32 to index
        %get3A_1432 = arith.index_cast %add3A_1419 : i32 to index
        %get3A_1433 = arith.constant 0 : index
        %get3A_1434 = tpu.vector_load %arg8[%get3A_1431, %get3A_1432, %get3A_1433] {strides = array<i32>} : memref<2x128x128xi32, #tpu.memory_space<vmem>>, vector<16xi32>,
        %shift_left3A_1435 = vector.broadcast %mul3A_1425 : i32 to vector<16xi32>
        %shift_left3A_1436 = arith.shli %get3A_1434, %shift_left3A_1435 : vector<16xi32>
        %and3A_1437 = vector.broadcast %select_n3A_1430 : i32 to vector<16xi32>
        %and3A_1438 = arith.andi %shift_left3A_1436, %and3A_1437 : vector<16xi32>
        %bitcast3A_1439 = vector.bitcast %and3A_1438 : vector<16xi32> to vector<16xf32>
        %swap3A_1440 = arith.index_cast %select_n3A_65 : i32 to index
        %swap3A_1441 = arith.index_cast %add3A_1419 : i32 to index
        %swap3A_1442 = arith.constant 0 : index
        %swap3A_1443 = tpu.vector_load %arg9[%swap3A_1440, %swap3A_1441, %swap3A_1442] {strides = array<i32>} : memref<2x128x128xf32, #tpu.memory_space<vmem>>, vector<16xf32>,
        tpu.vector_store %arg9[%swap3A_1440, %swap3A_1441, %swap3A_1442], %bitcast3A_1439 {strides = array<i32>} : memref<2x128x128xf32, #tpu.memory_space<vmem>>, vector<16xf32>,
        %get3A_1444 = arith.index_cast %select_n3A_65 : i32 to index
        %get3A_1445 = arith.index_cast %add3A_1419 : i32 to index
        %get3A_1446 = arith.constant 16 : index
        %get3A_1447 = tpu.vector_load %arg8[%get3A_1444, %get3A_1445, %get3A_1446] {strides = array<i32>} : memref<2x128x128xi32, #tpu.memory_space<vmem>>, vector<16xi32>,
        %shift_left3A_1448 = vector.broadcast %mul3A_1425 : i32 to vector<16xi32>
        %shift_left3A_1449 = arith.shli %get3A_1447, %shift_left3A_1448 : vector<16xi32>
        %and3A_1450 = vector.broadcast %select_n3A_1430 : i32 to vector<16xi32>
        %and3A_1451 = arith.andi %shift_left3A_1449, %and3A_1450 : vector<16xi32>
        %bitcast3A_1452 = vector.bitcast %and3A_1451 : vector<16xi32> to vector<16xf32>
        %swap3A_1453 = arith.index_cast %select_n3A_65 : i32 to index
        %swap3A_1454 = arith.index_cast %add3A_1419 : i32 to index
        %swap3A_1455 = arith.constant 16 : index
        %swap3A_1456 = tpu.vector_load %arg9[%swap3A_1453, %swap3A_1454, %swap3A_1455] {strides = array<i32>} : memref<2x128x128xf32, #tpu.memory_space<vmem>>, vector<16xf32>,
        tpu.vector_store %arg9[%swap3A_1453, %swap3A_1454, %swap3A_1455], %bitcast3A_1452 {strides = array<i32>} : memref<2x128x128xf32, #tpu.memory_space<vmem>>, vector<16xf32>,
        %get3A_1457 = arith.index_cast %select_n3A_65 : i32 to index
        %get3A_1458 = arith.index_cast %add3A_1419 : i32 to index
        %get3A_1459 = arith.constant 32 : index
        %get3A_1460 = tpu.vector_load %arg8[%get3A_1457, %get3A_1458, %get3A_1459] {strides = array<i32>} : memref<2x128x128xi32, #tpu.memory_space<vmem>>, vector<16xi32>,
        %shift_left3A_1461 = vector.broadcast %mul3A_1425 : i32 to vector<16xi32>
        %shift_left3A_1462 = arith.shli %get3A_1460, %shift_left3A_1461 : vector<16xi32>
        %and3A_1463 = vector.broadcast %select_n3A_1430 : i32 to vector<16xi32>
        %and3A_1464 = arith.andi %shift_left3A_1462, %and3A_1463 : vector<16xi32>
        %bitcast3A_1465 = vector.bitcast %and3A_1464 : vector<16xi32> to vector<16xf32>
        %swap3A_1466 = arith.index_cast %select_n3A_65 : i32 to index
        %swap3A_1467 = arith.index_cast %add3A_1419 : i32 to index
        %swap3A_1468 = arith.constant 32 : index
        %swap3A_1469 = tpu.vector_load %arg9[%swap3A_1466, %swap3A_1467, %swap3A_1468] {strides = array<i32>} : memref<2x128x128xf32, #tpu.memory_space<vmem>>, vector<16xf32>,
        tpu.vector_store %arg9[%swap3A_1466, %swap3A_1467, %swap3A_1468], %bitcast3A_1465 {strides = array<i32>} : memref<2x128x128xf32, #tpu.memory_space<vmem>>, vector<16xf32>,
        %get3A_1470 = arith.index_cast %select_n3A_65 : i32 to index
        %get3A_1471 = arith.index_cast %add3A_1419 : i32 to index
        %get3A_1472 = arith.constant 48 : index
        %get3A_1473 = tpu.vector_load %arg8[%get3A_1470, %get3A_1471, %get3A_1472] {strides = array<i32>} : memref<2x128x128xi32, #tpu.memory_space<vmem>>, vector<16xi32>,
        %shift_left3A_1474 = vector.broadcast %mul3A_1425 : i32 to vector<16xi32>
        %shift_left3A_1475 = arith.shli %get3A_1473, %shift_left3A_1474 : vector<16xi32>
        %and3A_1476 = vector.broadcast %select_n3A_1430 : i32 to vector<16xi32>
        %and3A_1477 = arith.andi %shift_left3A_1475, %and3A_1476 : vector<16xi32>
        %bitcast3A_1478 = vector.bitcast %and3A_1477 : vector<16xi32> to vector<16xf32>
        %swap3A_1479 = arith.index_cast %select_n3A_65 : i32 to index
        %swap3A_1480 = arith.index_cast %add3A_1419 : i32 to index
        %swap3A_1481 = arith.constant 48 : index
        %swap3A_1482 = tpu.vector_load %arg9[%swap3A_1479, %swap3A_1480, %swap3A_1481] {strides = array<i32>} : memref<2x128x128xf32, #tpu.memory_space<vmem>>, vector<16xf32>,
        tpu.vector_store %arg9[%swap3A_1479, %swap3A_1480, %swap3A_1481], %bitcast3A_1478 {strides = array<i32>} : memref<2x128x128xf32, #tpu.memory_space<vmem>>, vector<16xf32>,
        %get3A_1483 = arith.index_cast %select_n3A_65 : i32 to index
        %get3A_1484 = arith.index_cast %add3A_1419 : i32 to index
        %get3A_1485 = arith.constant 64 : index
        %get3A_1486 = tpu.vector_load %arg8[%get3A_1483, %get3A_1484, %get3A_1485] {strides = array<i32>} : memref<2x128x128xi32, #tpu.memory_space<vmem>>, vector<16xi32>,
        %shift_left3A_1487 = vector.broadcast %mul3A_1425 : i32 to vector<16xi32>
        %shift_left3A_1488 = arith.shli %get3A_1486, %shift_left3A_1487 : vector<16xi32>
        %and3A_1489 = vector.broadcast %select_n3A_1430 : i32 to vector<16xi32>
        %and3A_1490 = arith.andi %shift_left3A_1488, %and3A_1489 : vector<16xi32>
        %bitcast3A_1491 = vector.bitcast %and3A_1490 : vector<16xi32> to vector<16xf32>
        %swap3A_1492 = arith.index_cast %select_n3A_65 : i32 to index
        %swap3A_1493 = arith.index_cast %add3A_1419 : i32 to index
        %swap3A_1494 = arith.constant 64 : index
        %swap3A_1495 = tpu.vector_load %arg9[%swap3A_1492, %swap3A_1493, %swap3A_1494] {strides = array<i32>} : memref<2x128x128xf32, #tpu.memory_space<vmem>>, vector<16xf32>,
        tpu.vector_store %arg9[%swap3A_1492, %swap3A_1493, %swap3A_1494], %bitcast3A_1491 {strides = array<i32>} : memref<2x128x128xf32, #tpu.memory_space<vmem>>, vector<16xf32>,
        %get3A_1496 = arith.index_cast %select_n3A_65 : i32 to index
        %get3A_1497 = arith.index_cast %add3A_1419 : i32 to index
        %get3A_1498 = arith.constant 80 : index
        %get3A_1499 = tpu.vector_load %arg8[%get3A_1496, %get3A_1497, %get3A_1498] {strides = array<i32>} : memref<2x128x128xi32, #tpu.memory_space<vmem>>, vector<16xi32>,
        %shift_left3A_1500 = vector.broadcast %mul3A_1425 : i32 to vector<16xi32>
        %shift_left3A_1501 = arith.shli %get3A_1499, %shift_left3A_1500 : vector<16xi32>
        %and3A_1502 = vector.broadcast %select_n3A_1430 : i32 to vector<16xi32>
        %and3A_1503 = arith.andi %shift_left3A_1501, %and3A_1502 : vector<16xi32>
        %bitcast3A_1504 = vector.bitcast %and3A_1503 : vector<16xi32> to vector<16xf32>
        %swap3A_1505 = arith.index_cast %select_n3A_65 : i32 to index
        %swap3A_1506 = arith.index_cast %add3A_1419 : i32 to index
        %swap3A_1507 = arith.constant 80 : index
        %swap3A_1508 = tpu.vector_load %arg9[%swap3A_1505, %swap3A_1506, %swap3A_1507] {strides = array<i32>} : memref<2x128x128xf32, #tpu.memory_space<vmem>>, vector<16xf32>,
        tpu.vector_store %arg9[%swap3A_1505, %swap3A_1506, %swap3A_1507], %bitcast3A_1504 {strides = array<i32>} : memref<2x128x128xf32, #tpu.memory_space<vmem>>, vector<16xf32>,
        %get3A_1509 = arith.index_cast %select_n3A_65 : i32 to index
        %get3A_1510 = arith.index_cast %add3A_1419 : i32 to index
        %get3A_1511 = arith.constant 96 : index
        %get3A_1512 = tpu.vector_load %arg8[%get3A_1509, %get3A_1510, %get3A_1511] {strides = array<i32>} : memref<2x128x128xi32, #tpu.memory_space<vmem>>, vector<16xi32>,
        %shift_left3A_1513 = vector.broadcast %mul3A_1425 : i32 to vector<16xi32>
        %shift_left3A_1514 = arith.shli %get3A_1512, %shift_left3A_1513 : vector<16xi32>
        %and3A_1515 = vector.broadcast %select_n3A_1430 : i32 to vector<16xi32>
        %and3A_1516 = arith.andi %shift_left3A_1514, %and3A_1515 : vector<16xi32>
        %bitcast3A_1517 = vector.bitcast %and3A_1516 : vector<16xi32> to vector<16xf32>
        %swap3A_1518 = arith.index_cast %select_n3A_65 : i32 to index
        %swap3A_1519 = arith.index_cast %add3A_1419 : i32 to index
        %swap3A_1520 = arith.constant 96 : index
        %swap3A_1521 = tpu.vector_load %arg9[%swap3A_1518, %swap3A_1519, %swap3A_1520] {strides = array<i32>} : memref<2x128x128xf32, #tpu.memory_space<vmem>>, vector<16xf32>,
        tpu.vector_store %arg9[%swap3A_1518, %swap3A_1519, %swap3A_1520], %bitcast3A_1517 {strides = array<i32>} : memref<2x128x128xf32, #tpu.memory_space<vmem>>, vector<16xf32>,
        %get3A_1522 = arith.index_cast %select_n3A_65 : i32 to index
        %get3A_1523 = arith.index_cast %add3A_1419 : i32 to index
        %get3A_1524 = arith.constant 112 : index
        %get3A_1525 = tpu.vector_load %arg8[%get3A_1522, %get3A_1523, %get3A_1524] {strides = array<i32>} : memref<2x128x128xi32, #tpu.memory_space<vmem>>, vector<16xi32>,
        %shift_left3A_1526 = vector.broadcast %mul3A_1425 : i32 to vector<16xi32>
        %shift_left3A_1527 = arith.shli %get3A_1525, %shift_left3A_1526 : vector<16xi32>
        %and3A_1528 = vector.broadcast %select_n3A_1430 : i32 to vector<16xi32>
        %and3A_1529 = arith.andi %shift_left3A_1527, %and3A_1528 : vector<16xi32>
        %bitcast3A_1530 = vector.bitcast %and3A_1529 : vector<16xi32> to vector<16xf32>
        %swap3A_1531 = arith.index_cast %select_n3A_65 : i32 to index
        %swap3A_1532 = arith.index_cast %add3A_1419 : i32 to index
        %swap3A_1533 = arith.constant 112 : index
        %swap3A_1534 = tpu.vector_load %arg9[%swap3A_1531, %swap3A_1532, %swap3A_1533] {strides = array<i32>} : memref<2x128x128xf32, #tpu.memory_space<vmem>>, vector<16xf32>,
        tpu.vector_store %arg9[%swap3A_1531, %swap3A_1532, %swap3A_1533], %bitcast3A_1530 {strides = array<i32>} : memref<2x128x128xf32, #tpu.memory_space<vmem>>, vector<16xf32>,
        %mul3A_1535 = arith.constant 16 : i32
        %mul3A_1536 = arith.muli %scan3A_108, %mul3A_1535 : i32
        %add3A_1537 = arith.constant 12 : i32
        %add3A_1538 = arith.addi %mul3A_1536, %add3A_1537 : i32
        %slice3A_1539 = vector.extract_strided_slice %get3A_112 {offsets = [12], sizes = [1], strides = [1]} : vector<16xi32> to vector<1xi32>
        %squeeze3A_1540 = vector.extract %slice3A_1539[0] : i32 from vector<1xi32>
        %sub3A_1541 = arith.constant 1 : i32
        %sub3A_1542 = arith.subi %sub3A_1541, %squeeze3A_1540 : i32
        %mul3A_1543 = arith.constant 16 : i32
        %mul3A_1544 = arith.muli %sub3A_1542, %mul3A_1543 : i32
        %eq3A_1545 = arith.constant 1 : i32
        %eq3A_1546 = arith.cmpi eq, %squeeze3A_1540, %eq3A_1545 : i32
        %jit3A_1547 = arith.constant -65536 : i32
        %jit3A_1548 = arith.constant -1 : i32
        %select_n3A_1549 = arith.select %eq3A_1546, %jit3A_1547, %jit3A_1548 : i32
        %get3A_1550 = arith.index_cast %select_n3A_65 : i32 to index
        %get3A_1551 = arith.index_cast %add3A_1538 : i32 to index
        %get3A_1552 = arith.constant 0 : index
        %get3A_1553 = tpu.vector_load %arg8[%get3A_1550, %get3A_1551, %get3A_1552] {strides = array<i32>} : memref<2x128x128xi32, #tpu.memory_space<vmem>>, vector<16xi32>,
        %shift_left3A_1554 = vector.broadcast %mul3A_1544 : i32 to vector<16xi32>
        %shift_left3A_1555 = arith.shli %get3A_1553, %shift_left3A_1554 : vector<16xi32>
        %and3A_1556 = vector.broadcast %select_n3A_1549 : i32 to vector<16xi32>
        %and3A_1557 = arith.andi %shift_left3A_1555, %and3A_1556 : vector<16xi32>
        %bitcast3A_1558 = vector.bitcast %and3A_1557 : vector<16xi32> to vector<16xf32>
        %swap3A_1559 = arith.index_cast %select_n3A_65 : i32 to index
        %swap3A_1560 = arith.index_cast %add3A_1538 : i32 to index
        %swap3A_1561 = arith.constant 0 : index
        %swap3A_1562 = tpu.vector_load %arg9[%swap3A_1559, %swap3A_1560, %swap3A_1561] {strides = array<i32>} : memref<2x128x128xf32, #tpu.memory_space<vmem>>, vector<16xf32>,
        tpu.vector_store %arg9[%swap3A_1559, %swap3A_1560, %swap3A_1561], %bitcast3A_1558 {strides = array<i32>} : memref<2x128x128xf32, #tpu.memory_space<vmem>>, vector<16xf32>,
        %get3A_1563 = arith.index_cast %select_n3A_65 : i32 to index
        %get3A_1564 = arith.index_cast %add3A_1538 : i32 to index
        %get3A_1565 = arith.constant 16 : index
        %get3A_1566 = tpu.vector_load %arg8[%get3A_1563, %get3A_1564, %get3A_1565] {strides = array<i32>} : memref<2x128x128xi32, #tpu.memory_space<vmem>>, vector<16xi32>,
        %shift_left3A_1567 = vector.broadcast %mul3A_1544 : i32 to vector<16xi32>
        %shift_left3A_1568 = arith.shli %get3A_1566, %shift_left3A_1567 : vector<16xi32>
        %and3A_1569 = vector.broadcast %select_n3A_1549 : i32 to vector<16xi32>
        %and3A_1570 = arith.andi %shift_left3A_1568, %and3A_1569 : vector<16xi32>
        %bitcast3A_1571 = vector.bitcast %and3A_1570 : vector<16xi32> to vector<16xf32>
        %swap3A_1572 = arith.index_cast %select_n3A_65 : i32 to index
        %swap3A_1573 = arith.index_cast %add3A_1538 : i32 to index
        %swap3A_1574 = arith.constant 16 : index
        %swap3A_1575 = tpu.vector_load %arg9[%swap3A_1572, %swap3A_1573, %swap3A_1574] {strides = array<i32>} : memref<2x128x128xf32, #tpu.memory_space<vmem>>, vector<16xf32>,
        tpu.vector_store %arg9[%swap3A_1572, %swap3A_1573, %swap3A_1574], %bitcast3A_1571 {strides = array<i32>} : memref<2x128x128xf32, #tpu.memory_space<vmem>>, vector<16xf32>,
        %get3A_1576 = arith.index_cast %select_n3A_65 : i32 to index
        %get3A_1577 = arith.index_cast %add3A_1538 : i32 to index
        %get3A_1578 = arith.constant 32 : index
        %get3A_1579 = tpu.vector_load %arg8[%get3A_1576, %get3A_1577, %get3A_1578] {strides = array<i32>} : memref<2x128x128xi32, #tpu.memory_space<vmem>>, vector<16xi32>,
        %shift_left3A_1580 = vector.broadcast %mul3A_1544 : i32 to vector<16xi32>
        %shift_left3A_1581 = arith.shli %get3A_1579, %shift_left3A_1580 : vector<16xi32>
        %and3A_1582 = vector.broadcast %select_n3A_1549 : i32 to vector<16xi32>
        %and3A_1583 = arith.andi %shift_left3A_1581, %and3A_1582 : vector<16xi32>
        %bitcast3A_1584 = vector.bitcast %and3A_1583 : vector<16xi32> to vector<16xf32>
        %swap3A_1585 = arith.index_cast %select_n3A_65 : i32 to index
        %swap3A_1586 = arith.index_cast %add3A_1538 : i32 to index
        %swap3A_1587 = arith.constant 32 : index
        %swap3A_1588 = tpu.vector_load %arg9[%swap3A_1585, %swap3A_1586, %swap3A_1587] {strides = array<i32>} : memref<2x128x128xf32, #tpu.memory_space<vmem>>, vector<16xf32>,
        tpu.vector_store %arg9[%swap3A_1585, %swap3A_1586, %swap3A_1587], %bitcast3A_1584 {strides = array<i32>} : memref<2x128x128xf32, #tpu.memory_space<vmem>>, vector<16xf32>,
        %get3A_1589 = arith.index_cast %select_n3A_65 : i32 to index
        %get3A_1590 = arith.index_cast %add3A_1538 : i32 to index
        %get3A_1591 = arith.constant 48 : index
        %get3A_1592 = tpu.vector_load %arg8[%get3A_1589, %get3A_1590, %get3A_1591] {strides = array<i32>} : memref<2x128x128xi32, #tpu.memory_space<vmem>>, vector<16xi32>,
        %shift_left3A_1593 = vector.broadcast %mul3A_1544 : i32 to vector<16xi32>
        %shift_left3A_1594 = arith.shli %get3A_1592, %shift_left3A_1593 : vector<16xi32>
        %and3A_1595 = vector.broadcast %select_n3A_1549 : i32 to vector<16xi32>
        %and3A_1596 = arith.andi %shift_left3A_1594, %and3A_1595 : vector<16xi32>
        %bitcast3A_1597 = vector.bitcast %and3A_1596 : vector<16xi32> to vector<16xf32>
        %swap3A_1598 = arith.index_cast %select_n3A_65 : i32 to index
        %swap3A_1599 = arith.index_cast %add3A_1538 : i32 to index
        %swap3A_1600 = arith.constant 48 : index
        %swap3A_1601 = tpu.vector_load %arg9[%swap3A_1598, %swap3A_1599, %swap3A_1600] {strides = array<i32>} : memref<2x128x128xf32, #tpu.memory_space<vmem>>, vector<16xf32>,
        tpu.vector_store %arg9[%swap3A_1598, %swap3A_1599, %swap3A_1600], %bitcast3A_1597 {strides = array<i32>} : memref<2x128x128xf32, #tpu.memory_space<vmem>>, vector<16xf32>,
        %get3A_1602 = arith.index_cast %select_n3A_65 : i32 to index
        %get3A_1603 = arith.index_cast %add3A_1538 : i32 to index
        %get3A_1604 = arith.constant 64 : index
        %get3A_1605 = tpu.vector_load %arg8[%get3A_1602, %get3A_1603, %get3A_1604] {strides = array<i32>} : memref<2x128x128xi32, #tpu.memory_space<vmem>>, vector<16xi32>,
        %shift_left3A_1606 = vector.broadcast %mul3A_1544 : i32 to vector<16xi32>
        %shift_left3A_1607 = arith.shli %get3A_1605, %shift_left3A_1606 : vector<16xi32>
        %and3A_1608 = vector.broadcast %select_n3A_1549 : i32 to vector<16xi32>
        %and3A_1609 = arith.andi %shift_left3A_1607, %and3A_1608 : vector<16xi32>
        %bitcast3A_1610 = vector.bitcast %and3A_1609 : vector<16xi32> to vector<16xf32>
        %swap3A_1611 = arith.index_cast %select_n3A_65 : i32 to index
        %swap3A_1612 = arith.index_cast %add3A_1538 : i32 to index
        %swap3A_1613 = arith.constant 64 : index
        %swap3A_1614 = tpu.vector_load %arg9[%swap3A_1611, %swap3A_1612, %swap3A_1613] {strides = array<i32>} : memref<2x128x128xf32, #tpu.memory_space<vmem>>, vector<16xf32>,
        tpu.vector_store %arg9[%swap3A_1611, %swap3A_1612, %swap3A_1613], %bitcast3A_1610 {strides = array<i32>} : memref<2x128x128xf32, #tpu.memory_space<vmem>>, vector<16xf32>,
        %get3A_1615 = arith.index_cast %select_n3A_65 : i32 to index
        %get3A_1616 = arith.index_cast %add3A_1538 : i32 to index
        %get3A_1617 = arith.constant 80 : index
        %get3A_1618 = tpu.vector_load %arg8[%get3A_1615, %get3A_1616, %get3A_1617] {strides = array<i32>} : memref<2x128x128xi32, #tpu.memory_space<vmem>>, vector<16xi32>,
        %shift_left3A_1619 = vector.broadcast %mul3A_1544 : i32 to vector<16xi32>
        %shift_left3A_1620 = arith.shli %get3A_1618, %shift_left3A_1619 : vector<16xi32>
        %and3A_1621 = vector.broadcast %select_n3A_1549 : i32 to vector<16xi32>
        %and3A_1622 = arith.andi %shift_left3A_1620, %and3A_1621 : vector<16xi32>
        %bitcast3A_1623 = vector.bitcast %and3A_1622 : vector<16xi32> to vector<16xf32>
        %swap3A_1624 = arith.index_cast %select_n3A_65 : i32 to index
        %swap3A_1625 = arith.index_cast %add3A_1538 : i32 to index
        %swap3A_1626 = arith.constant 80 : index
        %swap3A_1627 = tpu.vector_load %arg9[%swap3A_1624, %swap3A_1625, %swap3A_1626] {strides = array<i32>} : memref<2x128x128xf32, #tpu.memory_space<vmem>>, vector<16xf32>,
        tpu.vector_store %arg9[%swap3A_1624, %swap3A_1625, %swap3A_1626], %bitcast3A_1623 {strides = array<i32>} : memref<2x128x128xf32, #tpu.memory_space<vmem>>, vector<16xf32>,
        %get3A_1628 = arith.index_cast %select_n3A_65 : i32 to index
        %get3A_1629 = arith.index_cast %add3A_1538 : i32 to index
        %get3A_1630 = arith.constant 96 : index
        %get3A_1631 = tpu.vector_load %arg8[%get3A_1628, %get3A_1629, %get3A_1630] {strides = array<i32>} : memref<2x128x128xi32, #tpu.memory_space<vmem>>, vector<16xi32>,
        %shift_left3A_1632 = vector.broadcast %mul3A_1544 : i32 to vector<16xi32>
        %shift_left3A_1633 = arith.shli %get3A_1631, %shift_left3A_1632 : vector<16xi32>
        %and3A_1634 = vector.broadcast %select_n3A_1549 : i32 to vector<16xi32>
        %and3A_1635 = arith.andi %shift_left3A_1633, %and3A_1634 : vector<16xi32>
        %bitcast3A_1636 = vector.bitcast %and3A_1635 : vector<16xi32> to vector<16xf32>
        %swap3A_1637 = arith.index_cast %select_n3A_65 : i32 to index
        %swap3A_1638 = arith.index_cast %add3A_1538 : i32 to index
        %swap3A_1639 = arith.constant 96 : index
        %swap3A_1640 = tpu.vector_load %arg9[%swap3A_1637, %swap3A_1638, %swap3A_1639] {strides = array<i32>} : memref<2x128x128xf32, #tpu.memory_space<vmem>>, vector<16xf32>,
        tpu.vector_store %arg9[%swap3A_1637, %swap3A_1638, %swap3A_1639], %bitcast3A_1636 {strides = array<i32>} : memref<2x128x128xf32, #tpu.memory_space<vmem>>, vector<16xf32>,
        %get3A_1641 = arith.index_cast %select_n3A_65 : i32 to index
        %get3A_1642 = arith.index_cast %add3A_1538 : i32 to index
        %get3A_1643 = arith.constant 112 : index
        %get3A_1644 = tpu.vector_load %arg8[%get3A_1641, %get3A_1642, %get3A_1643] {strides = array<i32>} : memref<2x128x128xi32, #tpu.memory_space<vmem>>, vector<16xi32>,
        %shift_left3A_1645 = vector.broadcast %mul3A_1544 : i32 to vector<16xi32>
        %shift_left3A_1646 = arith.shli %get3A_1644, %shift_left3A_1645 : vector<16xi32>
        %and3A_1647 = vector.broadcast %select_n3A_1549 : i32 to vector<16xi32>
        %and3A_1648 = arith.andi %shift_left3A_1646, %and3A_1647 : vector<16xi32>
        %bitcast3A_1649 = vector.bitcast %and3A_1648 : vector<16xi32> to vector<16xf32>
        %swap3A_1650 = arith.index_cast %select_n3A_65 : i32 to index
        %swap3A_1651 = arith.index_cast %add3A_1538 : i32 to index
        %swap3A_1652 = arith.constant 112 : index
        %swap3A_1653 = tpu.vector_load %arg9[%swap3A_1650, %swap3A_1651, %swap3A_1652] {strides = array<i32>} : memref<2x128x128xf32, #tpu.memory_space<vmem>>, vector<16xf32>,
        tpu.vector_store %arg9[%swap3A_1650, %swap3A_1651, %swap3A_1652], %bitcast3A_1649 {strides = array<i32>} : memref<2x128x128xf32, #tpu.memory_space<vmem>>, vector<16xf32>,
        %mul3A_1654 = arith.constant 16 : i32
        %mul3A_1655 = arith.muli %scan3A_108, %mul3A_1654 : i32
        %add3A_1656 = arith.constant 13 : i32
        %add3A_1657 = arith.addi %mul3A_1655, %add3A_1656 : i32
        %slice3A_1658 = vector.extract_strided_slice %get3A_112 {offsets = [13], sizes = [1], strides = [1]} : vector<16xi32> to vector<1xi32>
        %squeeze3A_1659 = vector.extract %slice3A_1658[0] : i32 from vector<1xi32>
        %sub3A_1660 = arith.constant 1 : i32
        %sub3A_1661 = arith.subi %sub3A_1660, %squeeze3A_1659 : i32
        %mul3A_1662 = arith.constant 16 : i32
        %mul3A_1663 = arith.muli %sub3A_1661, %mul3A_1662 : i32
        %eq3A_1664 = arith.constant 1 : i32
        %eq3A_1665 = arith.cmpi eq, %squeeze3A_1659, %eq3A_1664 : i32
        %jit3A_1666 = arith.constant -65536 : i32
        %jit3A_1667 = arith.constant -1 : i32
        %select_n3A_1668 = arith.select %eq3A_1665, %jit3A_1666, %jit3A_1667 : i32
        %get3A_1669 = arith.index_cast %select_n3A_65 : i32 to index
        %get3A_1670 = arith.index_cast %add3A_1657 : i32 to index
        %get3A_1671 = arith.constant 0 : index
        %get3A_1672 = tpu.vector_load %arg8[%get3A_1669, %get3A_1670, %get3A_1671] {strides = array<i32>} : memref<2x128x128xi32, #tpu.memory_space<vmem>>, vector<16xi32>,
        %shift_left3A_1673 = vector.broadcast %mul3A_1663 : i32 to vector<16xi32>
        %shift_left3A_1674 = arith.shli %get3A_1672, %shift_left3A_1673 : vector<16xi32>
        %and3A_1675 = vector.broadcast %select_n3A_1668 : i32 to vector<16xi32>
        %and3A_1676 = arith.andi %shift_left3A_1674, %and3A_1675 : vector<16xi32>
        %bitcast3A_1677 = vector.bitcast %and3A_1676 : vector<16xi32> to vector<16xf32>
        %swap3A_1678 = arith.index_cast %select_n3A_65 : i32 to index
        %swap3A_1679 = arith.index_cast %add3A_1657 : i32 to index
        %swap3A_1680 = arith.constant 0 : index
        %swap3A_1681 = tpu.vector_load %arg9[%swap3A_1678, %swap3A_1679, %swap3A_1680] {strides = array<i32>} : memref<2x128x128xf32, #tpu.memory_space<vmem>>, vector<16xf32>,
        tpu.vector_store %arg9[%swap3A_1678, %swap3A_1679, %swap3A_1680], %bitcast3A_1677 {strides = array<i32>} : memref<2x128x128xf32, #tpu.memory_space<vmem>>, vector<16xf32>,
        %get3A_1682 = arith.index_cast %select_n3A_65 : i32 to index
        %get3A_1683 = arith.index_cast %add3A_1657 : i32 to index
        %get3A_1684 = arith.constant 16 : index
        %get3A_1685 = tpu.vector_load %arg8[%get3A_1682, %get3A_1683, %get3A_1684] {strides = array<i32>} : memref<2x128x128xi32, #tpu.memory_space<vmem>>, vector<16xi32>,
        %shift_left3A_1686 = vector.broadcast %mul3A_1663 : i32 to vector<16xi32>
        %shift_left3A_1687 = arith.shli %get3A_1685, %shift_left3A_1686 : vector<16xi32>
        %and3A_1688 = vector.broadcast %select_n3A_1668 : i32 to vector<16xi32>
        %and3A_1689 = arith.andi %shift_left3A_1687, %and3A_1688 : vector<16xi32>
        %bitcast3A_1690 = vector.bitcast %and3A_1689 : vector<16xi32> to vector<16xf32>
        %swap3A_1691 = arith.index_cast %select_n3A_65 : i32 to index
        %swap3A_1692 = arith.index_cast %add3A_1657 : i32 to index
        %swap3A_1693 = arith.constant 16 : index
        %swap3A_1694 = tpu.vector_load %arg9[%swap3A_1691, %swap3A_1692, %swap3A_1693] {strides = array<i32>} : memref<2x128x128xf32, #tpu.memory_space<vmem>>, vector<16xf32>,
        tpu.vector_store %arg9[%swap3A_1691, %swap3A_1692, %swap3A_1693], %bitcast3A_1690 {strides = array<i32>} : memref<2x128x128xf32, #tpu.memory_space<vmem>>, vector<16xf32>,
        %get3A_1695 = arith.index_cast %select_n3A_65 : i32 to index
        %get3A_1696 = arith.index_cast %add3A_1657 : i32 to index
        %get3A_1697 = arith.constant 32 : index
        %get3A_1698 = tpu.vector_load %arg8[%get3A_1695, %get3A_1696, %get3A_1697] {strides = array<i32>} : memref<2x128x128xi32, #tpu.memory_space<vmem>>, vector<16xi32>,
        %shift_left3A_1699 = vector.broadcast %mul3A_1663 : i32 to vector<16xi32>
        %shift_left3A_1700 = arith.shli %get3A_1698, %shift_left3A_1699 : vector<16xi32>
        %and3A_1701 = vector.broadcast %select_n3A_1668 : i32 to vector<16xi32>
        %and3A_1702 = arith.andi %shift_left3A_1700, %and3A_1701 : vector<16xi32>
        %bitcast3A_1703 = vector.bitcast %and3A_1702 : vector<16xi32> to vector<16xf32>
        %swap3A_1704 = arith.index_cast %select_n3A_65 : i32 to index
        %swap3A_1705 = arith.index_cast %add3A_1657 : i32 to index
        %swap3A_1706 = arith.constant 32 : index
        %swap3A_1707 = tpu.vector_load %arg9[%swap3A_1704, %swap3A_1705, %swap3A_1706] {strides = array<i32>} : memref<2x128x128xf32, #tpu.memory_space<vmem>>, vector<16xf32>,
        tpu.vector_store %arg9[%swap3A_1704, %swap3A_1705, %swap3A_1706], %bitcast3A_1703 {strides = array<i32>} : memref<2x128x128xf32, #tpu.memory_space<vmem>>, vector<16xf32>,
        %get3A_1708 = arith.index_cast %select_n3A_65 : i32 to index
        %get3A_1709 = arith.index_cast %add3A_1657 : i32 to index
        %get3A_1710 = arith.constant 48 : index
        %get3A_1711 = tpu.vector_load %arg8[%get3A_1708, %get3A_1709, %get3A_1710] {strides = array<i32>} : memref<2x128x128xi32, #tpu.memory_space<vmem>>, vector<16xi32>,
        %shift_left3A_1712 = vector.broadcast %mul3A_1663 : i32 to vector<16xi32>
        %shift_left3A_1713 = arith.shli %get3A_1711, %shift_left3A_1712 : vector<16xi32>
        %and3A_1714 = vector.broadcast %select_n3A_1668 : i32 to vector<16xi32>
        %and3A_1715 = arith.andi %shift_left3A_1713, %and3A_1714 : vector<16xi32>
        %bitcast3A_1716 = vector.bitcast %and3A_1715 : vector<16xi32> to vector<16xf32>
        %swap3A_1717 = arith.index_cast %select_n3A_65 : i32 to index
        %swap3A_1718 = arith.index_cast %add3A_1657 : i32 to index
        %swap3A_1719 = arith.constant 48 : index
        %swap3A_1720 = tpu.vector_load %arg9[%swap3A_1717, %swap3A_1718, %swap3A_1719] {strides = array<i32>} : memref<2x128x128xf32, #tpu.memory_space<vmem>>, vector<16xf32>,
        tpu.vector_store %arg9[%swap3A_1717, %swap3A_1718, %swap3A_1719], %bitcast3A_1716 {strides = array<i32>} : memref<2x128x128xf32, #tpu.memory_space<vmem>>, vector<16xf32>,
        %get3A_1721 = arith.index_cast %select_n3A_65 : i32 to index
        %get3A_1722 = arith.index_cast %add3A_1657 : i32 to index
        %get3A_1723 = arith.constant 64 : index
        %get3A_1724 = tpu.vector_load %arg8[%get3A_1721, %get3A_1722, %get3A_1723] {strides = array<i32>} : memref<2x128x128xi32, #tpu.memory_space<vmem>>, vector<16xi32>,
        %shift_left3A_1725 = vector.broadcast %mul3A_1663 : i32 to vector<16xi32>
        %shift_left3A_1726 = arith.shli %get3A_1724, %shift_left3A_1725 : vector<16xi32>
        %and3A_1727 = vector.broadcast %select_n3A_1668 : i32 to vector<16xi32>
        %and3A_1728 = arith.andi %shift_left3A_1726, %and3A_1727 : vector<16xi32>
        %bitcast3A_1729 = vector.bitcast %and3A_1728 : vector<16xi32> to vector<16xf32>
        %swap3A_1730 = arith.index_cast %select_n3A_65 : i32 to index
        %swap3A_1731 = arith.index_cast %add3A_1657 : i32 to index
        %swap3A_1732 = arith.constant 64 : index
        %swap3A_1733 = tpu.vector_load %arg9[%swap3A_1730, %swap3A_1731, %swap3A_1732] {strides = array<i32>} : memref<2x128x128xf32, #tpu.memory_space<vmem>>, vector<16xf32>,
        tpu.vector_store %arg9[%swap3A_1730, %swap3A_1731, %swap3A_1732], %bitcast3A_1729 {strides = array<i32>} : memref<2x128x128xf32, #tpu.memory_space<vmem>>, vector<16xf32>,
        %get3A_1734 = arith.index_cast %select_n3A_65 : i32 to index
        %get3A_1735 = arith.index_cast %add3A_1657 : i32 to index
        %get3A_1736 = arith.constant 80 : index
        %get3A_1737 = tpu.vector_load %arg8[%get3A_1734, %get3A_1735, %get3A_1736] {strides = array<i32>} : memref<2x128x128xi32, #tpu.memory_space<vmem>>, vector<16xi32>,
        %shift_left3A_1738 = vector.broadcast %mul3A_1663 : i32 to vector<16xi32>
        %shift_left3A_1739 = arith.shli %get3A_1737, %shift_left3A_1738 : vector<16xi32>
        %and3A_1740 = vector.broadcast %select_n3A_1668 : i32 to vector<16xi32>
        %and3A_1741 = arith.andi %shift_left3A_1739, %and3A_1740 : vector<16xi32>
        %bitcast3A_1742 = vector.bitcast %and3A_1741 : vector<16xi32> to vector<16xf32>
        %swap3A_1743 = arith.index_cast %select_n3A_65 : i32 to index
        %swap3A_1744 = arith.index_cast %add3A_1657 : i32 to index
        %swap3A_1745 = arith.constant 80 : index
        %swap3A_1746 = tpu.vector_load %arg9[%swap3A_1743, %swap3A_1744, %swap3A_1745] {strides = array<i32>} : memref<2x128x128xf32, #tpu.memory_space<vmem>>, vector<16xf32>,
        tpu.vector_store %arg9[%swap3A_1743, %swap3A_1744, %swap3A_1745], %bitcast3A_1742 {strides = array<i32>} : memref<2x128x128xf32, #tpu.memory_space<vmem>>, vector<16xf32>,
        %get3A_1747 = arith.index_cast %select_n3A_65 : i32 to index
        %get3A_1748 = arith.index_cast %add3A_1657 : i32 to index
        %get3A_1749 = arith.constant 96 : index
        %get3A_1750 = tpu.vector_load %arg8[%get3A_1747, %get3A_1748, %get3A_1749] {strides = array<i32>} : memref<2x128x128xi32, #tpu.memory_space<vmem>>, vector<16xi32>,
        %shift_left3A_1751 = vector.broadcast %mul3A_1663 : i32 to vector<16xi32>
        %shift_left3A_1752 = arith.shli %get3A_1750, %shift_left3A_1751 : vector<16xi32>
        %and3A_1753 = vector.broadcast %select_n3A_1668 : i32 to vector<16xi32>
        %and3A_1754 = arith.andi %shift_left3A_1752, %and3A_1753 : vector<16xi32>
        %bitcast3A_1755 = vector.bitcast %and3A_1754 : vector<16xi32> to vector<16xf32>
        %swap3A_1756 = arith.index_cast %select_n3A_65 : i32 to index
        %swap3A_1757 = arith.index_cast %add3A_1657 : i32 to index
        %swap3A_1758 = arith.constant 96 : index
        %swap3A_1759 = tpu.vector_load %arg9[%swap3A_1756, %swap3A_1757, %swap3A_1758] {strides = array<i32>} : memref<2x128x128xf32, #tpu.memory_space<vmem>>, vector<16xf32>,
        tpu.vector_store %arg9[%swap3A_1756, %swap3A_1757, %swap3A_1758], %bitcast3A_1755 {strides = array<i32>} : memref<2x128x128xf32, #tpu.memory_space<vmem>>, vector<16xf32>,
        %get3A_1760 = arith.index_cast %select_n3A_65 : i32 to index
        %get3A_1761 = arith.index_cast %add3A_1657 : i32 to index
        %get3A_1762 = arith.constant 112 : index
        %get3A_1763 = tpu.vector_load %arg8[%get3A_1760, %get3A_1761, %get3A_1762] {strides = array<i32>} : memref<2x128x128xi32, #tpu.memory_space<vmem>>, vector<16xi32>,
        %shift_left3A_1764 = vector.broadcast %mul3A_1663 : i32 to vector<16xi32>
        %shift_left3A_1765 = arith.shli %get3A_1763, %shift_left3A_1764 : vector<16xi32>
        %and3A_1766 = vector.broadcast %select_n3A_1668 : i32 to vector<16xi32>
        %and3A_1767 = arith.andi %shift_left3A_1765, %and3A_1766 : vector<16xi32>
        %bitcast3A_1768 = vector.bitcast %and3A_1767 : vector<16xi32> to vector<16xf32>
        %swap3A_1769 = arith.index_cast %select_n3A_65 : i32 to index
        %swap3A_1770 = arith.index_cast %add3A_1657 : i32 to index
        %swap3A_1771 = arith.constant 112 : index
        %swap3A_1772 = tpu.vector_load %arg9[%swap3A_1769, %swap3A_1770, %swap3A_1771] {strides = array<i32>} : memref<2x128x128xf32, #tpu.memory_space<vmem>>, vector<16xf32>,
        tpu.vector_store %arg9[%swap3A_1769, %swap3A_1770, %swap3A_1771], %bitcast3A_1768 {strides = array<i32>} : memref<2x128x128xf32, #tpu.memory_space<vmem>>, vector<16xf32>,
        %mul3A_1773 = arith.constant 16 : i32
        %mul3A_1774 = arith.muli %scan3A_108, %mul3A_1773 : i32
        %add3A_1775 = arith.constant 14 : i32
        %add3A_1776 = arith.addi %mul3A_1774, %add3A_1775 : i32
        %slice3A_1777 = vector.extract_strided_slice %get3A_112 {offsets = [14], sizes = [1], strides = [1]} : vector<16xi32> to vector<1xi32>
        %squeeze3A_1778 = vector.extract %slice3A_1777[0] : i32 from vector<1xi32>
        %sub3A_1779 = arith.constant 1 : i32
        %sub3A_1780 = arith.subi %sub3A_1779, %squeeze3A_1778 : i32
        %mul3A_1781 = arith.constant 16 : i32
        %mul3A_1782 = arith.muli %sub3A_1780, %mul3A_1781 : i32
        %eq3A_1783 = arith.constant 1 : i32
        %eq3A_1784 = arith.cmpi eq, %squeeze3A_1778, %eq3A_1783 : i32
        %jit3A_1785 = arith.constant -65536 : i32
        %jit3A_1786 = arith.constant -1 : i32
        %select_n3A_1787 = arith.select %eq3A_1784, %jit3A_1785, %jit3A_1786 : i32
        %get3A_1788 = arith.index_cast %select_n3A_65 : i32 to index
        %get3A_1789 = arith.index_cast %add3A_1776 : i32 to index
        %get3A_1790 = arith.constant 0 : index
        %get3A_1791 = tpu.vector_load %arg8[%get3A_1788, %get3A_1789, %get3A_1790] {strides = array<i32>} : memref<2x128x128xi32, #tpu.memory_space<vmem>>, vector<16xi32>,
        %shift_left3A_1792 = vector.broadcast %mul3A_1782 : i32 to vector<16xi32>
        %shift_left3A_1793 = arith.shli %get3A_1791, %shift_left3A_1792 : vector<16xi32>
        %and3A_1794 = vector.broadcast %select_n3A_1787 : i32 to vector<16xi32>
        %and3A_1795 = arith.andi %shift_left3A_1793, %and3A_1794 : vector<16xi32>
        %bitcast3A_1796 = vector.bitcast %and3A_1795 : vector<16xi32> to vector<16xf32>
        %swap3A_1797 = arith.index_cast %select_n3A_65 : i32 to index
        %swap3A_1798 = arith.index_cast %add3A_1776 : i32 to index
        %swap3A_1799 = arith.constant 0 : index
        %swap3A_1800 = tpu.vector_load %arg9[%swap3A_1797, %swap3A_1798, %swap3A_1799] {strides = array<i32>} : memref<2x128x128xf32, #tpu.memory_space<vmem>>, vector<16xf32>,
        tpu.vector_store %arg9[%swap3A_1797, %swap3A_1798, %swap3A_1799], %bitcast3A_1796 {strides = array<i32>} : memref<2x128x128xf32, #tpu.memory_space<vmem>>, vector<16xf32>,
        %get3A_1801 = arith.index_cast %select_n3A_65 : i32 to index
        %get3A_1802 = arith.index_cast %add3A_1776 : i32 to index
        %get3A_1803 = arith.constant 16 : index
        %get3A_1804 = tpu.vector_load %arg8[%get3A_1801, %get3A_1802, %get3A_1803] {strides = array<i32>} : memref<2x128x128xi32, #tpu.memory_space<vmem>>, vector<16xi32>,
        %shift_left3A_1805 = vector.broadcast %mul3A_1782 : i32 to vector<16xi32>
        %shift_left3A_1806 = arith.shli %get3A_1804, %shift_left3A_1805 : vector<16xi32>
        %and3A_1807 = vector.broadcast %select_n3A_1787 : i32 to vector<16xi32>
        %and3A_1808 = arith.andi %shift_left3A_1806, %and3A_1807 : vector<16xi32>
        %bitcast3A_1809 = vector.bitcast %and3A_1808 : vector<16xi32> to vector<16xf32>
        %swap3A_1810 = arith.index_cast %select_n3A_65 : i32 to index
        %swap3A_1811 = arith.index_cast %add3A_1776 : i32 to index
        %swap3A_1812 = arith.constant 16 : index
        %swap3A_1813 = tpu.vector_load %arg9[%swap3A_1810, %swap3A_1811, %swap3A_1812] {strides = array<i32>} : memref<2x128x128xf32, #tpu.memory_space<vmem>>, vector<16xf32>,
        tpu.vector_store %arg9[%swap3A_1810, %swap3A_1811, %swap3A_1812], %bitcast3A_1809 {strides = array<i32>} : memref<2x128x128xf32, #tpu.memory_space<vmem>>, vector<16xf32>,
        %get3A_1814 = arith.index_cast %select_n3A_65 : i32 to index
        %get3A_1815 = arith.index_cast %add3A_1776 : i32 to index
        %get3A_1816 = arith.constant 32 : index
        %get3A_1817 = tpu.vector_load %arg8[%get3A_1814, %get3A_1815, %get3A_1816] {strides = array<i32>} : memref<2x128x128xi32, #tpu.memory_space<vmem>>, vector<16xi32>,
        %shift_left3A_1818 = vector.broadcast %mul3A_1782 : i32 to vector<16xi32>
        %shift_left3A_1819 = arith.shli %get3A_1817, %shift_left3A_1818 : vector<16xi32>
        %and3A_1820 = vector.broadcast %select_n3A_1787 : i32 to vector<16xi32>
        %and3A_1821 = arith.andi %shift_left3A_1819, %and3A_1820 : vector<16xi32>
        %bitcast3A_1822 = vector.bitcast %and3A_1821 : vector<16xi32> to vector<16xf32>
        %swap3A_1823 = arith.index_cast %select_n3A_65 : i32 to index
        %swap3A_1824 = arith.index_cast %add3A_1776 : i32 to index
        %swap3A_1825 = arith.constant 32 : index
        %swap3A_1826 = tpu.vector_load %arg9[%swap3A_1823, %swap3A_1824, %swap3A_1825] {strides = array<i32>} : memref<2x128x128xf32, #tpu.memory_space<vmem>>, vector<16xf32>,
        tpu.vector_store %arg9[%swap3A_1823, %swap3A_1824, %swap3A_1825], %bitcast3A_1822 {strides = array<i32>} : memref<2x128x128xf32, #tpu.memory_space<vmem>>, vector<16xf32>,
        %get3A_1827 = arith.index_cast %select_n3A_65 : i32 to index
        %get3A_1828 = arith.index_cast %add3A_1776 : i32 to index
        %get3A_1829 = arith.constant 48 : index
        %get3A_1830 = tpu.vector_load %arg8[%get3A_1827, %get3A_1828, %get3A_1829] {strides = array<i32>} : memref<2x128x128xi32, #tpu.memory_space<vmem>>, vector<16xi32>,
        %shift_left3A_1831 = vector.broadcast %mul3A_1782 : i32 to vector<16xi32>
        %shift_left3A_1832 = arith.shli %get3A_1830, %shift_left3A_1831 : vector<16xi32>
        %and3A_1833 = vector.broadcast %select_n3A_1787 : i32 to vector<16xi32>
        %and3A_1834 = arith.andi %shift_left3A_1832, %and3A_1833 : vector<16xi32>
        %bitcast3A_1835 = vector.bitcast %and3A_1834 : vector<16xi32> to vector<16xf32>
        %swap3A_1836 = arith.index_cast %select_n3A_65 : i32 to index
        %swap3A_1837 = arith.index_cast %add3A_1776 : i32 to index
        %swap3A_1838 = arith.constant 48 : index
        %swap3A_1839 = tpu.vector_load %arg9[%swap3A_1836, %swap3A_1837, %swap3A_1838] {strides = array<i32>} : memref<2x128x128xf32, #tpu.memory_space<vmem>>, vector<16xf32>,
        tpu.vector_store %arg9[%swap3A_1836, %swap3A_1837, %swap3A_1838], %bitcast3A_1835 {strides = array<i32>} : memref<2x128x128xf32, #tpu.memory_space<vmem>>, vector<16xf32>,
        %get3A_1840 = arith.index_cast %select_n3A_65 : i32 to index
        %get3A_1841 = arith.index_cast %add3A_1776 : i32 to index
        %get3A_1842 = arith.constant 64 : index
        %get3A_1843 = tpu.vector_load %arg8[%get3A_1840, %get3A_1841, %get3A_1842] {strides = array<i32>} : memref<2x128x128xi32, #tpu.memory_space<vmem>>, vector<16xi32>,
        %shift_left3A_1844 = vector.broadcast %mul3A_1782 : i32 to vector<16xi32>
        %shift_left3A_1845 = arith.shli %get3A_1843, %shift_left3A_1844 : vector<16xi32>
        %and3A_1846 = vector.broadcast %select_n3A_1787 : i32 to vector<16xi32>
        %and3A_1847 = arith.andi %shift_left3A_1845, %and3A_1846 : vector<16xi32>
        %bitcast3A_1848 = vector.bitcast %and3A_1847 : vector<16xi32> to vector<16xf32>
        %swap3A_1849 = arith.index_cast %select_n3A_65 : i32 to index
        %swap3A_1850 = arith.index_cast %add3A_1776 : i32 to index
        %swap3A_1851 = arith.constant 64 : index
        %swap3A_1852 = tpu.vector_load %arg9[%swap3A_1849, %swap3A_1850, %swap3A_1851] {strides = array<i32>} : memref<2x128x128xf32, #tpu.memory_space<vmem>>, vector<16xf32>,
        tpu.vector_store %arg9[%swap3A_1849, %swap3A_1850, %swap3A_1851], %bitcast3A_1848 {strides = array<i32>} : memref<2x128x128xf32, #tpu.memory_space<vmem>>, vector<16xf32>,
        %get3A_1853 = arith.index_cast %select_n3A_65 : i32 to index
        %get3A_1854 = arith.index_cast %add3A_1776 : i32 to index
        %get3A_1855 = arith.constant 80 : index
        %get3A_1856 = tpu.vector_load %arg8[%get3A_1853, %get3A_1854, %get3A_1855] {strides = array<i32>} : memref<2x128x128xi32, #tpu.memory_space<vmem>>, vector<16xi32>,
        %shift_left3A_1857 = vector.broadcast %mul3A_1782 : i32 to vector<16xi32>
        %shift_left3A_1858 = arith.shli %get3A_1856, %shift_left3A_1857 : vector<16xi32>
        %and3A_1859 = vector.broadcast %select_n3A_1787 : i32 to vector<16xi32>
        %and3A_1860 = arith.andi %shift_left3A_1858, %and3A_1859 : vector<16xi32>
        %bitcast3A_1861 = vector.bitcast %and3A_1860 : vector<16xi32> to vector<16xf32>
        %swap3A_1862 = arith.index_cast %select_n3A_65 : i32 to index
        %swap3A_1863 = arith.index_cast %add3A_1776 : i32 to index
        %swap3A_1864 = arith.constant 80 : index
        %swap3A_1865 = tpu.vector_load %arg9[%swap3A_1862, %swap3A_1863, %swap3A_1864] {strides = array<i32>} : memref<2x128x128xf32, #tpu.memory_space<vmem>>, vector<16xf32>,
        tpu.vector_store %arg9[%swap3A_1862, %swap3A_1863, %swap3A_1864], %bitcast3A_1861 {strides = array<i32>} : memref<2x128x128xf32, #tpu.memory_space<vmem>>, vector<16xf32>,
        %get3A_1866 = arith.index_cast %select_n3A_65 : i32 to index
        %get3A_1867 = arith.index_cast %add3A_1776 : i32 to index
        %get3A_1868 = arith.constant 96 : index
        %get3A_1869 = tpu.vector_load %arg8[%get3A_1866, %get3A_1867, %get3A_1868] {strides = array<i32>} : memref<2x128x128xi32, #tpu.memory_space<vmem>>, vector<16xi32>,
        %shift_left3A_1870 = vector.broadcast %mul3A_1782 : i32 to vector<16xi32>
        %shift_left3A_1871 = arith.shli %get3A_1869, %shift_left3A_1870 : vector<16xi32>
        %and3A_1872 = vector.broadcast %select_n3A_1787 : i32 to vector<16xi32>
        %and3A_1873 = arith.andi %shift_left3A_1871, %and3A_1872 : vector<16xi32>
        %bitcast3A_1874 = vector.bitcast %and3A_1873 : vector<16xi32> to vector<16xf32>
        %swap3A_1875 = arith.index_cast %select_n3A_65 : i32 to index
        %swap3A_1876 = arith.index_cast %add3A_1776 : i32 to index
        %swap3A_1877 = arith.constant 96 : index
        %swap3A_1878 = tpu.vector_load %arg9[%swap3A_1875, %swap3A_1876, %swap3A_1877] {strides = array<i32>} : memref<2x128x128xf32, #tpu.memory_space<vmem>>, vector<16xf32>,
        tpu.vector_store %arg9[%swap3A_1875, %swap3A_1876, %swap3A_1877], %bitcast3A_1874 {strides = array<i32>} : memref<2x128x128xf32, #tpu.memory_space<vmem>>, vector<16xf32>,
        %get3A_1879 = arith.index_cast %select_n3A_65 : i32 to index
        %get3A_1880 = arith.index_cast %add3A_1776 : i32 to index
        %get3A_1881 = arith.constant 112 : index
        %get3A_1882 = tpu.vector_load %arg8[%get3A_1879, %get3A_1880, %get3A_1881] {strides = array<i32>} : memref<2x128x128xi32, #tpu.memory_space<vmem>>, vector<16xi32>,
        %shift_left3A_1883 = vector.broadcast %mul3A_1782 : i32 to vector<16xi32>
        %shift_left3A_1884 = arith.shli %get3A_1882, %shift_left3A_1883 : vector<16xi32>
        %and3A_1885 = vector.broadcast %select_n3A_1787 : i32 to vector<16xi32>
        %and3A_1886 = arith.andi %shift_left3A_1884, %and3A_1885 : vector<16xi32>
        %bitcast3A_1887 = vector.bitcast %and3A_1886 : vector<16xi32> to vector<16xf32>
        %swap3A_1888 = arith.index_cast %select_n3A_65 : i32 to index
        %swap3A_1889 = arith.index_cast %add3A_1776 : i32 to index
        %swap3A_1890 = arith.constant 112 : index
        %swap3A_1891 = tpu.vector_load %arg9[%swap3A_1888, %swap3A_1889, %swap3A_1890] {strides = array<i32>} : memref<2x128x128xf32, #tpu.memory_space<vmem>>, vector<16xf32>,
        tpu.vector_store %arg9[%swap3A_1888, %swap3A_1889, %swap3A_1890], %bitcast3A_1887 {strides = array<i32>} : memref<2x128x128xf32, #tpu.memory_space<vmem>>, vector<16xf32>,
        %mul3A_1892 = arith.constant 16 : i32
        %mul3A_1893 = arith.muli %scan3A_108, %mul3A_1892 : i32
        %add3A_1894 = arith.constant 15 : i32
        %add3A_1895 = arith.addi %mul3A_1893, %add3A_1894 : i32
        %slice3A_1896 = vector.extract_strided_slice %get3A_112 {offsets = [15], sizes = [1], strides = [1]} : vector<16xi32> to vector<1xi32>
        %squeeze3A_1897 = vector.extract %slice3A_1896[0] : i32 from vector<1xi32>
        %sub3A_1898 = arith.constant 1 : i32
        %sub3A_1899 = arith.subi %sub3A_1898, %squeeze3A_1897 : i32
        %mul3A_1900 = arith.constant 16 : i32
        %mul3A_1901 = arith.muli %sub3A_1899, %mul3A_1900 : i32
        %eq3A_1902 = arith.constant 1 : i32
        %eq3A_1903 = arith.cmpi eq, %squeeze3A_1897, %eq3A_1902 : i32
        %jit3A_1904 = arith.constant -65536 : i32
        %jit3A_1905 = arith.constant -1 : i32
        %select_n3A_1906 = arith.select %eq3A_1903, %jit3A_1904, %jit3A_1905 : i32
        %get3A_1907 = arith.index_cast %select_n3A_65 : i32 to index
        %get3A_1908 = arith.index_cast %add3A_1895 : i32 to index
        %get3A_1909 = arith.constant 0 : index
        %get3A_1910 = tpu.vector_load %arg8[%get3A_1907, %get3A_1908, %get3A_1909] {strides = array<i32>} : memref<2x128x128xi32, #tpu.memory_space<vmem>>, vector<16xi32>,
        %shift_left3A_1911 = vector.broadcast %mul3A_1901 : i32 to vector<16xi32>
        %shift_left3A_1912 = arith.shli %get3A_1910, %shift_left3A_1911 : vector<16xi32>
        %and3A_1913 = vector.broadcast %select_n3A_1906 : i32 to vector<16xi32>
        %and3A_1914 = arith.andi %shift_left3A_1912, %and3A_1913 : vector<16xi32>
        %bitcast3A_1915 = vector.bitcast %and3A_1914 : vector<16xi32> to vector<16xf32>
        %swap3A_1916 = arith.index_cast %select_n3A_65 : i32 to index
        %swap3A_1917 = arith.index_cast %add3A_1895 : i32 to index
        %swap3A_1918 = arith.constant 0 : index
        %swap3A_1919 = tpu.vector_load %arg9[%swap3A_1916, %swap3A_1917, %swap3A_1918] {strides = array<i32>} : memref<2x128x128xf32, #tpu.memory_space<vmem>>, vector<16xf32>,
        tpu.vector_store %arg9[%swap3A_1916, %swap3A_1917, %swap3A_1918], %bitcast3A_1915 {strides = array<i32>} : memref<2x128x128xf32, #tpu.memory_space<vmem>>, vector<16xf32>,
        %get3A_1920 = arith.index_cast %select_n3A_65 : i32 to index
        %get3A_1921 = arith.index_cast %add3A_1895 : i32 to index
        %get3A_1922 = arith.constant 16 : index
        %get3A_1923 = tpu.vector_load %arg8[%get3A_1920, %get3A_1921, %get3A_1922] {strides = array<i32>} : memref<2x128x128xi32, #tpu.memory_space<vmem>>, vector<16xi32>,
        %shift_left3A_1924 = vector.broadcast %mul3A_1901 : i32 to vector<16xi32>
        %shift_left3A_1925 = arith.shli %get3A_1923, %shift_left3A_1924 : vector<16xi32>
        %and3A_1926 = vector.broadcast %select_n3A_1906 : i32 to vector<16xi32>
        %and3A_1927 = arith.andi %shift_left3A_1925, %and3A_1926 : vector<16xi32>
        %bitcast3A_1928 = vector.bitcast %and3A_1927 : vector<16xi32> to vector<16xf32>
        %swap3A_1929 = arith.index_cast %select_n3A_65 : i32 to index
        %swap3A_1930 = arith.index_cast %add3A_1895 : i32 to index
        %swap3A_1931 = arith.constant 16 : index
        %swap3A_1932 = tpu.vector_load %arg9[%swap3A_1929, %swap3A_1930, %swap3A_1931] {strides = array<i32>} : memref<2x128x128xf32, #tpu.memory_space<vmem>>, vector<16xf32>,
        tpu.vector_store %arg9[%swap3A_1929, %swap3A_1930, %swap3A_1931], %bitcast3A_1928 {strides = array<i32>} : memref<2x128x128xf32, #tpu.memory_space<vmem>>, vector<16xf32>,
        %get3A_1933 = arith.index_cast %select_n3A_65 : i32 to index
        %get3A_1934 = arith.index_cast %add3A_1895 : i32 to index
        %get3A_1935 = arith.constant 32 : index
        %get3A_1936 = tpu.vector_load %arg8[%get3A_1933, %get3A_1934, %get3A_1935] {strides = array<i32>} : memref<2x128x128xi32, #tpu.memory_space<vmem>>, vector<16xi32>,
        %shift_left3A_1937 = vector.broadcast %mul3A_1901 : i32 to vector<16xi32>
        %shift_left3A_1938 = arith.shli %get3A_1936, %shift_left3A_1937 : vector<16xi32>
        %and3A_1939 = vector.broadcast %select_n3A_1906 : i32 to vector<16xi32>
        %and3A_1940 = arith.andi %shift_left3A_1938, %and3A_1939 : vector<16xi32>
        %bitcast3A_1941 = vector.bitcast %and3A_1940 : vector<16xi32> to vector<16xf32>
        %swap3A_1942 = arith.index_cast %select_n3A_65 : i32 to index
        %swap3A_1943 = arith.index_cast %add3A_1895 : i32 to index
        %swap3A_1944 = arith.constant 32 : index
        %swap3A_1945 = tpu.vector_load %arg9[%swap3A_1942, %swap3A_1943, %swap3A_1944] {strides = array<i32>} : memref<2x128x128xf32, #tpu.memory_space<vmem>>, vector<16xf32>,
        tpu.vector_store %arg9[%swap3A_1942, %swap3A_1943, %swap3A_1944], %bitcast3A_1941 {strides = array<i32>} : memref<2x128x128xf32, #tpu.memory_space<vmem>>, vector<16xf32>,
        %get3A_1946 = arith.index_cast %select_n3A_65 : i32 to index
        %get3A_1947 = arith.index_cast %add3A_1895 : i32 to index
        %get3A_1948 = arith.constant 48 : index
        %get3A_1949 = tpu.vector_load %arg8[%get3A_1946, %get3A_1947, %get3A_1948] {strides = array<i32>} : memref<2x128x128xi32, #tpu.memory_space<vmem>>, vector<16xi32>,
        %shift_left3A_1950 = vector.broadcast %mul3A_1901 : i32 to vector<16xi32>
        %shift_left3A_1951 = arith.shli %get3A_1949, %shift_left3A_1950 : vector<16xi32>
        %and3A_1952 = vector.broadcast %select_n3A_1906 : i32 to vector<16xi32>
        %and3A_1953 = arith.andi %shift_left3A_1951, %and3A_1952 : vector<16xi32>
        %bitcast3A_1954 = vector.bitcast %and3A_1953 : vector<16xi32> to vector<16xf32>
        %swap3A_1955 = arith.index_cast %select_n3A_65 : i32 to index
        %swap3A_1956 = arith.index_cast %add3A_1895 : i32 to index
        %swap3A_1957 = arith.constant 48 : index
        %swap3A_1958 = tpu.vector_load %arg9[%swap3A_1955, %swap3A_1956, %swap3A_1957] {strides = array<i32>} : memref<2x128x128xf32, #tpu.memory_space<vmem>>, vector<16xf32>,
        tpu.vector_store %arg9[%swap3A_1955, %swap3A_1956, %swap3A_1957], %bitcast3A_1954 {strides = array<i32>} : memref<2x128x128xf32, #tpu.memory_space<vmem>>, vector<16xf32>,
        %get3A_1959 = arith.index_cast %select_n3A_65 : i32 to index
        %get3A_1960 = arith.index_cast %add3A_1895 : i32 to index
        %get3A_1961 = arith.constant 64 : index
        %get3A_1962 = tpu.vector_load %arg8[%get3A_1959, %get3A_1960, %get3A_1961] {strides = array<i32>} : memref<2x128x128xi32, #tpu.memory_space<vmem>>, vector<16xi32>,
        %shift_left3A_1963 = vector.broadcast %mul3A_1901 : i32 to vector<16xi32>
        %shift_left3A_1964 = arith.shli %get3A_1962, %shift_left3A_1963 : vector<16xi32>
        %and3A_1965 = vector.broadcast %select_n3A_1906 : i32 to vector<16xi32>
        %and3A_1966 = arith.andi %shift_left3A_1964, %and3A_1965 : vector<16xi32>
        %bitcast3A_1967 = vector.bitcast %and3A_1966 : vector<16xi32> to vector<16xf32>
        %swap3A_1968 = arith.index_cast %select_n3A_65 : i32 to index
        %swap3A_1969 = arith.index_cast %add3A_1895 : i32 to index
        %swap3A_1970 = arith.constant 64 : index
        %swap3A_1971 = tpu.vector_load %arg9[%swap3A_1968, %swap3A_1969, %swap3A_1970] {strides = array<i32>} : memref<2x128x128xf32, #tpu.memory_space<vmem>>, vector<16xf32>,
        tpu.vector_store %arg9[%swap3A_1968, %swap3A_1969, %swap3A_1970], %bitcast3A_1967 {strides = array<i32>} : memref<2x128x128xf32, #tpu.memory_space<vmem>>, vector<16xf32>,
        %get3A_1972 = arith.index_cast %select_n3A_65 : i32 to index
        %get3A_1973 = arith.index_cast %add3A_1895 : i32 to index
        %get3A_1974 = arith.constant 80 : index
        %get3A_1975 = tpu.vector_load %arg8[%get3A_1972, %get3A_1973, %get3A_1974] {strides = array<i32>} : memref<2x128x128xi32, #tpu.memory_space<vmem>>, vector<16xi32>,
        %shift_left3A_1976 = vector.broadcast %mul3A_1901 : i32 to vector<16xi32>
        %shift_left3A_1977 = arith.shli %get3A_1975, %shift_left3A_1976 : vector<16xi32>
        %and3A_1978 = vector.broadcast %select_n3A_1906 : i32 to vector<16xi32>
        %and3A_1979 = arith.andi %shift_left3A_1977, %and3A_1978 : vector<16xi32>
        %bitcast3A_1980 = vector.bitcast %and3A_1979 : vector<16xi32> to vector<16xf32>
        %swap3A_1981 = arith.index_cast %select_n3A_65 : i32 to index
        %swap3A_1982 = arith.index_cast %add3A_1895 : i32 to index
        %swap3A_1983 = arith.constant 80 : index
        %swap3A_1984 = tpu.vector_load %arg9[%swap3A_1981, %swap3A_1982, %swap3A_1983] {strides = array<i32>} : memref<2x128x128xf32, #tpu.memory_space<vmem>>, vector<16xf32>,
        tpu.vector_store %arg9[%swap3A_1981, %swap3A_1982, %swap3A_1983], %bitcast3A_1980 {strides = array<i32>} : memref<2x128x128xf32, #tpu.memory_space<vmem>>, vector<16xf32>,
        %get3A_1985 = arith.index_cast %select_n3A_65 : i32 to index
        %get3A_1986 = arith.index_cast %add3A_1895 : i32 to index
        %get3A_1987 = arith.constant 96 : index
        %get3A_1988 = tpu.vector_load %arg8[%get3A_1985, %get3A_1986, %get3A_1987] {strides = array<i32>} : memref<2x128x128xi32, #tpu.memory_space<vmem>>, vector<16xi32>,
        %shift_left3A_1989 = vector.broadcast %mul3A_1901 : i32 to vector<16xi32>
        %shift_left3A_1990 = arith.shli %get3A_1988, %shift_left3A_1989 : vector<16xi32>
        %and3A_1991 = vector.broadcast %select_n3A_1906 : i32 to vector<16xi32>
        %and3A_1992 = arith.andi %shift_left3A_1990, %and3A_1991 : vector<16xi32>
        %bitcast3A_1993 = vector.bitcast %and3A_1992 : vector<16xi32> to vector<16xf32>
        %swap3A_1994 = arith.index_cast %select_n3A_65 : i32 to index
        %swap3A_1995 = arith.index_cast %add3A_1895 : i32 to index
        %swap3A_1996 = arith.constant 96 : index
        %swap3A_1997 = tpu.vector_load %arg9[%swap3A_1994, %swap3A_1995, %swap3A_1996] {strides = array<i32>} : memref<2x128x128xf32, #tpu.memory_space<vmem>>, vector<16xf32>,
        tpu.vector_store %arg9[%swap3A_1994, %swap3A_1995, %swap3A_1996], %bitcast3A_1993 {strides = array<i32>} : memref<2x128x128xf32, #tpu.memory_space<vmem>>, vector<16xf32>,
        %get3A_1998 = arith.index_cast %select_n3A_65 : i32 to index
        %get3A_1999 = arith.index_cast %add3A_1895 : i32 to index
        %get3A_2000 = arith.constant 112 : index
        %get3A_2001 = tpu.vector_load %arg8[%get3A_1998, %get3A_1999, %get3A_2000] {strides = array<i32>} : memref<2x128x128xi32, #tpu.memory_space<vmem>>, vector<16xi32>,
        %shift_left3A_2002 = vector.broadcast %mul3A_1901 : i32 to vector<16xi32>
        %shift_left3A_2003 = arith.shli %get3A_2001, %shift_left3A_2002 : vector<16xi32>
        %and3A_2004 = vector.broadcast %select_n3A_1906 : i32 to vector<16xi32>
        %and3A_2005 = arith.andi %shift_left3A_2003, %and3A_2004 : vector<16xi32>
        %bitcast3A_2006 = vector.bitcast %and3A_2005 : vector<16xi32> to vector<16xf32>
        %swap3A_2007 = arith.index_cast %select_n3A_65 : i32 to index
        %swap3A_2008 = arith.index_cast %add3A_1895 : i32 to index
        %swap3A_2009 = arith.constant 112 : index
        %swap3A_2010 = tpu.vector_load %arg9[%swap3A_2007, %swap3A_2008, %swap3A_2009] {strides = array<i32>} : memref<2x128x128xf32, #tpu.memory_space<vmem>>, vector<16xf32>,
        tpu.vector_store %arg9[%swap3A_2007, %swap3A_2008, %swap3A_2009], %bitcast3A_2006 {strides = array<i32>} : memref<2x128x128xf32, #tpu.memory_space<vmem>>, vector<16xf32>,
      }
      %scan3A_85 = arith.constant 8 : i32
      %add3A_86 = arith.constant 2 : i32
      %add3A_87 = arith.addi %scan3A_56, %add3A_86 : i32
      %lt3A_88 = arith.constant 50 : i32
      %lt3A_89 = arith.cmpi slt, %add3A_87, %lt3A_88 : i32
      %convert_element_type3A_90 = arith.extui %lt3A_89 : i1 to i32
      %cond3A_91 = arith.constant 0 : i32
      %cond3A_92 = arith.cmpi ne, %convert_element_type3A_90, %cond3A_91 : i32
      scf.if %cond3A_92 {
        %add3A_108 = arith.constant 2 : i32
        %add3A_109 = arith.addi %scan3A_56, %add3A_108 : i32
        %dma_start3A_110 = arith.constant 0 : i32
        %dma_start3A_111 = arith.constant 0 : i32
        %dma_start3A_112 = tpu.memref_slice %arg8[%select_n3A_65, %dma_start3A_110, %dma_start3A_111] : memref<2x128x128xi32, #tpu.memory_space<vmem>> -> memref<1x128x128xi32, #tpu.memory_space<vmem>>
        %dma_start3A_113 = tpu.memref_squeeze %dma_start3A_112 : memref<1x128x128xi32, #tpu.memory_space<vmem>> -> memref<128x128xi32, #tpu.memory_space<vmem>>
        %dma_start3A_114 = arith.constant 0 : i32
        %dma_start3A_115 = tpu.memref_slice %arg6[%add3A_109, %dma_start3A_114] : memref<50x128xi32, #tpu.memory_space<vmem>> -> memref<1x128xi32, #tpu.memory_space<vmem>>
        %dma_start3A_116 = tpu.memref_squeeze %dma_start3A_115 : memref<1x128xi32, #tpu.memory_space<vmem>> -> memref<128xi32, #tpu.memory_space<vmem>>
        %dma_start3A_117 = arith.constant 0 : i32
        %dma_start3A_118 = arith.constant 0 : i32
        %dma_start3A_119 = tpu.memref_slice %arg4[%dma_start3A_117, %dma_start3A_118] : memref<507904x128xi32, #tpu.memory_space<hbm>> -> memref<507904x128xi32, #tpu.memory_space<hbm>>
        tpu.enqueue_indirect_dma source(%dma_start3A_119 : memref<507904x128xi32, #tpu.memory_space<hbm>>) target(%dma_start3A_113 : memref<128x128xi32, #tpu.memory_space<vmem>>) offsets(%dma_start3A_116 : memref<128xi32, #tpu.memory_space<vmem>>) semaphore(%arg10 : memref<!tpu.dma_semaphore, #tpu.memory_space<semaphore_mem>>)
      } else {
      }
      %mul3A_93 = arith.constant 128 : i32
      %mul3A_94 = arith.muli %scan3A_56, %mul3A_93 : i32
      %add3A_95 = arith.addi %mul3A_2, %mul3A_94 : i32
      %dma_start3A_96 = arith.constant 0 : i32
      %dma_start3A_97 = arith.constant 0 : i32
      %dma_start3A_98 = tpu.memref_slice %arg9[%select_n3A_65, %dma_start3A_96, %dma_start3A_97] : memref<2x128x128xf32, #tpu.memory_space<vmem>> -> memref<1x128x128xf32, #tpu.memory_space<vmem>>
      %dma_start3A_99 = tpu.memref_squeeze %dma_start3A_98 : memref<1x128x128xf32, #tpu.memory_space<vmem>> -> memref<128x128xf32, #tpu.memory_space<vmem>>
      %dma_start3A_100 = arith.constant 0 : i32
      %dma_start3A_101 = tpu.memref_slice %arg5[%add3A_95, %dma_start3A_100] : memref<204800x128xf32, #tpu.memory_space<hbm>> -> memref<128x128xf32, #tpu.memory_space<hbm>>
      %dma_start3A_102 = arith.constant 0 : i32
      %dma_start3A_103 = tpu.memref_slice %arg5[%add3A_95, %dma_start3A_102] : memref<204800x128xf32, #tpu.memory_space<hbm>> -> memref<128x128xf32, #tpu.memory_space<hbm>>
      %dma_start3A_104 = arith.constant 0 : i32
      %dma_start3A_105 = arith.constant 0 : i32
      %dma_start3A_106 = tpu.memref_slice %arg9[%select_n3A_65, %dma_start3A_104, %dma_start3A_105] : memref<2x128x128xf32, #tpu.memory_space<vmem>> -> memref<1x128x128xf32, #tpu.memory_space<vmem>>
      %dma_start3A_107 = tpu.memref_squeeze %dma_start3A_106 : memref<1x128x128xf32, #tpu.memory_space<vmem>> -> memref<128x128xf32, #tpu.memory_space<vmem>>
      tpu.enqueue_dma source(%dma_start3A_107 : memref<128x128xf32, #tpu.memory_space<vmem>>) target(%dma_start3A_103 : memref<128x128xf32, #tpu.memory_space<hbm>>) target_semaphore(%arg11 : memref<!tpu.dma_semaphore, #tpu.memory_space<semaphore_mem>>)
    }
    %scan3A_30 = arith.constant 50 : i32
    %dma_wait3A = arith.constant 0 : i32
    %dma_wait3A_31 = arith.constant 0 : i32
    %dma_wait3A_32 = arith.constant 0 : i32
    %dma_wait3A_33 = tpu.memref_slice %arg9[%dma_wait3A, %dma_wait3A_31, %dma_wait3A_32] : memref<2x128x128xf32, #tpu.memory_space<vmem>> -> memref<1x128x128xf32, #tpu.memory_space<vmem>>
    %dma_wait3A_34 = tpu.memref_squeeze %dma_wait3A_33 : memref<1x128x128xf32, #tpu.memory_space<vmem>> -> memref<128x128xf32, #tpu.memory_space<vmem>>
    %dma_wait3A_35 = arith.constant 0 : i32
    %dma_wait3A_36 = tpu.memref_slice %arg5[%mul3A_2, %dma_wait3A_35] : memref<204800x128xf32, #tpu.memory_space<hbm>> -> memref<128x128xf32, #tpu.memory_space<hbm>>
    %dma_wait3A_37 = arith.constant 0 : i32
    %dma_wait3A_38 = tpu.memref_slice %arg5[%mul3A_2, %dma_wait3A_37] : memref<204800x128xf32, #tpu.memory_space<hbm>> -> memref<128x128xf32, #tpu.memory_space<hbm>>
    %dma_wait3A_39 = arith.constant 0 : i32
    %dma_wait3A_40 = arith.constant 0 : i32
    %dma_wait3A_41 = tpu.memref_slice %arg9[%dma_wait3A, %dma_wait3A_39, %dma_wait3A_40] : memref<2x128x128xf32, #tpu.memory_space<vmem>> -> memref<1x128x128xf32, #tpu.memory_space<vmem>>
    %dma_wait3A_42 = tpu.memref_squeeze %dma_wait3A_41 : memref<1x128x128xf32, #tpu.memory_space<vmem>> -> memref<128x128xf32, #tpu.memory_space<vmem>>
    tpu.wait_dma2 semaphore(%arg11 : memref<!tpu.dma_semaphore, #tpu.memory_space<semaphore_mem>>) src(%dma_wait3A_42 : memref<128x128xf32, #tpu.memory_space<vmem>>) dst(%dma_wait3A_38 : memref<128x128xf32, #tpu.memory_space<hbm>>)
    %dma_wait3A_43 = arith.constant 0 : i32
    %dma_wait3A_44 = arith.constant 0 : i32
    %dma_wait3A_45 = arith.constant 0 : i32
    %dma_wait3A_46 = tpu.memref_slice %arg9[%dma_wait3A_43, %dma_wait3A_44, %dma_wait3A_45] : memref<2x128x128xf32, #tpu.memory_space<vmem>> -> memref<1x128x128xf32, #tpu.memory_space<vmem>>
    %dma_wait3A_47 = tpu.memref_squeeze %dma_wait3A_46 : memref<1x128x128xf32, #tpu.memory_space<vmem>> -> memref<128x128xf32, #tpu.memory_space<vmem>>
    %dma_wait3A_48 = arith.constant 0 : i32
    %dma_wait3A_49 = tpu.memref_slice %arg5[%mul3A_2, %dma_wait3A_48] : memref<204800x128xf32, #tpu.memory_space<hbm>> -> memref<128x128xf32, #tpu.memory_space<hbm>>
    %dma_wait3A_50 = arith.constant 0 : i32
    %dma_wait3A_51 = tpu.memref_slice %arg5[%mul3A_2, %dma_wait3A_50] : memref<204800x128xf32, #tpu.memory_space<hbm>> -> memref<128x128xf32, #tpu.memory_space<hbm>>
    %dma_wait3A_52 = arith.constant 0 : i32
    %dma_wait3A_53 = arith.constant 0 : i32
    %dma_wait3A_54 = tpu.memref_slice %arg9[%dma_wait3A_43, %dma_wait3A_52, %dma_wait3A_53] : memref<2x128x128xf32, #tpu.memory_space<vmem>> -> memref<1x128x128xf32, #tpu.memory_space<vmem>>
    %dma_wait3A_55 = tpu.memref_squeeze %dma_wait3A_54 : memref<1x128x128xf32, #tpu.memory_space<vmem>> -> memref<128x128xf32, #tpu.memory_space<vmem>>
    tpu.wait_dma2 semaphore(%arg11 : memref<!tpu.dma_semaphore, #tpu.memory_space<semaphore_mem>>) src(%dma_wait3A_55 : memref<128x128xf32, #tpu.memory_space<vmem>>) dst(%dma_wait3A_51 : memref<128x128xf32, #tpu.memory_space<hbm>>)
    return
  }
}

module attributes {stable_mosaic.version = 14 : i64} {
  func.func @_proj_body(%arg0: i32, %arg1: memref<64x8192xf32, #tpu.memory_space<vmem>>, %arg2: memref<64x8192xf32, #tpu.memory_space<vmem>>, %arg3: memref<64x128xf32, #tpu.memory_space<vmem>>, %arg4: memref<8192x128xi32, #tpu.memory_space<vmem>>) attributes {dimension_semantics = [#tpu.dimension_semantics<arbitrary>], iteration_bounds = array<i64: 62>, scalar_prefetch = 0 : i64, scratch_operands = 0 : i64, tpu.core_type = #tpu.core_type<tc>, window_params = [{transform_indices = @transform_0, window_bounds = array<i64: 64, 8192>}, {transform_indices = @transform_1, window_bounds = array<i64: 64, 8192>}, {pipeline_mode = #tpu.pipeline_mode<synchronous>, transform_indices = @transform_2, window_bounds = array<i64: 64, 128>}, {transform_indices = @transform_3, window_bounds = array<i64: 8192, 128>}]} {
    %get3A = arith.constant 0 : index
    %get3A_0 = arith.constant 0 : index
    %get3A_1 = vector.load %arg3[%get3A, %get3A_0] : memref<64x128xf32, #tpu.memory_space<vmem>>, vector<64x128xf32>
    %convert_element_type3A = arith.truncf %get3A_1 : vector<64x128xf32> to vector<64x128xbf16>
    %get3A_2 = arith.constant 0 : index
    %get3A_3 = arith.constant 0 : index
    %get3A_4 = vector.load %arg1[%get3A_2, %get3A_3] : memref<64x8192xf32, #tpu.memory_space<vmem>>, vector<64x8192xf32>
    %convert_element_type3A_5 = arith.truncf %get3A_4 : vector<64x8192xf32> to vector<64x8192xbf16>
    %dot_general3A = arith.constant dense<0.000000e+00> : vector<8192x128xf32>
    %dot_general3A_6 = tpu.matmul %convert_element_type3A_5, %convert_element_type3A, %dot_general3A {dimension_numbers = #tpu.dot_dimension_numbers<[0], [0], [1], [1], [0, 1, 1, 1], [], []>, transpose_lhs_hint = false} : vector<64x8192xbf16>, vector<64x128xbf16>, vector<8192x128xf32> -> vector<8192x128xf32>
    %get3A_7 = arith.constant 0 : index
    %get3A_8 = arith.constant 0 : index
    %get3A_9 = vector.load %arg2[%get3A_7, %get3A_8] : memref<64x8192xf32, #tpu.memory_space<vmem>>, vector<64x8192xf32>
    %convert_element_type3A_10 = arith.truncf %get3A_9 : vector<64x8192xf32> to vector<64x8192xbf16>
    %dot_general3A_11 = arith.constant dense<0.000000e+00> : vector<8192x128xf32>
    %dot_general3A_12 = tpu.matmul %convert_element_type3A_10, %convert_element_type3A, %dot_general3A_11 {dimension_numbers = #tpu.dot_dimension_numbers<[0], [0], [1], [1], [0, 1, 1, 1], [], []>, transpose_lhs_hint = false} : vector<64x8192xbf16>, vector<64x128xbf16>, vector<8192x128xf32> -> vector<8192x128xf32>
    %bitcast_convert_type3A = tpu.bitcast %dot_general3A_6 : vector<8192x128xf32> -> vector<8192x128xi32>
    %add3A = arith.constant 32767 : i32
    %add3A_13 = vector.broadcast %add3A : i32 to vector<8192x128xi32>
    %add3A_14 = arith.addi %bitcast_convert_type3A, %add3A_13 : vector<8192x128xi32>
    %shift_right_logical3A = arith.constant 16 : i32
    %shift_right_logical3A_15 = vector.broadcast %shift_right_logical3A : i32 to vector<8192x128xi32>
    %shift_right_logical3A_16 = arith.shrui %bitcast_convert_type3A, %shift_right_logical3A_15 : vector<8192x128xi32>
    %and3A = arith.constant 1 : i32
    %and3A_17 = vector.broadcast %and3A : i32 to vector<8192x128xi32>
    %and3A_18 = arith.andi %shift_right_logical3A_16, %and3A_17 : vector<8192x128xi32>
    %add3A_19 = arith.addi %add3A_14, %and3A_18 : vector<8192x128xi32>
    %shift_right_logical3A_20 = arith.constant 16 : i32
    %shift_right_logical3A_21 = vector.broadcast %shift_right_logical3A_20 : i32 to vector<8192x128xi32>
    %shift_right_logical3A_22 = arith.shrui %add3A_19, %shift_right_logical3A_21 : vector<8192x128xi32>
    %bitcast_convert_type3A_23 = tpu.bitcast %dot_general3A_12 : vector<8192x128xf32> -> vector<8192x128xi32>
    %add3A_24 = arith.constant 32767 : i32
    %add3A_25 = vector.broadcast %add3A_24 : i32 to vector<8192x128xi32>
    %add3A_26 = arith.addi %bitcast_convert_type3A_23, %add3A_25 : vector<8192x128xi32>
    %shift_right_logical3A_27 = arith.constant 16 : i32
    %shift_right_logical3A_28 = vector.broadcast %shift_right_logical3A_27 : i32 to vector<8192x128xi32>
    %shift_right_logical3A_29 = arith.shrui %bitcast_convert_type3A_23, %shift_right_logical3A_28 : vector<8192x128xi32>
    %and3A_30 = arith.constant 1 : i32
    %and3A_31 = vector.broadcast %and3A_30 : i32 to vector<8192x128xi32>
    %and3A_32 = arith.andi %shift_right_logical3A_29, %and3A_31 : vector<8192x128xi32>
    %add3A_33 = arith.addi %add3A_26, %and3A_32 : vector<8192x128xi32>
    %and3A_34 = arith.constant -65536 : i32
    %and3A_35 = vector.broadcast %and3A_34 : i32 to vector<8192x128xi32>
    %and3A_36 = arith.andi %add3A_33, %and3A_35 : vector<8192x128xi32>
    %or3A = arith.ori %shift_right_logical3A_22, %and3A_36 : vector<8192x128xi32>
    %swap3A = arith.constant 0 : index
    %swap3A_37 = arith.constant 0 : index
    %swap3A_38 = vector.load %arg4[%swap3A, %swap3A_37] : memref<8192x128xi32, #tpu.memory_space<vmem>>, vector<8192x128xi32>
    tpu.vector_store %arg4[%swap3A, %swap3A_37], %or3A {strides = array<i32>} : memref<8192x128xi32, #tpu.memory_space<vmem>>, vector<8192x128xi32>,
    return
  }
  func.func @transform_0(%arg0: i32) -> (i32, i32) {
    %c0_i32 = arith.constant 0 : i32
    %c0_i32_0 = arith.constant 0 : i32
    return %c0_i32, %arg0 : i32, i32
  }
  func.func @transform_1(%arg0: i32) -> (i32, i32) {
    %add3A = arith.constant 62 : i32
    %add3A_0 = arith.addi %arg0, %add3A : i32
    %min3A = arith.constant 122 : i32
    %min3A_1 = arith.minsi %add3A_0, %min3A : i32
    %c0_i32 = arith.constant 0 : i32
    %c0_i32_2 = arith.constant 0 : i32
    return %c0_i32, %min3A_1 : i32, i32
  }
  func.func @transform_2(%arg0: i32) -> (i32, i32) {
    %c0_i32 = arith.constant 0 : i32
    %c0_i32_0 = arith.constant 0 : i32
    %c0_i32_1 = arith.constant 0 : i32
    return %c0_i32, %c0_i32_0 : i32, i32
  }
  func.func @transform_3(%arg0: i32) -> (i32, i32) {
    %c0_i32 = arith.constant 0 : i32
    %c0_i32_0 = arith.constant 0 : i32
    return %arg0, %c0_i32 : i32, i32
  }
}

</mosaic_0001>

<sc_bundles>
// kernel: kernel.4.cloned.1.call-start
scs
__scs_entry_jumppad:
0x0: {  	(pc) =	sbr.rel $0x88, $3  }
0x1: {  	(tag) =	ssettag $0x0;
	lr =	simm.s32 $0x1  }
0x2: {  	[smem:$0x3F9E] =	sst lr;
	_ =	strace $0xD0000000  }
0x3: {  	_ = 	snop  }
0x4: {  	_ = 	snop  }
0x5: {  	_ = 	snop  }
0x6: {  	_ = 	snop  }
0x7: {  	_ = 	snop  }
__scs_overlays_trampoline_lowered:
0x8: {  	[smem:$0x3FAD] =	sst s0  }
0x9: {  	[smem:$0x3FAE] =	sst s1  }
0xa: {  	[smem:$0x3FAF] =	sst s2  }
0xb: {  	[smem:$0x3FB0] =	sst s3  }
0xc: {  	[smem:$0x3FB1] =	sst s4  }
0xd: {  	[smem:$0x3FB2] =	sst s5  }
0xe: {  	[smem:$0x3FB3] =	sst s6  }
0xf: {  	[smem:$0x3FB4] =	sst s7  }
0x10: {  	[smem:$0x3FB5] =	sst s8  }
0x11: {  	[smem:$0x3FB6] =	sst s9;
	s0 =	simm.s32 @!p0 $0x0  }
0x12: {  	s1 =	sld [smem:$0x3F9C];
	s0 =	simm.s32 @p0 $0x1  }
0x13: {  	[smem:$0x3FB7] =	sst s0;
	s0 =	simm.s32 @!p1 $0x0  }
0x14: {  	s2 =	sld [smem:$0x3F9B];
	s0 =	simm.s32 @p1 $0x1  }
0x15: {  	[smem:$0x3FB8] =	sst s0;
	s0 =	simm.s32 @!p2 $0x0  }
0x16: {  	s3 =	sld [smem:$0x3FDB];
	s0 =	simm.s32 @p2 $0x1  }
0x17: {  	s4 =	simm.s32 $0x1BF5;
	[smem:$0x3FBA] =	sst s0  }
0x18: {  	s0 =	sld [smem:$0x3F9D];
	_ =	swait.ge [sflag:s4], $0x0  }
0x19: {  	s7 =	sld [smem:$0x3F9E]  }
0x1a: {  	s8 =	sadd.s32 $0xFFFFE003, lr  }
0x1b: {  	s9 =	sadd.s32 $0xFFFFFEF7, lr;
	s5 =	simm.s32 $0xFFFFFFFF;
	p2 =	slt.u32 s8, $0xFFFFF086  }
0x1c: {  	p1 =	slt.u32 s9, $0xF7A;
	s5 =	simm.s32 @!p2 $0x0  }
0x1d: {  	s5 =	simm.s32 @p1 $0x1;
	p0 =	seq.s32 s7, s2  }
0x1e: {  	s7 =	smul.u32 @!p0 $0xF7A, s2;
	p2 =	seq.s32 @!p0 s5, $0x0  }
0x1f: {  	s9 =	smul.u32 $0xF7A, s1;
	s8 =	simm.s32 @!p0 $0x1BF5;
	p2 =	por !p2, p0  }
0x20: {  	[sflag:s8] =	ssyncset.s32 @!p0 $0xFFFFF086;
	s6 =	sadd.s32 @!p0 s3, s7;
	s7 =	simm.s32 @!p0 $0x108  }
0x21: {  	s3 =	sadd.s32 s3, s9;
	s6 =	sadd.s32 @!p0 $0x88, s6;
	s7 =	simm.s32 @p2 $0x1082  }
0x22: {  	[simem:s7], [sflag:s8] =	dma.local @!p0 [hbm:s6], $0xF7A  }
0x23: {  	s9 =	sor.u32 $0xD0000000, s2;
	s6 =	simm.s32 $0x108;
	_ =	swait.ge @!p0 [sflag:s8], $0x0  }
0x24: {  	s3 =	sadd.s32 $0x88, s3;
	s6 =	simm.s32 @!p1 $0x1082;
	[sflag:s4] =	ssyncset.s32 $0xFFFFF086  }
0x25: {  	[simem:s6], [sflag:s4] =	dma.local [hbm:s3], $0xF7A  }
0x26: {  	[smem:$0x3F9E] =	sst s1;
	(tag) =	ssettag s2;
	_ =	strace s9  }
0x27: {  	s1 =	sld [smem:$0x3FAE]  }
0x28: {  	s2 =	sld [smem:$0x3FAF]  }
0x29: {  	s4 =	sld [smem:$0x3FB1]  }
0x2a: {  	p0 =	seq.s32 s5, $0x0;
	s5 =	sld [smem:$0x3FB2]  }
0x2b: {  	s6 =	sld [smem:$0x3FB3]  }
0x2c: {  	s7 =	sld [smem:$0x3FB4]  }
0x2d: {  	s3 =	simm.s32 $0x108;
	s8 =	sld [smem:$0x3FB5]  }
0x2e: {  	s3 =	simm.s32 @!p0 $0x1082;
	s9 =	sld [smem:$0x3FB6]  }
0x2f: {  	lr =	sadd.s32 s0, s3;
	s0 =	sld [smem:$0x3FAD]  }
0x30: {  	s3 =	sld [smem:$0x3FB0]  }
0x31: {  	[smem:$0x3FB9] =	sst s10  }
0x32: {  	s10 =	sld [smem:$0x3FB7];
	_ =	sdelay $0x3  }
0x33: {  	p0 =	seq.s32 s10, $0x1;
	s10 =	sld [smem:$0x3FB9];
	_ =	sdelay $0x3  }
0x34: {  	[smem:$0x3FB9] =	sst s10  }
0x35: {  	s10 =	sld [smem:$0x3FB8];
	_ =	sdelay $0x3  }
0x36: {  	p1 =	seq.s32 s10, $0x1;
	s10 =	sld [smem:$0x3FB9];
	_ =	sdelay $0x3  }
0x37: {  	[smem:$0x3FB9] =	sst s10  }
0x38: {  	s10 =	sld [smem:$0x3FBA]  }
0x39: {  	_ = 	snop;
	(pc) =	sbr.ind lr, $3  }
0x3a: {  	_ = 	snop  }
0x3b: {  	_ = 	snop  }
0x3c: {  	p2 =	seq.s32 s10, $0x1;
	s10 =	sld [smem:$0x3FB9]  }
0x3d: {  	_ =	shalt  }
0x3e: {  	_ =	shalt  }
0x3f: {  	_ =	shalt  }
0x40: {  	_ =	shalt  }
0x41: {  	_ =	shalt  }
0x42: {  	_ =	shalt  }
0x43: {  	_ =	shalt  }
0x44: {  	_ =	shalt  }
0x45: {  	_ =	shalt  }
0x46: {  	_ =	shalt  }
0x47: {  	_ =	shalt  }
0x48: {  	_ =	shalt  }
0x49: {  	_ =	shalt  }
0x4a: {  	_ =	shalt  }
0x4b: {  	_ =	shalt  }
0x4c: {  	_ =	shalt  }
0x4d: {  	_ =	shalt  }
0x4e: {  	_ =	shalt  }
0x4f: {  	_ =	shalt  }
0x50: {  	_ =	shalt  }
0x51: {  	_ =	shalt  }
0x52: {  	_ =	shalt  }
0x53: {  	_ =	shalt  }
0x54: {  	_ =	shalt  }
0x55: {  	_ =	shalt  }
0x56: {  	_ =	shalt  }
0x57: {  	_ =	shalt  }
0x58: {  	_ =	shalt  }
0x59: {  	_ =	shalt  }
0x5a: {  	_ =	shalt  }
0x5b: {  	_ =	shalt  }
0x5c: {  	_ =	shalt  }
0x5d: {  	_ =	shalt  }
0x5e: {  	_ =	shalt  }
0x5f: {  	_ =	shalt  }
0x60: {  	_ =	shalt  }
0x61: {  	_ =	shalt  }
0x62: {  	_ =	shalt  }
0x63: {  	_ =	shalt  }
0x64: {  	_ =	shalt  }
0x65: {  	_ =	shalt  }
0x66: {  	_ =	shalt  }
0x67: {  	_ =	shalt  }
0x68: {  	_ =	shalt  }
0x69: {  	_ =	shalt  }
0x6a: {  	_ =	shalt  }
0x6b: {  	_ =	shalt  }
0x6c: {  	_ =	shalt  }
0x6d: {  	_ =	shalt  }
0x6e: {  	_ =	shalt  }
0x6f: {  	_ =	shalt  }
0x70: {  	_ =	shalt  }
0x71: {  	_ =	shalt  }
0x72: {  	_ =	shalt  }
0x73: {  	_ =	shalt  }
0x74: {  	_ =	shalt  }
0x75: {  	_ =	shalt  }
0x76: {  	_ =	shalt  }
0x77: {  	_ =	shalt  }
0x78: {  	_ =	shalt  }
0x79: {  	_ =	shalt  }
0x7a: {  	_ =	shalt  }
0x7b: {  	_ =	shalt  }
0x7c: {  	_ =	shalt  }
0x7d: {  	_ =	shalt  }
0x7e: {  	_ =	shalt  }
0x7f: {  	_ =	shalt  }
0x80: {  	_ =	shalt  }
0x81: {  	_ =	shalt  }
0x82: {  	_ =	shalt  }
0x83: {  	_ =	shalt  }
0x84: {  	_ =	shalt  }
0x85: {  	_ =	shalt  }
0x86: {  	_ =	shalt  }
0x87: {  	_ =	shalt  }
.Lfunc_end0:
.L_simem_size_0:
called_computation_lowered:
.L_overlay_start_0:
0x88: {  	s2 =	sld [smem:$0x3FD9]  }
0x89: {  	s3 =	sld [smem:$0x3FFE];
	_ =	sdelay $0x1  }
0x8a: {  	s1 =	srdreg.scid  }
0x8b: {  	s0 =	sand.u32 $0x1, s1  }
0x8c: {  	s17 =	sshll.u32 s0, $0xA;
	s2 =	sadd.s32 s3, s2  }
0x8d: {  	s2 =	sadd.s32 s2, s17  }
0x8e: {  	[smem:$0x3FC5] =	sst s2  }
0x8f: {  	_ = 	snop  }
0x90: {  	s2 =	sld [smem:$0x3FD0];
	(tm) =	ssettm $0x1  }
0x91: {  	s18 =	sld [smem:$0x3FFB];
	_ =	sdelay $0x3  }
0x92: {  	_ =	strace s18  }
0x93: {  	s3 =	sld [smem:$0x3FFC];
	_ =	sdelay $0x3  }
0x94: {  	_ =	strace s3  }
0x95: {  	s3 =	sld [smem:$0x3FFD];
	_ =	sdelay $0x3  }
0x96: {  	_ =	strace s3  }
0x97: {  	_ =	strace $0x8FFFFFFF  }
0x98: {  	s19 =	sld [smem:$0x3FDB];
	_ =	sdelay $0x1  }
0x99: {  	s4 =	simm.s32 $_scs_section_size  }
0x9a: {  	s5 =	simm.s32 $_size__tile_overlayer_lowered;
	s6 =	simm.s32 $_tile_overlayer_lowered  }
0x9b: {  	s22 =	simm.s32 $0x1BFF;
	s21 =	sshll.u32 s6, $0x1;
	s3 =	sadd.s32 s4, s19  }
0x9c: {  	s7 =	simm.s32 $0x0;
	s20 =	sshll.u32 s5, $0x1;
	s5 =	sadd.s32 s21, s3  }
0x9d: {  	[timem:s7], [sflag:s22] =	dma.local [hbm:s5], s20  }
0x9e: {  	_ =	swait.ge [sflag:s22], s20  }
0x9f: {  	s4 =	ssub.s32 $0x0, s20;
	[sflag:s22] =	ssyncset.done $0x0  }
0xa0: {  	[sflag:s22] =	ssyncadd.s32 s4;
	_ =	sdelay $0x1  }
0xa1: {  	s23 =	simm.s32 $0x1B8B  }
0xa2: {  	_ =	swait.ge [sflag:s23], $0x1  }
0xa3: {  	[sflag:s23] =	ssyncset.done $0x0  }
0xa4: {  	s25 =	simm.s32 $0x1B8E;
	s24 =	sld [smem:$0x3FFE];
	[sflag:s23] =	ssyncadd.s32 $0xFFFFFFFF  }
0xa5: {  	s26 =	simm.s32 $execute0_lowered;
	[smem:$0x3FD2] =	sst s25  }
0xa6: {  	s5 =	sshll.u32 s26, $0x1;
	_ =	strace $0x80000046;
	[dreg:$0x1] =	wrdreg $0xFFFFFFFF  }
0xa7: {  	s28 =	simm.s32 $_size_execute0_lowered;
	s3 =	sadd.s32 s3, s5;
	[dreg:$0x0] =	wrdreg $0x0  }
0xa8: {  	s5 =	sshll.u32 s28, $0x1;
	[dreg:$0x2] =	wrdreg s3  }
0xa9: {  	[dreg:$0x3] =	wrdreg s5  }
0xaa: {  	[dreg:$0x4] =	wrdreg $0xC0  }
0xab: {  	_ =	task [dreg:s7], $0x5FFFF  }
0xac: {  	[dreg:$0x1] =	wrdreg $0xFFFFFFFF  }
0xad: {  	[dreg:$0x0] =	wrdreg $0x60  }
0xae: {  	[dreg:$0x2] =	wrdreg s24  }
0xaf: {  	[dreg:$0x3] =	wrdreg s2  }
0xb0: {  	[dreg:$0x4] =	wrdreg $0x9  }
0xb1: {  	_ =	task.clear_ibuf [dreg:s7], $0x5FFFF;
	_ =	strace $0x90000046  }
0xb2: {  	s29 =	simm.s32 $0x9;
	_ =	strace $0x80000048  }
0xb3: {  	_ =	swait.ge [sflag:s29], $0x1  }
0xb4: {  	[sflag:s29] =	ssyncadd.s32 $0xFFFFFFFF  }
0xb5: {  	_ =	strace $0x90000048  }
0xb6: {  	_ =	sfence  }
0xb7: {  	s30 =	sld [smem:$0x0];
	_ =	sdelay $0x2  }
0xb8: {  	s31 =	sshll.u32 s1, $0xD;
	s1 =	sshrl.u32 s1, $0x2  }
0xb9: {  	s3 =	sand.u32 $0x4000, s31;
	s1 =	sadd.s32 s1, s30  }
0xba: {  	s0 =	sor.u32 s3, s0;
	s1 =	sshll.u32 s1, $0x11  }
0xbb: {  	s0 =	sor.u32 s1, s0  }
0xbc: {  	s0 =	sadd.s32 $0x8F2B, s0  }
0xbd: {  	[sflag:s0] =	ssyncadd.remote.s32 $0x1  }
0xbe: {  	_ =	sfence.sel $0xFFFF  }
0xbf: {  	[dreg:$0x0] =	wrdreg $0xFFFFFFFF;
	(pc) =	sbr.abs _section_cstart, $3  }
0xc0: {  	[dreg:$0x1] =	wrdreg $0xFFFFFFFF  }
0xc1: {  	_ =	task.clear_ibuf [dreg:s7], $0x2FFFF;
	_ =	strace $0x9FFFFFFF  }
0xc2: {  	(tm) =	ssettm $0x7FFFFFFF  }
0xc3: {  	_ =	shalt  }
tec
execute0_lowered:
.L_overlay_start_1:
0x0: {  	(tag) =	ssettag $0x1  }
0x1: {  	s4 =	rddreg [dreg:$0x0];
	s1 =	srdreg.scid  }
0x2: {  	s0 =	stileid.u32;
	s2 =	rddreg [dreg:$0x1];
	s3 =	simm.s32 $0x0  }
0x3: {  	s9 =	simm.s32 $0x3;
	s10 =	simm.s32 $0x1C00;
	s11 =	simm.s32 $0x80  }
0x4: {  	s12 =	simm.s32 $0x3800;
	s13 =	simm.s32 $0x7800;
	s14 =	simm.s32 $0x1  }
0x5: {  	s15 =	simm.s32 $0x2;
	s5 =	sand.u32 $0x1, s1;
	s6 =	sshll.u32 s0, $0x1  }
0x6: {  	s16 =	simm.s32 $0x0;
	s1 =	rddreg [dreg:$0x2];
	s7 =	sor.u32 s5, s6  }
0x7: {  	[smem:$0x7FF] =	sst s3;
	s5 =	ssub.s32 $0x2, s5;
	s6 =	smul.u32 $0x380, s7  }
0x8: {  	_ =	strace $0x80000047;
	s8 =	sshrl.u32 s5, $0x1;
	s7 =	smul.u32 $0xC8000, s7  }
0x9: {  	s8 =	ssub.s32 s5, s8;
	s6 =	sadd.s32 s6, s4;
	s4 =	sadd.s32 $0xE600, s4  }
0xa: {  	s8 =	smax.u32 s8, $0x1;
	s5 =	sadd.s32 $0x600, s6;
	s6 =	sadd.s32 $0x7600, s6  }
.LBB2_1:
0xb: {  	[tilespmem:s3], [sflag:$0x3] =	stream.linear.gather [hbm4b:s5+s3], $0x1900, $0x38;
	[tilespmem:$0x13800] =	vst v63  }
0xc: {  	_ =	swait.ge [sflag:s9], $0x1900  }
0xd: {  	[sflag:s9] =	ssyncset.done $0x0  }
0xe: {  	[sflag:s9] =	ssyncadd.s32 $0xFFFFE700  }
0xf: {  	[tilespmem:s10], [sflag:$0x3] =	stream.linear.gather [hbm4b:s6+s3], $0x1900, $0x38;
	[tilespmem:$0x13800] =	vst v63  }
0x10: {  	_ =	swait.ge [sflag:s9], $0x1900  }
0x11: {  	[sflag:s9] =	ssyncset.done $0x0  }
0x12: {  	[sflag:s9] =	ssyncadd.s32 $0xFFFFE700  }
0x13: {  	[tilespmem:s12], [sflag:$0x1] =	stream.indirect.gather [hbm4b:s4+s11], $0x80, s3, s11, $0xb8;
	[tilespmem:$0x13800] =	vst v63  }
0x14: {  	s17 =	simm.s32 $0x0  }
0x15: {  	[tilespmem:s13], [sflag:$0x1] =	stream.indirect.gather [hbm4b:s4+s11], $0x80, s11, s11, $0xb8;
	[tilespmem:$0x13800] =	vst v63  }
.LBB2_2:
0x16: {  	_ =	swait.ge [sflag:s14], $0x4000;
	s18 =	sand.u32 $0x1, s17  }
0x17: {  	p0 =	slt.u32 s17, $0x2;
	[sflag:s14] =	ssyncset.done $0x0;
	s19 =	sshll.u32 s18, $0xE  }
0x18: {  	s21 =	simm.s32 @!p0 $0x2;
	[sflag:s14] =	ssyncadd.s32 $0xFFFFC000;
	s20 =	sor.u32 $0x80, s19  }
0x19: {  	s28 =	sor.u32 $0x100, s19;
	_ =	swait.ge @!p0 [sflag:s21], $0x4000;
	[dreg:$0x3] =	wrdreg s20  }
0x1a: {  	s29 =	sor.u32 $0x180, s19;
	[dreg:$0x4] =	wrdreg s28  }
0x1b: {  	s30 =	sor.u32 $0x200, s19;
	[dreg:$0x5] =	wrdreg s29  }
0x1c: {  	s31 =	sor.u32 $0x280, s19;
	[dreg:$0x6] =	wrdreg s30  }
0x1d: {  	s22 =	sor.u32 $0x300, s19;
	[dreg:$0x7] =	wrdreg s31  }
0x1e: {  	s23 =	sor.u32 $0x380, s19;
	[dreg:$0x8] =	wrdreg s22  }
0x1f: {  	s24 =	sor.u32 $0x400, s19;
	[dreg:$0x9] =	wrdreg s23  }
0x20: {  	s25 =	sor.u32 $0x480, s19;
	[dreg:$0xa] =	wrdreg s24  }
0x21: {  	s26 =	sor.u32 $0x500, s19;
	[dreg:$0xb] =	wrdreg s25  }
0x22: {  	[dreg:$0xc] =	wrdreg s26;
	s28 =	sor.u32 $0x580, s19;
	s20 =	sshll.u32 s17, $0x9  }
0x23: {  	s22 =	sor.u32 $0x600, s19;
	[dreg:$0xd] =	wrdreg s28;
	s23 =	sshrl.u32 s20, $0x2  }
0x24: {  	s29 =	sor.u32 $0x680, s19;
	[dreg:$0xe] =	wrdreg s22;
	s23 =	sadd.s32 $0x1C00, s23  }
0x25: {  	s30 =	sor.u32 $0x700, s19;
	[dreg:$0xf] =	wrdreg s29;
	v0 =	vmov s23  }
0x26: {  	s31 =	sor.u32 $0x780, s19;
	[sflag:s21] =	ssyncset.done @!p0 $0x0;
	[dreg:$0x10] =	wrdreg s30  }
0x27: {  	[dreg:$0x11] =	wrdreg s31;
	[sflag:s21] =	ssyncadd.s32 @!p0 $0xFFFFC000;
	s21 =	simm.s32 $0x0  }
.LBB2_3:
0x28: {  	s22 =	sshll.u32 s21, $0x4  }
0x29: {  	s22 =	sand.u32 $0x3FFFFFF0, s22  }
0x2a: {  	v1 =	vld.idx.msk [tilespmem:v0+s22+$0x0 ss:$0x1], $0xffff;
	_ =	sdelay $0x4  }
0x2b: {  	(v2sf) =	vpush v1, $0x0;
	_ =	sdelay $0xa  }
0x2c: {  	s22 =	sshll.u32 s21, $0xB  }
0x2d: {  	s23 =	sor.u32 s19, s22  }
0x2e: {  	v2 =	vld [tilespmem:s23+$0x3800]  }
0x2f: {  	v3 =	vld [tilespmem:s23+$0x3810]  }
0x30: {  	v4 =	vld [tilespmem:s23+$0x3820];
	s24 =	spop (v2sf);
	(v2sf) =	vpush v1, $0x1  }
0x31: {  	v5 =	vld [tilespmem:s23+$0x3830];
	s25 =	sshll.u32 s24, $0x4  }
0x32: {  	v6 =	vld [tilespmem:s23+$0x3840];
	p0 =	seq.s32 s24, $0x1;
	s24 =	simm.s32 $0xFFFF0000;
	s25 =	ssub.s32 $0x10, s25  }
0x33: {  	v7 =	vld [tilespmem:s23+$0x3850];
	s24 =	simm.s32 @!p0 $0xFFFFFFFF;
	v2 =	vshll.u32 v2, s25  }
0x34: {  	v8 =	vld [tilespmem:s23+$0x3860];
	v3 =	vshll.u32 v3, s25;
	v2 =	vand.u32 s24, v2  }
0x35: {  	v28 =	vld [tilespmem:s23+$0x3870];
	[tilespmem:s23+$0xB800] =	vst v2;
	v2 =	vand.u32 s24, v3;
	v3 =	vshll.u32 v4, s25  }
0x36: {  	[tilespmem:s23+$0xB810] =	vst v2;
	v2 =	vand.u32 s24, v3;
	v3 =	vshll.u32 v5, s25  }
0x37: {  	[tilespmem:s23+$0xB820] =	vst v2;
	v2 =	vand.u32 s24, v3;
	v3 =	vshll.u32 v6, s25  }
0x38: {  	[tilespmem:s23+$0xB830] =	vst v2;
	v2 =	vand.u32 s24, v3;
	v3 =	vshll.u32 v7, s25  }
0x39: {  	[tilespmem:s23+$0xB840] =	vst v2;
	v2 =	vand.u32 s24, v3;
	v3 =	vshll.u32 v8, s25  }
0x3a: {  	[tilespmem:s23+$0xB850] =	vst v2;
	v2 =	vand.u32 s24, v3;
	v3 =	vshll.u32 v28, s25  }
0x3b: {  	s26 =	rddreg [dreg:$0x3];
	[tilespmem:s23+$0xB860] =	vst v2;
	v2 =	vand.u32 s24, v3  }
0x3c: {  	s28 =	sor.u32 s26, s22;
	[tilespmem:s23+$0xB870] =	vst v2  }
0x3d: {  	v2 =	vld [tilespmem:s28+$0x3800]  }
0x3e: {  	v3 =	vld [tilespmem:s28+$0x3810]  }
0x3f: {  	v29 =	vld [tilespmem:s28+$0x3820];
	s29 =	spop (v2sf);
	(v2sf) =	vpush v1, $0x2  }
0x40: {  	v30 =	vld [tilespmem:s28+$0x3830];
	s30 =	sshll.u32 s29, $0x4  }
0x41: {  	s24 =	simm.s32 $0xFFFF0000;
	v31 =	vld [tilespmem:s28+$0x3840];
	p0 =	seq.s32 s29, $0x1;
	s25 =	ssub.s32 $0x10, s30  }
0x42: {  	v32 =	vld [tilespmem:s28+$0x3850];
	s24 =	simm.s32 @!p0 $0xFFFFFFFF;
	v2 =	vshll.u32 v2, s25  }
0x43: {  	v33 =	vld [tilespmem:s28+$0x3860];
	v3 =	vshll.u32 v3, s25;
	v2 =	vand.u32 s24, v2  }
0x44: {  	v34 =	vld [tilespmem:s28+$0x3870];
	[tilespmem:s28+$0xB800] =	vst v2;
	v2 =	vand.u32 s24, v3;
	v3 =	vshll.u32 v29, s25  }
0x45: {  	[tilespmem:s28+$0xB810] =	vst v2;
	v2 =	vand.u32 s24, v3;
	v3 =	vshll.u32 v30, s25  }
0x46: {  	[tilespmem:s28+$0xB820] =	vst v2;
	v2 =	vand.u32 s24, v3;
	v3 =	vshll.u32 v31, s25  }
0x47: {  	[tilespmem:s28+$0xB830] =	vst v2;
	v2 =	vand.u32 s24, v3;
	v3 =	vshll.u32 v32, s25  }
0x48: {  	[tilespmem:s28+$0xB840] =	vst v2;
	v2 =	vand.u32 s24, v3;
	v3 =	vshll.u32 v33, s25  }
0x49: {  	[tilespmem:s28+$0xB850] =	vst v2;
	v2 =	vand.u32 s24, v3;
	v3 =	vshll.u32 v34, s25  }
0x4a: {  	s31 =	rddreg [dreg:$0x4];
	[tilespmem:s28+$0xB860] =	vst v2;
	v2 =	vand.u32 s24, v3  }
0x4b: {  	[tilespmem:s28+$0xB870] =	vst v2;
	s28 =	sor.u32 s31, s22  }
0x4c: {  	v2 =	vld [tilespmem:s28+$0x3800]  }
0x4d: {  	v3 =	vld [tilespmem:s28+$0x3810]  }
0x4e: {  	v35 =	vld [tilespmem:s28+$0x3820];
	s29 =	spop (v2sf);
	(v2sf) =	vpush v1, $0x3  }
0x4f: {  	v36 =	vld [tilespmem:s28+$0x3830];
	s30 =	sshll.u32 s29, $0x4  }
0x50: {  	s24 =	simm.s32 $0xFFFF0000;
	v37 =	vld [tilespmem:s28+$0x3840];
	p0 =	seq.s32 s29, $0x1;
	s25 =	ssub.s32 $0x10, s30  }
0x51: {  	v38 =	vld [tilespmem:s28+$0x3850];
	s24 =	simm.s32 @!p0 $0xFFFFFFFF;
	v2 =	vshll.u32 v2, s25  }
0x52: {  	v39 =	vld [tilespmem:s28+$0x3860];
	v3 =	vshll.u32 v3, s25;
	v2 =	vand.u32 s24, v2  }
0x53: {  	v40 =	vld [tilespmem:s28+$0x3870];
	[tilespmem:s28+$0xB800] =	vst v2;
	v2 =	vand.u32 s24, v3;
	v3 =	vshll.u32 v35, s25  }
0x54: {  	[tilespmem:s28+$0xB810] =	vst v2;
	v2 =	vand.u32 s24, v3;
	v3 =	vshll.u32 v36, s25  }
0x55: {  	[tilespmem:s28+$0xB820] =	vst v2;
	v2 =	vand.u32 s24, v3;
	v3 =	vshll.u32 v37, s25  }
0x56: {  	[tilespmem:s28+$0xB830] =	vst v2;
	v2 =	vand.u32 s24, v3;
	v3 =	vshll.u32 v38, s25  }
0x57: {  	[tilespmem:s28+$0xB840] =	vst v2;
	v2 =	vand.u32 s24, v3;
	v3 =	vshll.u32 v39, s25  }
0x58: {  	[tilespmem:s28+$0xB850] =	vst v2;
	v2 =	vand.u32 s24, v3;
	v3 =	vshll.u32 v40, s25  }
0x59: {  	s31 =	rddreg [dreg:$0x5];
	[tilespmem:s28+$0xB860] =	vst v2;
	v2 =	vand.u32 s24, v3  }
0x5a: {  	[tilespmem:s28+$0xB870] =	vst v2;
	s28 =	sor.u32 s31, s22  }
0x5b: {  	v2 =	vld [tilespmem:s28+$0x3800]  }
0x5c: {  	v3 =	vld [tilespmem:s28+$0x3810]  }
0x5d: {  	v41 =	vld [tilespmem:s28+$0x3820];
	s29 =	spop (v2sf);
	(v2sf) =	vpush v1, $0x4  }
0x5e: {  	v42 =	vld [tilespmem:s28+$0x3830];
	s30 =	sshll.u32 s29, $0x4  }
0x5f: {  	s24 =	simm.s32 $0xFFFF0000;
	v43 =	vld [tilespmem:s28+$0x3840];
	p0 =	seq.s32 s29, $0x1;
	s25 =	ssub.s32 $0x10, s30  }
0x60: {  	v44 =	vld [tilespmem:s28+$0x3850];
	s24 =	simm.s32 @!p0 $0xFFFFFFFF;
	v2 =	vshll.u32 v2, s25  }
0x61: {  	v45 =	vld [tilespmem:s28+$0x3860];
	v3 =	vshll.u32 v3, s25;
	v2 =	vand.u32 s24, v2  }
0x62: {  	v46 =	vld [tilespmem:s28+$0x3870];
	[tilespmem:s28+$0xB800] =	vst v2;
	v2 =	vand.u32 s24, v3;
	v3 =	vshll.u32 v41, s25  }
0x63: {  	[tilespmem:s28+$0xB810] =	vst v2;
	v2 =	vand.u32 s24, v3;
	v3 =	vshll.u32 v42, s25  }
0x64: {  	[tilespmem:s28+$0xB820] =	vst v2;
	v2 =	vand.u32 s24, v3;
	v3 =	vshll.u32 v43, s25  }
0x65: {  	[tilespmem:s28+$0xB830] =	vst v2;
	v2 =	vand.u32 s24, v3;
	v3 =	vshll.u32 v44, s25  }
0x66: {  	[tilespmem:s28+$0xB840] =	vst v2;
	v2 =	vand.u32 s24, v3;
	v3 =	vshll.u32 v45, s25  }
0x67: {  	[tilespmem:s28+$0xB850] =	vst v2;
	v2 =	vand.u32 s24, v3;
	v3 =	vshll.u32 v46, s25  }
0x68: {  	s31 =	rddreg [dreg:$0x6];
	[tilespmem:s28+$0xB860] =	vst v2;
	v2 =	vand.u32 s24, v3  }
0x69: {  	[tilespmem:s28+$0xB870] =	vst v2;
	s28 =	sor.u32 s31, s22  }
0x6a: {  	v2 =	vld [tilespmem:s28+$0x3800]  }
0x6b: {  	v3 =	vld [tilespmem:s28+$0x3810]  }
0x6c: {  	v47 =	vld [tilespmem:s28+$0x3820];
	s29 =	spop (v2sf);
	(v2sf) =	vpush v1, $0x5  }
0x6d: {  	v48 =	vld [tilespmem:s28+$0x3830];
	s30 =	sshll.u32 s29, $0x4  }
0x6e: {  	s24 =	simm.s32 $0xFFFF0000;
	v49 =	vld [tilespmem:s28+$0x3840];
	p0 =	seq.s32 s29, $0x1;
	s25 =	ssub.s32 $0x10, s30  }
0x6f: {  	v50 =	vld [tilespmem:s28+$0x3850];
	s24 =	simm.s32 @!p0 $0xFFFFFFFF;
	v2 =	vshll.u32 v2, s25  }
0x70: {  	v51 =	vld [tilespmem:s28+$0x3860];
	v3 =	vshll.u32 v3, s25;
	v2 =	vand.u32 s24, v2  }
0x71: {  	v52 =	vld [tilespmem:s28+$0x3870];
	[tilespmem:s28+$0xB800] =	vst v2;
	v2 =	vand.u32 s24, v3;
	v3 =	vshll.u32 v47, s25  }
0x72: {  	[tilespmem:s28+$0xB810] =	vst v2;
	v2 =	vand.u32 s24, v3;
	v3 =	vshll.u32 v48, s25  }
0x73: {  	[tilespmem:s28+$0xB820] =	vst v2;
	v2 =	vand.u32 s24, v3;
	v3 =	vshll.u32 v49, s25  }
0x74: {  	[tilespmem:s28+$0xB830] =	vst v2;
	v2 =	vand.u32 s24, v3;
	v3 =	vshll.u32 v50, s25  }
0x75: {  	[tilespmem:s28+$0xB840] =	vst v2;
	v2 =	vand.u32 s24, v3;
	v3 =	vshll.u32 v51, s25  }
0x76: {  	[tilespmem:s28+$0xB850] =	vst v2;
	v2 =	vand.u32 s24, v3;
	v3 =	vshll.u32 v52, s25  }
0x77: {  	s31 =	rddreg [dreg:$0x7];
	[tilespmem:s28+$0xB860] =	vst v2;
	v2 =	vand.u32 s24, v3  }
0x78: {  	[tilespmem:s28+$0xB870] =	vst v2;
	s28 =	sor.u32 s31, s22  }
0x79: {  	v2 =	vld [tilespmem:s28+$0x3800]  }
0x7a: {  	v3 =	vld [tilespmem:s28+$0x3810]  }
0x7b: {  	v53 =	vld [tilespmem:s28+$0x3820];
	s29 =	spop (v2sf);
	(v2sf) =	vpush v1, $0x6  }
0x7c: {  	v54 =	vld [tilespmem:s28+$0x3830];
	s30 =	sshll.u32 s29, $0x4  }
0x7d: {  	s24 =	simm.s32 $0xFFFF0000;
	v55 =	vld [tilespmem:s28+$0x3840];
	p0 =	seq.s32 s29, $0x1;
	s25 =	ssub.s32 $0x10, s30  }
0x7e: {  	v56 =	vld [tilespmem:s28+$0x3850];
	s24 =	simm.s32 @!p0 $0xFFFFFFFF;
	v2 =	vshll.u32 v2, s25  }
0x7f: {  	v57 =	vld [tilespmem:s28+$0x3860];
	v3 =	vshll.u32 v3, s25;
	v2 =	vand.u32 s24, v2  }
0x80: {  	v58 =	vld [tilespmem:s28+$0x3870];
	[tilespmem:s28+$0xB800] =	vst v2;
	v2 =	vand.u32 s24, v3;
	v3 =	vshll.u32 v53, s25  }
0x81: {  	[tilespmem:s28+$0xB810] =	vst v2;
	v2 =	vand.u32 s24, v3;
	v3 =	vshll.u32 v54, s25  }
0x82: {  	[tilespmem:s28+$0xB820] =	vst v2;
	v2 =	vand.u32 s24, v3;
	v3 =	vshll.u32 v55, s25  }
0x83: {  	[tilespmem:s28+$0xB830] =	vst v2;
	v2 =	vand.u32 s24, v3;
	v3 =	vshll.u32 v56, s25  }
0x84: {  	[tilespmem:s28+$0xB840] =	vst v2;
	v2 =	vand.u32 s24, v3;
	v3 =	vshll.u32 v57, s25  }
0x85: {  	[tilespmem:s28+$0xB850] =	vst v2;
	v2 =	vand.u32 s24, v3;
	v3 =	vshll.u32 v58, s25  }
0x86: {  	s31 =	rddreg [dreg:$0x8];
	[tilespmem:s28+$0xB860] =	vst v2;
	v2 =	vand.u32 s24, v3  }
0x87: {  	[tilespmem:s28+$0xB870] =	vst v2;
	s28 =	sor.u32 s31, s22  }
0x88: {  	v2 =	vld [tilespmem:s28+$0x3800]  }
0x89: {  	v3 =	vld [tilespmem:s28+$0x3810]  }
0x8a: {  	v59 =	vld [tilespmem:s28+$0x3820];
	s29 =	spop (v2sf);
	(v2sf) =	vpush v1, $0x7  }
0x8b: {  	v60 =	vld [tilespmem:s28+$0x3830];
	s30 =	sshll.u32 s29, $0x4  }
0x8c: {  	s24 =	simm.s32 $0xFFFF0000;
	v61 =	vld [tilespmem:s28+$0x3840];
	p0 =	seq.s32 s29, $0x1;
	s25 =	ssub.s32 $0x10, s30  }
0x8d: {  	v62 =	vld [tilespmem:s28+$0x3850];
	s24 =	simm.s32 @!p0 $0xFFFFFFFF;
	v2 =	vshll.u32 v2, s25  }
0x8e: {  	v63 =	vld [tilespmem:s28+$0x3860];
	v3 =	vshll.u32 v3, s25;
	v2 =	vand.u32 s24, v2  }
0x8f: {  	v12 =	vld [tilespmem:s28+$0x3870];
	[tilespmem:s28+$0xB800] =	vst v2;
	v2 =	vand.u32 s24, v3;
	v3 =	vshll.u32 v59, s25  }
0x90: {  	[tilespmem:s28+$0xB810] =	vst v2;
	v2 =	vand.u32 s24, v3;
	v3 =	vshll.u32 v60, s25  }
0x91: {  	[tilespmem:s28+$0xB820] =	vst v2;
	v2 =	vand.u32 s24, v3;
	v3 =	vshll.u32 v61, s25  }
0x92: {  	[tilespmem:s28+$0xB830] =	vst v2;
	v2 =	vand.u32 s24, v3;
	v3 =	vshll.u32 v62, s25  }
0x93: {  	[tilespmem:s28+$0xB840] =	vst v2;
	v2 =	vand.u32 s24, v3;
	v3 =	vshll.u32 v63, s25  }
0x94: {  	[tilespmem:s28+$0xB850] =	vst v2;
	v2 =	vand.u32 s24, v3;
	v3 =	vshll.u32 v12, s25  }
0x95: {  	s31 =	rddreg [dreg:$0x9];
	[tilespmem:s28+$0xB860] =	vst v2;
	v2 =	vand.u32 s24, v3  }
0x96: {  	[tilespmem:s28+$0xB870] =	vst v2;
	s28 =	sor.u32 s31, s22  }
0x97: {  	v2 =	vld [tilespmem:s28+$0x3800]  }
0x98: {  	v3 =	vld [tilespmem:s28+$0x3810]  }
0x99: {  	v13 =	vld [tilespmem:s28+$0x3820];
	s29 =	spop (v2sf);
	(v2sf) =	vpush v1, $0x8  }
0x9a: {  	v14 =	vld [tilespmem:s28+$0x3830];
	s30 =	sshll.u32 s29, $0x4  }
0x9b: {  	s24 =	simm.s32 $0xFFFF0000;
	v15 =	vld [tilespmem:s28+$0x3840];
	p0 =	seq.s32 s29, $0x1;
	s25 =	ssub.s32 $0x10, s30  }
0x9c: {  	v16 =	vld [tilespmem:s28+$0x3850];
	s24 =	simm.s32 @!p0 $0xFFFFFFFF;
	v2 =	vshll.u32 v2, s25  }
0x9d: {  	v17 =	vld [tilespmem:s28+$0x3860];
	v3 =	vshll.u32 v3, s25;
	v2 =	vand.u32 s24, v2  }
0x9e: {  	v18 =	vld [tilespmem:s28+$0x3870];
	[tilespmem:s28+$0xB800] =	vst v2;
	v2 =	vand.u32 s24, v3;
	v3 =	vshll.u32 v13, s25  }
0x9f: {  	[tilespmem:s28+$0xB810] =	vst v2;
	v2 =	vand.u32 s24, v3;
	v3 =	vshll.u32 v14, s25  }
0xa0: {  	[tilespmem:s28+$0xB820] =	vst v2;
	v2 =	vand.u32 s24, v3;
	v3 =	vshll.u32 v15, s25  }
0xa1: {  	[tilespmem:s28+$0xB830] =	vst v2;
	v2 =	vand.u32 s24, v3;
	v3 =	vshll.u32 v16, s25  }
0xa2: {  	[tilespmem:s28+$0xB840] =	vst v2;
	v2 =	vand.u32 s24, v3;
	v3 =	vshll.u32 v17, s25  }
0xa3: {  	[tilespmem:s28+$0xB850] =	vst v2;
	v2 =	vand.u32 s24, v3;
	v3 =	vshll.u32 v18, s25  }
0xa4: {  	s31 =	rddreg [dreg:$0xa];
	[tilespmem:s28+$0xB860] =	vst v2;
	v2 =	vand.u32 s24, v3  }
0xa5: {  	[tilespmem:s28+$0xB870] =	vst v2;
	s28 =	sor.u32 s31, s22  }
0xa6: {  	v2 =	vld [tilespmem:s28+$0x3800]  }
0xa7: {  	v3 =	vld [tilespmem:s28+$0x3810]  }
0xa8: {  	v19 =	vld [tilespmem:s28+$0x3820];
	s29 =	spop (v2sf);
	(v2sf) =	vpush v1, $0x9  }
0xa9: {  	v20 =	vld [tilespmem:s28+$0x3830];
	s30 =	sshll.u32 s29, $0x4  }
0xaa: {  	s24 =	simm.s32 $0xFFFF0000;
	v21 =	vld [tilespmem:s28+$0x3840];
	p0 =	seq.s32 s29, $0x1;
	s25 =	ssub.s32 $0x10, s30  }
0xab: {  	v22 =	vld [tilespmem:s28+$0x3850];
	s24 =	simm.s32 @!p0 $0xFFFFFFFF;
	v2 =	vshll.u32 v2, s25  }
0xac: {  	v23 =	vld [tilespmem:s28+$0x3860];
	v3 =	vshll.u32 v3, s25;
	v2 =	vand.u32 s24, v2  }
0xad: {  	v24 =	vld [tilespmem:s28+$0x3870];
	[tilespmem:s28+$0xB800] =	vst v2;
	v2 =	vand.u32 s24, v3;
	v3 =	vshll.u32 v19, s25  }
0xae: {  	[tilespmem:s28+$0xB810] =	vst v2;
	v2 =	vand.u32 s24, v3;
	v3 =	vshll.u32 v20, s25  }
0xaf: {  	[tilespmem:s28+$0xB820] =	vst v2;
	v2 =	vand.u32 s24, v3;
	v3 =	vshll.u32 v21, s25  }
0xb0: {  	[tilespmem:s28+$0xB830] =	vst v2;
	v2 =	vand.u32 s24, v3;
	v3 =	vshll.u32 v22, s25  }
0xb1: {  	[tilespmem:s28+$0xB840] =	vst v2;
	v2 =	vand.u32 s24, v3;
	v3 =	vshll.u32 v23, s25  }
0xb2: {  	[tilespmem:s28+$0xB850] =	vst v2;
	v2 =	vand.u32 s24, v3;
	v3 =	vshll.u32 v24, s25  }
0xb3: {  	s31 =	rddreg [dreg:$0xb];
	[tilespmem:s28+$0xB860] =	vst v2;
	v2 =	vand.u32 s24, v3  }
0xb4: {  	[tilespmem:s28+$0xB870] =	vst v2;
	s28 =	sor.u32 s31, s22  }
0xb5: {  	v2 =	vld [tilespmem:s28+$0x3800]  }
0xb6: {  	v3 =	vld [tilespmem:s28+$0x3810]  }
0xb7: {  	v25 =	vld [tilespmem:s28+$0x3820];
	s29 =	spop (v2sf);
	(v2sf) =	vpush v1, $0xA  }
0xb8: {  	v26 =	vld [tilespmem:s28+$0x3830];
	s30 =	sshll.u32 s29, $0x4  }
0xb9: {  	s24 =	simm.s32 $0xFFFF0000;
	v27 =	vld [tilespmem:s28+$0x3840];
	p0 =	seq.s32 s29, $0x1;
	s25 =	ssub.s32 $0x10, s30  }
0xba: {  	v28 =	vld [tilespmem:s28+$0x3850];
	s24 =	simm.s32 @!p0 $0xFFFFFFFF;
	v2 =	vshll.u32 v2, s25  }
0xbb: {  	v29 =	vld [tilespmem:s28+$0x3860];
	v3 =	vshll.u32 v3, s25;
	v2 =	vand.u32 s24, v2  }
0xbc: {  	v30 =	vld [tilespmem:s28+$0x3870];
	[tilespmem:s28+$0xB800] =	vst v2;
	v2 =	vand.u32 s24, v3;
	v3 =	vshll.u32 v25, s25  }
0xbd: {  	[tilespmem:s28+$0xB810] =	vst v2;
	v2 =	vand.u32 s24, v3;
	v3 =	vshll.u32 v26, s25  }
0xbe: {  	[tilespmem:s28+$0xB820] =	vst v2;
	v2 =	vand.u32 s24, v3;
	v3 =	vshll.u32 v27, s25  }
0xbf: {  	[tilespmem:s28+$0xB830] =	vst v2;
	v2 =	vand.u32 s24, v3;
	v3 =	vshll.u32 v28, s25  }
0xc0: {  	[tilespmem:s28+$0xB840] =	vst v2;
	v2 =	vand.u32 s24, v3;
	v3 =	vshll.u32 v29, s25  }
0xc1: {  	[tilespmem:s28+$0xB850] =	vst v2;
	v2 =	vand.u32 s24, v3;
	v3 =	vshll.u32 v30, s25  }
0xc2: {  	s31 =	rddreg [dreg:$0xc];
	[tilespmem:s28+$0xB860] =	vst v2;
	v2 =	vand.u32 s24, v3  }
0xc3: {  	[tilespmem:s28+$0xB870] =	vst v2;
	s28 =	sor.u32 s31, s22  }
0xc4: {  	v2 =	vld [tilespmem:s28+$0x3800]  }
0xc5: {  	v3 =	vld [tilespmem:s28+$0x3810]  }
0xc6: {  	v31 =	vld [tilespmem:s28+$0x3820];
	s29 =	spop (v2sf);
	(v2sf) =	vpush v1, $0xB  }
0xc7: {  	v32 =	vld [tilespmem:s28+$0x3830];
	s30 =	sshll.u32 s29, $0x4  }
0xc8: {  	s24 =	simm.s32 $0xFFFF0000;
	v33 =	vld [tilespmem:s28+$0x3840];
	p0 =	seq.s32 s29, $0x1;
	s25 =	ssub.s32 $0x10, s30  }
0xc9: {  	v34 =	vld [tilespmem:s28+$0x3850];
	s24 =	simm.s32 @!p0 $0xFFFFFFFF;
	v2 =	vshll.u32 v2, s25  }
0xca: {  	v35 =	vld [tilespmem:s28+$0x3860];
	v3 =	vshll.u32 v3, s25;
	v2 =	vand.u32 s24, v2  }
0xcb: {  	v36 =	vld [tilespmem:s28+$0x3870];
	[tilespmem:s28+$0xB800] =	vst v2;
	v2 =	vand.u32 s24, v3;
	v3 =	vshll.u32 v31, s25  }
0xcc: {  	[tilespmem:s28+$0xB810] =	vst v2;
	v2 =	vand.u32 s24, v3;
	v3 =	vshll.u32 v32, s25  }
0xcd: {  	[tilespmem:s28+$0xB820] =	vst v2;
	v2 =	vand.u32 s24, v3;
	v3 =	vshll.u32 v33, s25  }
0xce: {  	[tilespmem:s28+$0xB830] =	vst v2;
	v2 =	vand.u32 s24, v3;
	v3 =	vshll.u32 v34, s25  }
0xcf: {  	[tilespmem:s28+$0xB840] =	vst v2;
	v2 =	vand.u32 s24, v3;
	v3 =	vshll.u32 v35, s25  }
0xd0: {  	[tilespmem:s28+$0xB850] =	vst v2;
	v2 =	vand.u32 s24, v3;
	v3 =	vshll.u32 v36, s25  }
0xd1: {  	s31 =	rddreg [dreg:$0xd];
	[tilespmem:s28+$0xB860] =	vst v2;
	v2 =	vand.u32 s24, v3  }
0xd2: {  	[tilespmem:s28+$0xB870] =	vst v2;
	s28 =	sor.u32 s31, s22  }
0xd3: {  	v2 =	vld [tilespmem:s28+$0x3800]  }
0xd4: {  	v3 =	vld [tilespmem:s28+$0x3810]  }
0xd5: {  	v37 =	vld [tilespmem:s28+$0x3820];
	s29 =	spop (v2sf);
	(v2sf) =	vpush v1, $0xC  }
0xd6: {  	v38 =	vld [tilespmem:s28+$0x3830];
	s30 =	sshll.u32 s29, $0x4  }
0xd7: {  	s24 =	simm.s32 $0xFFFF0000;
	v39 =	vld [tilespmem:s28+$0x3840];
	p0 =	seq.s32 s29, $0x1;
	s25 =	ssub.s32 $0x10, s30  }
0xd8: {  	v40 =	vld [tilespmem:s28+$0x3850];
	s24 =	simm.s32 @!p0 $0xFFFFFFFF;
	v2 =	vshll.u32 v2, s25  }
0xd9: {  	v41 =	vld [tilespmem:s28+$0x3860];
	v3 =	vshll.u32 v3, s25;
	v2 =	vand.u32 s24, v2  }
0xda: {  	v42 =	vld [tilespmem:s28+$0x3870];
	[tilespmem:s28+$0xB800] =	vst v2;
	v2 =	vand.u32 s24, v3;
	v3 =	vshll.u32 v37, s25  }
0xdb: {  	[tilespmem:s28+$0xB810] =	vst v2;
	v2 =	vand.u32 s24, v3;
	v3 =	vshll.u32 v38, s25  }
0xdc: {  	[tilespmem:s28+$0xB820] =	vst v2;
	v2 =	vand.u32 s24, v3;
	v3 =	vshll.u32 v39, s25  }
0xdd: {  	[tilespmem:s28+$0xB830] =	vst v2;
	v2 =	vand.u32 s24, v3;
	v3 =	vshll.u32 v40, s25  }
0xde: {  	[tilespmem:s28+$0xB840] =	vst v2;
	v2 =	vand.u32 s24, v3;
	v3 =	vshll.u32 v41, s25  }
0xdf: {  	[tilespmem:s28+$0xB850] =	vst v2;
	v2 =	vand.u32 s24, v3;
	v3 =	vshll.u32 v42, s25  }
0xe0: {  	s31 =	rddreg [dreg:$0xe];
	[tilespmem:s28+$0xB860] =	vst v2;
	v2 =	vand.u32 s24, v3  }
0xe1: {  	[tilespmem:s28+$0xB870] =	vst v2;
	s28 =	sor.u32 s31, s22  }
0xe2: {  	v2 =	vld [tilespmem:s28+$0x3800]  }
0xe3: {  	v3 =	vld [tilespmem:s28+$0x3810]  }
0xe4: {  	v43 =	vld [tilespmem:s28+$0x3820];
	s29 =	spop (v2sf);
	(v2sf) =	vpush v1, $0xD  }
0xe5: {  	v44 =	vld [tilespmem:s28+$0x3830];
	s30 =	sshll.u32 s29, $0x4  }
0xe6: {  	s24 =	simm.s32 $0xFFFF0000;
	v45 =	vld [tilespmem:s28+$0x3840];
	p0 =	seq.s32 s29, $0x1;
	s25 =	ssub.s32 $0x10, s30  }
0xe7: {  	v46 =	vld [tilespmem:s28+$0x3850];
	s24 =	simm.s32 @!p0 $0xFFFFFFFF;
	v2 =	vshll.u32 v2, s25  }
0xe8: {  	v47 =	vld [tilespmem:s28+$0x3860];
	v3 =	vshll.u32 v3, s25;
	v2 =	vand.u32 s24, v2  }
0xe9: {  	v48 =	vld [tilespmem:s28+$0x3870];
	[tilespmem:s28+$0xB800] =	vst v2;
	v2 =	vand.u32 s24, v3;
	v3 =	vshll.u32 v43, s25  }
0xea: {  	[tilespmem:s28+$0xB810] =	vst v2;
	v2 =	vand.u32 s24, v3;
	v3 =	vshll.u32 v44, s25  }
0xeb: {  	[tilespmem:s28+$0xB820] =	vst v2;
	v2 =	vand.u32 s24, v3;
	v3 =	vshll.u32 v45, s25  }
0xec: {  	[tilespmem:s28+$0xB830] =	vst v2;
	v2 =	vand.u32 s24, v3;
	v3 =	vshll.u32 v46, s25  }
0xed: {  	[tilespmem:s28+$0xB840] =	vst v2;
	v2 =	vand.u32 s24, v3;
	v3 =	vshll.u32 v47, s25  }
0xee: {  	[tilespmem:s28+$0xB850] =	vst v2;
	v2 =	vand.u32 s24, v3;
	v3 =	vshll.u32 v48, s25  }
0xef: {  	s31 =	rddreg [dreg:$0xf];
	[tilespmem:s28+$0xB860] =	vst v2;
	v2 =	vand.u32 s24, v3  }
0xf0: {  	s26 =	sor.u32 s31, s22;
	[tilespmem:s28+$0xB870] =	vst v2  }
0xf1: {  	v2 =	vld [tilespmem:s26+$0x3800]  }
0xf2: {  	v3 =	vld [tilespmem:s26+$0x3810]  }
0xf3: {  	v49 =	vld [tilespmem:s26+$0x3820];
	s28 =	spop (v2sf);
	(v2sf) =	vpush v1, $0xE  }
0xf4: {  	v50 =	vld [tilespmem:s26+$0x3830];
	s29 =	sshll.u32 s28, $0x4  }
0xf5: {  	s24 =	simm.s32 $0xFFFF0000;
	v51 =	vld [tilespmem:s26+$0x3840];
	p0 =	seq.s32 s28, $0x1;
	s25 =	ssub.s32 $0x10, s29  }
0xf6: {  	v52 =	vld [tilespmem:s26+$0x3850];
	s24 =	simm.s32 @!p0 $0xFFFFFFFF;
	v2 =	vshll.u32 v2, s25  }
0xf7: {  	v53 =	vld [tilespmem:s26+$0x3860];
	v3 =	vshll.u32 v3, s25;
	v2 =	vand.u32 s24, v2  }
0xf8: {  	v54 =	vld [tilespmem:s26+$0x3870];
	[tilespmem:s26+$0xB800] =	vst v2;
	v2 =	vand.u32 s24, v3;
	v3 =	vshll.u32 v49, s25  }
0xf9: {  	[tilespmem:s26+$0xB810] =	vst v2;
	v2 =	vand.u32 s24, v3;
	v3 =	vshll.u32 v50, s25  }
0xfa: {  	[tilespmem:s26+$0xB820] =	vst v2;
	v2 =	vand.u32 s24, v3;
	v3 =	vshll.u32 v51, s25  }
0xfb: {  	[tilespmem:s26+$0xB830] =	vst v2;
	v2 =	vand.u32 s24, v3;
	v3 =	vshll.u32 v52, s25  }
0xfc: {  	[tilespmem:s26+$0xB840] =	vst v2;
	v2 =	vand.u32 s24, v3;
	v3 =	vshll.u32 v53, s25  }
0xfd: {  	[tilespmem:s26+$0xB850] =	vst v2;
	v2 =	vand.u32 s24, v3;
	v3 =	vshll.u32 v54, s25  }
0xfe: {  	s30 =	rddreg [dreg:$0x10];
	[tilespmem:s26+$0xB860] =	vst v2;
	v2 =	vand.u32 s24, v3  }
0xff: {  	s31 =	sor.u32 s30, s22;
	[tilespmem:s26+$0xB870] =	vst v2  }
0x100: {  	v2 =	vld [tilespmem:s31+$0x3800]  }
0x101: {  	v3 =	vld [tilespmem:s31+$0x3810]  }
0x102: {  	v55 =	vld [tilespmem:s31+$0x3820];
	s26 =	spop (v2sf);
	(v2sf) =	vpush v1, $0xF  }
0x103: {  	v1 =	vld [tilespmem:s31+$0x3830];
	s28 =	sshll.u32 s26, $0x4  }
0x104: {  	s24 =	simm.s32 $0xFFFF0000;
	v56 =	vld [tilespmem:s31+$0x3840];
	p0 =	seq.s32 s26, $0x1;
	s25 =	ssub.s32 $0x10, s28  }
0x105: {  	v57 =	vld [tilespmem:s31+$0x3850];
	s24 =	simm.s32 @!p0 $0xFFFFFFFF;
	v2 =	vshll.u32 v2, s25  }
0x106: {  	v58 =	vld [tilespmem:s31+$0x3860];
	v3 =	vshll.u32 v3, s25;
	v2 =	vand.u32 s24, v2  }
0x107: {  	v59 =	vld [tilespmem:s31+$0x3870];
	[tilespmem:s31+$0xB800] =	vst v2;
	v2 =	vand.u32 s24, v3;
	v3 =	vshll.u32 v55, s25  }
0x108: {  	v1 =	vshll.u32 v1, s25;
	[tilespmem:s31+$0xB810] =	vst v2;
	v2 =	vand.u32 s24, v3  }
0x109: {  	v1 =	vand.u32 s24, v1;
	[tilespmem:s31+$0xB820] =	vst v2;
	v2 =	vshll.u32 v56, s25  }
0x10a: {  	[tilespmem:s31+$0xB830] =	vst v1;
	v1 =	vand.u32 s24, v2;
	v2 =	vshll.u32 v57, s25  }
0x10b: {  	[tilespmem:s31+$0xB840] =	vst v1;
	v1 =	vand.u32 s24, v2;
	v2 =	vshll.u32 v58, s25  }
0x10c: {  	v3 =	vshll.u32 v59, s25;
	[tilespmem:s31+$0xB850] =	vst v1;
	v1 =	vand.u32 s24, v2  }
0x10d: {  	s29 =	rddreg [dreg:$0x11];
	[tilespmem:s31+$0xB860] =	vst v1;
	v1 =	vand.u32 s24, v3  }
0x10e: {  	s22 =	sor.u32 s29, s22;
	[tilespmem:s31+$0xB870] =	vst v1  }
0x10f: {  	v1 =	vld [tilespmem:s22+$0x3800]  }
0x110: {  	v2 =	vld [tilespmem:s22+$0x3810]  }
0x111: {  	v3 =	vld [tilespmem:s22+$0x3820];
	s30 =	spop (v2sf)  }
0x112: {  	v60 =	vld [tilespmem:s22+$0x3830];
	s31 =	sshll.u32 s30, $0x4  }
0x113: {  	s23 =	simm.s32 $0xFFFF0000;
	v61 =	vld [tilespmem:s22+$0x3840];
	p0 =	seq.s32 s30, $0x1;
	s24 =	ssub.s32 $0x10, s31  }
0x114: {  	v62 =	vld [tilespmem:s22+$0x3850];
	s23 =	simm.s32 @!p0 $0xFFFFFFFF;
	v1 =	vshll.u32 v1, s24  }
0x115: {  	v63 =	vld [tilespmem:s22+$0x3860];
	v2 =	vshll.u32 v2, s24;
	v1 =	vand.u32 s23, v1  }
0x116: {  	[tilespmem:s22+$0xB800] =	vst v1;
	v1 =	vand.u32 s23, v2;
	v2 =	vshll.u32 v3, s24;
	v3 =	vld [tilespmem:s22+$0x3870]  }
0x117: {  	[tilespmem:s22+$0xB810] =	vst v1;
	v1 =	vand.u32 s23, v2;
	v2 =	vshll.u32 v60, s24  }
0x118: {  	p0 =	sne.s32 s21, $0x7;
	[tilespmem:s22+$0xB820] =	vst v1;
	v1 =	vand.u32 s23, v2;
	v2 =	vshll.u32 v61, s24  }
.Ltmp0:
0x119: {  	[tilespmem:s22+$0xB830] =	vst v1;
	v1 =	vand.u32 s23, v2;
	v2 =	vshll.u32 v62, s24;
	(pc) =	sbr.rel @p0 .LBB2_3-.Ltmp0, $4  }
0x11a: {  	[tilespmem:s22+$0xB840] =	vst v1;
	v1 =	vand.u32 s23, v2;
	v2 =	vshll.u32 v63, s24  }
0x11b: {  	[tilespmem:s22+$0xB850] =	vst v1;
	v1 =	vand.u32 s23, v2;
	v2 =	vshll.u32 v3, s24  }
0x11c: {  	[tilespmem:s22+$0xB860] =	vst v1;
	v1 =	vand.u32 s23, v2  }
0x11d: {  	s21 =	sadd.s32 $0x1, s21;
	[tilespmem:s22+$0xB870] =	vst v1  }
0x11e: {  	p0 =	sgt.u32 s17, $0x2F;
	s18 =	sshll.u32 s18, $0x10;
	s31 =	sshll.u32 s17, $0xE  }
0x11f: {  	s17 =	sadd.s32 $0x1, s17;
	s19 =	sshrl.u32 @!p0 s18, $0x2;
	s20 =	sshrl.u32 @!p0 s20, $0x2  }
0x120: {  	s21 =	simm.s32 @!p0 $0x80;
	s19 =	sadd.s32 @!p0 $0x3800, s19;
	s20 =	sadd.s32 @!p0 $0x100, s20  }
0x121: {  	[tilespmem:s19], [sflag:$0x1] =	stream.indirect.gather @!p0 [hbm4b:s4+s21], $0x80, s20, s21, $0xb8;
	[tilespmem:$0x13800] =	vst v63  }
0x122: {  	p0 =	sne.s32 s17, $0x32  }
.Ltmp1:
0x123: {  	_ = 	snop;
	(pc) =	sbr.rel @p0 .LBB2_2-.Ltmp1, $4  }
0x124: {  	s19 =	sadd.s32 s7, s31  }
0x125: {  	s18 =	sshrl.u32 s18, $0x2;
	s19 =	sshrl.u32 s19, $0x3  }
0x126: {  	s18 =	sadd.s32 $0xB800, s18;
	s19 =	sadd.s32 s2, s19  }
0x127: {  	[hbm4b:s19+s3] =	stream.linear.scatter [tilespmem:s18], [sflag:$0x2], $0x4000, $0x38;
	[tilespmem:$0x13800] =	vst v63  }
0x128: {  	s16 =	sadd.s32 $0x1, s16  }
0x129: {  	_ =	swait.ge [sflag:s15], $0x4000;
	p0 =	sne.s32 s16, s8  }
.Ltmp2:
0x12a: {  	[sflag:s15] =	ssyncset.done $0x0;
	(pc) =	sbr.rel @p0 .LBB2_1-.Ltmp2, $4  }
0x12b: {  	[sflag:s15] =	ssyncadd.s32 $0xFFFFC000  }
0x12c: {  	_ =	swait.ge [sflag:s15], $0x4000  }
0x12d: {  	[sflag:s15] =	ssyncset.done $0x0  }
0x12e: {  	[sflag:s15] =	ssyncadd.s32 $0xFFFFC000  }
0x12f: {  	_ =	sfence.sel $0x180000  }
0x130: {  	[bflag:$0x0] =	sbarrier.arrive $0xFFFF  }
0x131: {  	p0 =	sne.s32 s0, $0x0;
	_ =	strace $0x90000047  }
0x132: {  	s0 =	sadd.s32 @!p0 $0x100000, s1;
	[bflag:$0x2] =	sbarrier.arrive $0xFFFF  }
0x133: {  	[sflag:s0] =	ssyncadd.tile.s32 @!p0 $0x1;
	_ =	shalt  }
.Lfunc_end2:
_tile_overlayer_lowered:
.L_overlay_start_2:
0x134: {  	(tag) =	ssettag $0x2  }
0x135: {  	s0 =	rddreg [dreg:$0x0];
	s2 =	stileid.u32  }
0x136: {  	s1 =	rddreg [dreg:$0x1];
	p0 =	sne.s32 s2, $0x0  }
0x137: {  	s3 =	rddreg [dreg:$0x2];
	[bflag:$0x3] =	sbarrier.arrive $0xFFFF;
	s2 =	simm.s32 @!p0 $0x1C03  }
0x138: {  	[timem:s3], [sflag:s2] =	dma.local @!p0 [hbm:s0], s1  }
0x139: {  	s0 =	simm.s32 @!p0 $0x3  }
0x13a: {  	_ =	swait.ge @!p0 [sflag:s0], s1  }
0x13b: {  	s1 =	ssub.s32 @!p0 $0x0, s1;
	[sflag:s0] =	ssyncset.done @!p0 $0x0  }
0x13c: {  	[sflag:s0] =	ssyncadd.s32 @!p0 s1  }
0x13d: {  	[bflag:$0x3] =	sbarrier.arrive $0xFFFF  }
0x13e: {  	_ =	shalt  }

</sc_bundles>
